<compile_context>
chip_gen: v7x
topology: tpu7x:2x2x1
jax: 0.10.2.dev20260603
libtpu: 0.0.44.dev20260713+nightly
codegen_flags: <defaults>
</compile_context>

<pallas_src>
import functools

import jax
import jax.numpy as jnp
from jax import lax
from jax.experimental import pallas as pl
from jax.experimental.pallas import tpu as pltpu
from jax.experimental.pallas import tpu_sc as plsc

V = 30000
D = 256
H = 256
B = 16
U = 15
W = 30
NROW = B * (U + 1)
P = NROW * W
NW = 32
RPW = P // NW
NPW = NROW // NW
CHUNK = 80
WPC = CHUNK // NPW
TCH = 10
NCH = W // TCH


def _sc_gather(toks, ctx_len, emb):
    mesh = plsc.VectorSubcoreMesh(core_axis_name="c", subcore_axis_name="s")

    @functools.partial(
        pl.kernel,
        out_type=jax.ShapeDtypeStruct((W, NROW, D), jnp.float32),
        mesh=mesh,
        compiler_params=pltpu.CompilerParams(needs_layout_passes=False),
        scratch_types=[
            pltpu.VMEM((P,), jnp.int32),
            pltpu.VMEM((128,), jnp.int32),
            pltpu.VMEM((RPW,), jnp.int32),
            pltpu.VMEM((RPW, D), jnp.float32),
            pltpu.SemaphoreType.DMA,
            pltpu.SemaphoreType.DMA,
        ],
    )
    def sc_kernel(toks_hbm, len_hbm, emb_hbm, x_hbm,
                  toks_v, len_v, idx_v, rows_v, gsem, osem):
        wid = lax.axis_index("s") * 2 + lax.axis_index("c")
        n0 = wid * NPW
        pltpu.sync_copy(toks_hbm, toks_v)
        pltpu.sync_copy(len_hbm, len_v.at[pl.ds(0, B)])
        lane = lax.iota(jnp.int32, 16)
        us = n0 >> 4
        b = (n0 & 15) + (lane & 7)
        lb = plsc.load_gather(len_v, [b])
        su = jnp.maximum(jnp.where(us < lb, us, us - 1), 0)
        off0 = jnp.where(lb == us,
                         B * U * W + b * W,
                         b * (U * W) + su * W)
        wbase = lane >> 3
        out_descs = []
        for c in range(RPW // CHUNK):
            for i in range(CHUNK // 16):
                w = c * WPC + 2 * i + wbase
                idx_v[pl.ds(c * CHUNK + i * 16, 16)] = plsc.load_gather(
                    toks_v, [off0 + w])
            gd = pltpu.async_copy(
                emb_hbm.at[idx_v.at[pl.ds(c * CHUNK, CHUNK)]],
                rows_v.at[pl.ds(c * CHUNK, CHUNK)],
                gsem,
            )
            if c > 0:
                for w in range((c - 1) * WPC, c * WPC):
                    out_descs.append(pltpu.async_copy(
                        rows_v.at[pl.ds(w * NPW, NPW)],
                        x_hbm.at[w, pl.ds(n0, NPW)],
                        osem,
                    ))
            gd.wait()
        for w in range((RPW // CHUNK - 1) * WPC, W):
            out_descs.append(pltpu.async_copy(
                rows_v.at[pl.ds(w * NPW, NPW)],
                x_hbm.at[w, pl.ds(n0, NPW)],
                osem,
            ))
        for d in out_descs:
            d.wait()

    return sc_kernel(toks, ctx_len, emb)


def _tc_gru(x_tm, cul, ql, ctx_len, wx_u, wh_u, b_u, wx_c, wh_c, b_c):

    def sg(a):
        return 0.5 + 0.5 * jnp.tanh(0.5 * a)

    def col16(row):
        eye = (lax.broadcasted_iota(jnp.int32, (B, B), 0)
               == lax.broadcasted_iota(jnp.int32, (B, B), 1)).astype(jnp.float32)
        return jnp.dot(eye * row, jnp.ones((B, 1), jnp.float32),
                       preferred_element_type=jnp.float32)

    def tc_kernel(x_ref, cul_ref, ql_ref, cl_ref, wxu_ref, whu_ref, bu_ref,
                  wxc_ref, whc_ref, bc_ref, out_ref, h_ref, len_ref):
        i = pl.program_id(0)

        @pl.when(i == 0)
        def _():
            h_ref[...] = jnp.zeros((NROW, H), jnp.float32)
            qlc = col16(ql_ref[...].astype(jnp.float32).reshape(1, B))
            cc = jnp.concatenate(
                [cul_ref[...].astype(jnp.float32), qlc], axis=1)
            rows = lax.broadcasted_iota(jnp.int32, (NROW, B), 0)
            cols = lax.broadcasted_iota(jnp.int32, (NROW, B), 1)
            sb = ((rows & 15) == cols).astype(jnp.float32)
            mu = ((rows >> 4) == cols).astype(jnp.float32)
            len_ref[...] = jnp.dot(
                jnp.dot(sb, cc, preferred_element_type=jnp.float32) * mu,
                jnp.ones((B, 1), jnp.float32),
                preferred_element_type=jnp.float32)

        whu = whu_ref[...].astype(jnp.bfloat16)
        lenv = len_ref[...]
        gxc = (jnp.dot(x_ref[...].reshape(TCH * NROW, D).astype(jnp.bfloat16),
                       wxu_ref[...].astype(jnp.bfloat16),
                       preferred_element_type=jnp.float32) + bu_ref[...])
        h = h_ref[...]
        for tl in range(TCH):
            gx = gxc[tl * NROW:(tl + 1) * NROW, :]
            gh = jnp.dot(h.astype(jnp.bfloat16), whu,
                         preferred_element_type=jnp.float32)
            r = sg(gx[:, :H] + gh[:, :H])
            z = sg(gx[:, H:2 * H] + gh[:, H:2 * H])
            nn = jnp.tanh(gx[:, 2 * H:] + r * gh[:, 2 * H:])
            t = i * TCH + tl
            h = jnp.where(lenv > t, nn + z * (h - nn), h)
        h_ref[...] = h

        @pl.when(i == NCH - 1)
        def _():
            g2 = (jnp.dot(h.astype(jnp.bfloat16),
                          wxc_ref[...].astype(jnp.bfloat16),
                          preferred_element_type=jnp.float32) + bc_ref[...])
            whc = whc_ref[...].astype(jnp.bfloat16)
            clv = col16(cl_ref[...].astype(jnp.float32).reshape(1, B))
            h2 = jnp.zeros((B, H), jnp.float32)
            for s in range(U + 1):
                gx2 = g2[s * B:(s + 1) * B, :]
                gh2 = jnp.dot(h2.astype(jnp.bfloat16), whc,
                          preferred_element_type=jnp.float32)
                r2 = sg(gx2[:, :H] + gh2[:, :H])
                z2 = sg(gx2[:, H:2 * H] + gh2[:, H:2 * H])
                n2 = jnp.tanh(gx2[:, 2 * H:] + r2 * gh2[:, 2 * H:])
                h2 = jnp.where(clv >= s, n2 + z2 * (h2 - n2), h2)
            out_ref[...] = h2

    full = lambda shape: pl.BlockSpec(shape, lambda i: tuple(0 for _ in shape))
    return pl.pallas_call(
        tc_kernel,
        grid=(NCH,),
        in_specs=[
            pl.BlockSpec((TCH, NROW, D), lambda i: (i, 0, 0)),
            full((B, U)),
            full((B,)),
            full((B,)),
            full((D, 3 * H)),
            full((H, 3 * H)),
            full((3 * H,)),
            full((H, 3 * H)),
            full((H, 3 * H)),
            full((3 * H,)),
        ],
        out_specs=full((B, H)),
        out_shape=jax.ShapeDtypeStruct((B, H), jnp.float32),
        scratch_shapes=[pltpu.VMEM((NROW, H), jnp.float32),
                        pltpu.VMEM((NROW, 1), jnp.float32)],
    )(x_tm, cul, ql, ctx_len, wx_u, wh_u, b_u, wx_c, wh_c, b_c)


def kernel(contexts, context_utterance_lengths, context_lengths, queries,
           query_lengths, emb, Wx_u, Wh_u, b_u, Wx_c, Wh_c, b_c):
    toks = jnp.concatenate([contexts.reshape(-1), queries.reshape(-1)])
    x_tm = _sc_gather(toks, context_lengths, emb)
    return _tc_gru(x_tm, context_utterance_lengths, query_lengths,
                   context_lengths, Wx_u, Wh_u, b_u, Wx_c, Wh_c, b_c)

# --- scband reference (transcript-rebuilt; emitter-appended) ---
"""Pipeline reference for scband-input-encoder-11733850652740 (READ-ONLY COPY).

The authoritative reference and input builder live on the scoring server;
editing this copy changes nothing except your own understanding.
"""

import jax, jax.numpy as jnp
import numpy as np

V = 30000
D = 256
H = 256
B = 16
U = 15
W = 30


def gru(x, Wx, Wh, b):
    # x: [N, T, D_in] -> all hidden states [N, T, H]
    N = x.shape[0]
    Hd = Wh.shape[0]
    h0 = jnp.zeros((N, Hd), dtype=x.dtype)

    def step(h, xt):
        gx = xt @ Wx + b
        gh = h @ Wh
        xr, xz, xn = jnp.split(gx, 3, axis=-1)
        hr, hz, hn = jnp.split(gh, 3, axis=-1)
        r = jax.nn.sigmoid(xr + hr)
        z = jax.nn.sigmoid(xz + hz)
        n = jnp.tanh(xn + r * hn)
        one = jnp.asarray(1.0, dtype=h.dtype)
        h_new = ((one - z) * n + z * h).astype(h.dtype)
        return h_new, h_new

    _, hs = jax.lax.scan(step, h0, jnp.swapaxes(x, 0, 1))
    return jnp.swapaxes(hs, 0, 1)


def setup_inputs(seed: int = 0) -> dict:
    key = jax.random.key(seed)
    ks = jax.random.split(key, 12)
    contexts = jax.random.randint(ks[0], (B, U, W), 0, V, dtype=jnp.int32)
    context_utterance_lengths = jax.random.randint(ks[1], (B, U), 0, W + 1, dtype=jnp.int32)
    context_lengths = jax.random.randint(ks[2], (B,), 0, U + 1, dtype=jnp.int32)
    queries = jax.random.randint(ks[3], (B, W), 0, V, dtype=jnp.int32)
    query_lengths = jax.random.randint(ks[4], (B,), 0, W + 1, dtype=jnp.int32)
    emb = jax.random.normal(ks[5], (V, D), dtype=jnp.float32) * 0.02
    s1 = 1.0 / np.sqrt(D)
    s2 = 1.0 / np.sqrt(H)
    Wx_u = jax.random.normal(ks[6], (D, 3 * H), dtype=jnp.float32) * s1
    Wh_u = jax.random.normal(ks[7], (H, 3 * H), dtype=jnp.float32) * s2
    b_u = jnp.zeros((3 * H,), dtype=jnp.float32)
    Wx_c = jax.random.normal(ks[8], (H, 3 * H), dtype=jnp.float32) * s2
    Wh_c = jax.random.normal(ks[9], (H, 3 * H), dtype=jnp.float32) * s2
    b_c = jnp.zeros((3 * H,), dtype=jnp.float32)
    return {
        "contexts": contexts,
        "context_utterance_lengths": context_utterance_lengths,
        "context_lengths": context_lengths,
        "queries": queries,
        "query_lengths": query_lengths,
        "emb": emb,
        "Wx_u": Wx_u,
        "Wh_u": Wh_u,
        "b_u": b_u,
        "Wx_c": Wx_c,
        "Wh_c": Wh_c,
        "b_c": b_c,
    }


def reference(contexts, context_utterance_lengths, context_lengths, queries, query_lengths,
              emb, Wx_u, Wh_u, b_u, Wx_c, Wh_c, b_c):
    Bb, Uu, Ww = contexts.shape
    L = context_lengths
    idx = jnp.arange(Uu + 1)[None, :]
    # insert query utterance at position L[b] in each dialog (faithful to the python loop)
    src = jnp.clip(jnp.where(idx < L[:, None], idx, idx - 1), 0, Uu - 1)
    gathered = jnp.take_along_axis(contexts, jnp.broadcast_to(src[:, :, None], (Bb, Uu + 1, Ww)), axis=1)
    combined = jnp.where((idx == L[:, None])[:, :, None], queries[:, None, :], gathered)
    combined_ul = jnp.concatenate([context_utterance_lengths, query_lengths[:, None]], axis=1)
    combined_cl = L + 1
    # utterance-level encoding: GRU over words, grab hidden at len-1, zero out empty utterances
    flat_tok = combined.reshape(-1, Ww)
    flat_len = combined_ul.reshape(-1)
    x = emb[flat_tok]
    hs = gru(x, Wx_u, Wh_u, b_u)
    t = jnp.clip(flat_len - 1, 0, Ww - 1)
    u = jnp.take_along_axis(hs, jnp.broadcast_to(t[:, None, None], (hs.shape[0], 1, hs.shape[2])), axis=1)[:, 0, :]
    u = u * (flat_len > 0).astype(u.dtype)[:, None]
    u = u.reshape(Bb, Uu + 1, -1)
    # context-level encoding: GRU over utterance embeddings, grab hidden at ctx_len-1
    hs2 = gru(u, Wx_c, Wh_c, b_c)
    t2 = jnp.clip(combined_cl - 1, 0, Uu)
    c = jnp.take_along_axis(hs2, jnp.broadcast_to(t2[:, None, None], (Bb, 1, hs2.shape[2])), axis=1)[:, 0, :]
    c = c * (combined_cl > 0).astype(c.dtype)[:, None]
    return c

if __name__ == "__main__":
    import jax
    _d = setup_inputs()
    print(jax.jit(kernel)(*tuple(_d.values())))

</pallas_src>

<mosaic_0001>
#map = affine_map<(d0, d1) -> (0)>
#map1 = affine_map<(d0, d1) -> (0, 0)>
#map2 = affine_map<(d0, d1) -> (0, 0, 0)>
module attributes {stable_mosaic.version = 14 : i64} {
  func.func @sc_kernel(%arg0: i32, %arg1: i32, %arg2: memref<7680xi32, #tpu.memory_space<hbm>>, %arg3: memref<16xi32, #tpu.memory_space<hbm>>, %arg4: memref<30000x256xf32, #tpu.memory_space<hbm>>, %arg5: memref<30x256x256xf32, #tpu.memory_space<hbm>>, %arg6: memref<7680xi32, #tpu.memory_space<vmem>>, %arg7: memref<128xi32, #tpu.memory_space<vmem>>, %arg8: memref<240xi32, #tpu.memory_space<vmem>>, %arg9: memref<240x256xf32, #tpu.memory_space<vmem>>, %arg10: memref<!tpu.dma_semaphore, #tpu.memory_space<semaphore_mem>>, %arg11: memref<!tpu.dma_semaphore, #tpu.memory_space<semaphore_mem>>) attributes {dimension_semantics = [#tpu.dimension_semantics<core_parallel>, #tpu.dimension_semantics<subcore_parallel>], iteration_bounds = array<i64: 2, 16>, scalar_prefetch = 0 : i64, scratch_operands = 6 : i64, tpu.core_type = #tpu.core_type<sc_vector_subcore>, window_params = [{transform_indices = #map}, {transform_indices = #map}, {transform_indices = #map1}, {transform_indices = #map2}]} {
    %mul3A = arith.constant 2 : i32
    %mul3A_0 = arith.muli %arg1, %mul3A : i32
    %add3A = arith.addi %mul3A_0, %arg0 : i32
    %mul3A_1 = arith.constant 8 : i32
    %mul3A_2 = arith.muli %add3A, %mul3A_1 : i32
    "tpu.region"() ({
      %run_scoped3A = tpu.sem_alloc : memref<!tpu.dma_semaphore, #tpu.memory_space<semaphore_mem>>
      tpu.enqueue_dma source(%arg2 : memref<7680xi32, #tpu.memory_space<hbm>>) target(%arg6 : memref<7680xi32, #tpu.memory_space<vmem>>) target_semaphore(%run_scoped3A : memref<!tpu.dma_semaphore, #tpu.memory_space<semaphore_mem>>)
      tpu.wait_dma2 semaphore(%run_scoped3A : memref<!tpu.dma_semaphore, #tpu.memory_space<semaphore_mem>>) src(%arg2 : memref<7680xi32, #tpu.memory_space<hbm>>) dst(%arg6 : memref<7680xi32, #tpu.memory_space<vmem>>)
      tpu.yield
    }) : () -> ()
    "tpu.region"() ({
      %run_scoped3A = tpu.sem_alloc : memref<!tpu.dma_semaphore, #tpu.memory_space<semaphore_mem>>
      %dma_start3A_963 = arith.constant 0 : i32
      %dma_start3A_964 = tpu.memref_slice %arg7[%dma_start3A_963] : memref<128xi32, #tpu.memory_space<vmem>> -> memref<16xi32, #tpu.memory_space<vmem>>
      %dma_start3A_965 = arith.constant 0 : i32
      %dma_start3A_966 = tpu.memref_slice %arg7[%dma_start3A_965] : memref<128xi32, #tpu.memory_space<vmem>> -> memref<16xi32, #tpu.memory_space<vmem>>
      tpu.enqueue_dma source(%arg3 : memref<16xi32, #tpu.memory_space<hbm>>) target(%dma_start3A_966 : memref<16xi32, #tpu.memory_space<vmem>>) target_semaphore(%run_scoped3A : memref<!tpu.dma_semaphore, #tpu.memory_space<semaphore_mem>>)
      %dma_wait3A_967 = arith.constant 0 : i32
      %dma_wait3A_968 = tpu.memref_slice %arg7[%dma_wait3A_967] : memref<128xi32, #tpu.memory_space<vmem>> -> memref<16xi32, #tpu.memory_space<vmem>>
      %dma_wait3A_969 = arith.constant 0 : i32
      %dma_wait3A_970 = tpu.memref_slice %arg7[%dma_wait3A_969] : memref<128xi32, #tpu.memory_space<vmem>> -> memref<16xi32, #tpu.memory_space<vmem>>
      tpu.wait_dma2 semaphore(%run_scoped3A : memref<!tpu.dma_semaphore, #tpu.memory_space<semaphore_mem>>) src(%arg3 : memref<16xi32, #tpu.memory_space<hbm>>) dst(%dma_wait3A_970 : memref<16xi32, #tpu.memory_space<vmem>>)
      tpu.yield
    }) : () -> ()
    %iota3A = tpu.iota {dimensions = array<i32: 0>} : vector<16xi32>
    %shift_right_arithmetic3A = arith.constant 4 : i32
    %shift_right_arithmetic3A_3 = arith.shrsi %mul3A_2, %shift_right_arithmetic3A : i32
    %and3A = arith.constant 15 : i32
    %and3A_4 = arith.andi %mul3A_2, %and3A : i32
    %and3A_5 = arith.constant 7 : i32
    %and3A_6 = vector.broadcast %and3A_5 : i32 to vector<16xi32>
    %and3A_7 = arith.andi %iota3A, %and3A_6 : vector<16xi32>
    %add3A_8 = vector.broadcast %and3A_4 : i32 to vector<16xi32>
    %add3A_9 = arith.addi %add3A_8, %and3A_7 : vector<16xi32>
    %gather3A = tpu.vector_load_idx %arg7[%add3A_9] : memref<128xi32, #tpu.memory_space<vmem>>[vector<16xi32>], vector<16xi32>,
    %lt3A = vector.broadcast %shift_right_arithmetic3A_3 : i32 to vector<16xi32>
    %lt3A_10 = arith.cmpi slt, %lt3A, %gather3A : vector<16xi32>
    %sub3A = arith.constant 1 : i32
    %sub3A_11 = arith.subi %shift_right_arithmetic3A_3, %sub3A : i32
    %broadcast_in_dim3A = vector.broadcast %shift_right_arithmetic3A_3 : i32 to vector<16xi32>
    %broadcast_in_dim3A_12 = vector.broadcast %sub3A_11 : i32 to vector<16xi32>
    %select_n3A = arith.select %lt3A_10, %broadcast_in_dim3A, %broadcast_in_dim3A_12 : vector<16xi1>, vector<16xi32>
    %max3A = arith.constant 0 : i32
    %max3A_13 = vector.broadcast %max3A : i32 to vector<16xi32>
    %max3A_14 = arith.maxsi %select_n3A, %max3A_13 : vector<16xi32>
    %eq3A = vector.broadcast %shift_right_arithmetic3A_3 : i32 to vector<16xi32>
    %eq3A_15 = arith.cmpi eq, %gather3A, %eq3A : vector<16xi32>
    %mul3A_16 = arith.constant 30 : i32
    %mul3A_17 = vector.broadcast %mul3A_16 : i32 to vector<16xi32>
    %mul3A_18 = arith.muli %add3A_9, %mul3A_17 : vector<16xi32>
    %add3A_19 = arith.constant 7200 : i32
    %add3A_20 = vector.broadcast %add3A_19 : i32 to vector<16xi32>
    %add3A_21 = arith.addi %add3A_20, %mul3A_18 : vector<16xi32>
    %mul3A_22 = arith.constant 450 : i32
    %mul3A_23 = vector.broadcast %mul3A_22 : i32 to vector<16xi32>
    %mul3A_24 = arith.muli %add3A_9, %mul3A_23 : vector<16xi32>
    %mul3A_25 = arith.constant 30 : i32
    %mul3A_26 = vector.broadcast %mul3A_25 : i32 to vector<16xi32>
    %mul3A_27 = arith.muli %max3A_14, %mul3A_26 : vector<16xi32>
    %add3A_28 = arith.addi %mul3A_24, %mul3A_27 : vector<16xi32>
    %select_n3A_29 = arith.select %eq3A_15, %add3A_21, %add3A_28 : vector<16xi1>, vector<16xi32>
    %shift_right_arithmetic3A_30 = arith.constant 3 : i32
    %shift_right_arithmetic3A_31 = vector.broadcast %shift_right_arithmetic3A_30 : i32 to vector<16xi32>
    %shift_right_arithmetic3A_32 = arith.shrsi %iota3A, %shift_right_arithmetic3A_31 : vector<16xi32>
    %add3A_33 = arith.constant 0 : i32
    %add3A_34 = vector.broadcast %add3A_33 : i32 to vector<16xi32>
    %add3A_35 = arith.addi %add3A_34, %shift_right_arithmetic3A_32 : vector<16xi32>
    %add3A_36 = arith.addi %select_n3A_29, %add3A_35 : vector<16xi32>
    %gather3A_37 = tpu.vector_load_idx %arg6[%add3A_36] : memref<7680xi32, #tpu.memory_space<vmem>>[vector<16xi32>], vector<16xi32>,
    %swap3A = arith.constant 0 : index
    %swap3A_38 = tpu.vector_load %arg8[%swap3A] {strides = array<i32>} : memref<240xi32, #tpu.memory_space<vmem>>, vector<16xi32>,
    tpu.vector_store %arg8[%swap3A], %gather3A_37 {strides = array<i32>} : memref<240xi32, #tpu.memory_space<vmem>>, vector<16xi32>,
    %add3A_39 = arith.constant 2 : i32
    %add3A_40 = vector.broadcast %add3A_39 : i32 to vector<16xi32>
    %add3A_41 = arith.addi %add3A_40, %shift_right_arithmetic3A_32 : vector<16xi32>
    %add3A_42 = arith.addi %select_n3A_29, %add3A_41 : vector<16xi32>
    %gather3A_43 = tpu.vector_load_idx %arg6[%add3A_42] : memref<7680xi32, #tpu.memory_space<vmem>>[vector<16xi32>], vector<16xi32>,
    %swap3A_44 = arith.constant 16 : index
    %swap3A_45 = tpu.vector_load %arg8[%swap3A_44] {strides = array<i32>} : memref<240xi32, #tpu.memory_space<vmem>>, vector<16xi32>,
    tpu.vector_store %arg8[%swap3A_44], %gather3A_43 {strides = array<i32>} : memref<240xi32, #tpu.memory_space<vmem>>, vector<16xi32>,
    %add3A_46 = arith.constant 4 : i32
    %add3A_47 = vector.broadcast %add3A_46 : i32 to vector<16xi32>
    %add3A_48 = arith.addi %add3A_47, %shift_right_arithmetic3A_32 : vector<16xi32>
    %add3A_49 = arith.addi %select_n3A_29, %add3A_48 : vector<16xi32>
    %gather3A_50 = tpu.vector_load_idx %arg6[%add3A_49] : memref<7680xi32, #tpu.memory_space<vmem>>[vector<16xi32>], vector<16xi32>,
    %swap3A_51 = arith.constant 32 : index
    %swap3A_52 = tpu.vector_load %arg8[%swap3A_51] {strides = array<i32>} : memref<240xi32, #tpu.memory_space<vmem>>, vector<16xi32>,
    tpu.vector_store %arg8[%swap3A_51], %gather3A_50 {strides = array<i32>} : memref<240xi32, #tpu.memory_space<vmem>>, vector<16xi32>,
    %add3A_53 = arith.constant 6 : i32
    %add3A_54 = vector.broadcast %add3A_53 : i32 to vector<16xi32>
    %add3A_55 = arith.addi %add3A_54, %shift_right_arithmetic3A_32 : vector<16xi32>
    %add3A_56 = arith.addi %select_n3A_29, %add3A_55 : vector<16xi32>
    %gather3A_57 = tpu.vector_load_idx %arg6[%add3A_56] : memref<7680xi32, #tpu.memory_space<vmem>>[vector<16xi32>], vector<16xi32>,
    %swap3A_58 = arith.constant 48 : index
    %swap3A_59 = tpu.vector_load %arg8[%swap3A_58] {strides = array<i32>} : memref<240xi32, #tpu.memory_space<vmem>>, vector<16xi32>,
    tpu.vector_store %arg8[%swap3A_58], %gather3A_57 {strides = array<i32>} : memref<240xi32, #tpu.memory_space<vmem>>, vector<16xi32>,
    %add3A_60 = arith.constant 8 : i32
    %add3A_61 = vector.broadcast %add3A_60 : i32 to vector<16xi32>
    %add3A_62 = arith.addi %add3A_61, %shift_right_arithmetic3A_32 : vector<16xi32>
    %add3A_63 = arith.addi %select_n3A_29, %add3A_62 : vector<16xi32>
    %gather3A_64 = tpu.vector_load_idx %arg6[%add3A_63] : memref<7680xi32, #tpu.memory_space<vmem>>[vector<16xi32>], vector<16xi32>,
    %swap3A_65 = arith.constant 64 : index
    %swap3A_66 = tpu.vector_load %arg8[%swap3A_65] {strides = array<i32>} : memref<240xi32, #tpu.memory_space<vmem>>, vector<16xi32>,
    tpu.vector_store %arg8[%swap3A_65], %gather3A_64 {strides = array<i32>} : memref<240xi32, #tpu.memory_space<vmem>>, vector<16xi32>,
    %dma_start3A = arith.constant 0 : i32
    %dma_start3A_67 = arith.constant 0 : i32
    %dma_start3A_68 = tpu.memref_slice %arg9[%dma_start3A, %dma_start3A_67] : memref<240x256xf32, #tpu.memory_space<vmem>> -> memref<80x256xf32, #tpu.memory_space<vmem>>
    %dma_start3A_69 = arith.constant 0 : i32
    %dma_start3A_70 = tpu.memref_slice %arg8[%dma_start3A_69] : memref<240xi32, #tpu.memory_space<vmem>> -> memref<80xi32, #tpu.memory_space<vmem>>
    %dma_start3A_71 = arith.constant 0 : i32
    %dma_start3A_72 = arith.constant 0 : i32
    %dma_start3A_73 = tpu.memref_slice %arg4[%dma_start3A_71, %dma_start3A_72] : memref<30000x256xf32, #tpu.memory_space<hbm>> -> memref<30000x256xf32, #tpu.memory_space<hbm>>
    tpu.enqueue_indirect_dma source(%dma_start3A_73 : memref<30000x256xf32, #tpu.memory_space<hbm>>) target(%dma_start3A_68 : memref<80x256xf32, #tpu.memory_space<vmem>>) offsets(%dma_start3A_70 : memref<80xi32, #tpu.memory_space<vmem>>) semaphore(%arg10 : memref<!tpu.dma_semaphore, #tpu.memory_space<semaphore_mem>>)
    %dma_wait3A = arith.constant 0 : i32
    %dma_wait3A_74 = arith.constant 0 : i32
    %dma_wait3A_75 = tpu.memref_slice %arg9[%dma_wait3A, %dma_wait3A_74] : memref<240x256xf32, #tpu.memory_space<vmem>> -> memref<80x256xf32, #tpu.memory_space<vmem>>
    %dma_wait3A_76 = arith.constant 0 : i32
    %dma_wait3A_77 = tpu.memref_slice %arg8[%dma_wait3A_76] : memref<240xi32, #tpu.memory_space<vmem>> -> memref<80xi32, #tpu.memory_space<vmem>>
    %dma_wait3A_78 = arith.constant 0 : i32
    %dma_wait3A_79 = arith.constant 0 : i32
    %dma_wait3A_80 = tpu.memref_slice %arg4[%dma_wait3A_78, %dma_wait3A_79] : memref<30000x256xf32, #tpu.memory_space<hbm>> -> memref<30000x256xf32, #tpu.memory_space<hbm>>
    tpu.wait_indirect_dma semaphore(%arg10 : memref<!tpu.dma_semaphore, #tpu.memory_space<semaphore_mem>>) src(%dma_wait3A_80 : memref<30000x256xf32, #tpu.memory_space<hbm>>) dst(%dma_wait3A_75 : memref<80x256xf32, #tpu.memory_space<vmem>>)
    %add3A_81 = arith.constant 10 : i32
    %add3A_82 = vector.broadcast %add3A_81 : i32 to vector<16xi32>
    %add3A_83 = arith.addi %add3A_82, %shift_right_arithmetic3A_32 : vector<16xi32>
    %add3A_84 = arith.addi %select_n3A_29, %add3A_83 : vector<16xi32>
    %gather3A_85 = tpu.vector_load_idx %arg6[%add3A_84] : memref<7680xi32, #tpu.memory_space<vmem>>[vector<16xi32>], vector<16xi32>,
    %swap3A_86 = arith.constant 80 : index
    %swap3A_87 = tpu.vector_load %arg8[%swap3A_86] {strides = array<i32>} : memref<240xi32, #tpu.memory_space<vmem>>, vector<16xi32>,
    tpu.vector_store %arg8[%swap3A_86], %gather3A_85 {strides = array<i32>} : memref<240xi32, #tpu.memory_space<vmem>>, vector<16xi32>,
    %add3A_88 = arith.constant 12 : i32
    %add3A_89 = vector.broadcast %add3A_88 : i32 to vector<16xi32>
    %add3A_90 = arith.addi %add3A_89, %shift_right_arithmetic3A_32 : vector<16xi32>
    %add3A_91 = arith.addi %select_n3A_29, %add3A_90 : vector<16xi32>
    %gather3A_92 = tpu.vector_load_idx %arg6[%add3A_91] : memref<7680xi32, #tpu.memory_space<vmem>>[vector<16xi32>], vector<16xi32>,
    %swap3A_93 = arith.constant 96 : index
    %swap3A_94 = tpu.vector_load %arg8[%swap3A_93] {strides = array<i32>} : memref<240xi32, #tpu.memory_space<vmem>>, vector<16xi32>,
    tpu.vector_store %arg8[%swap3A_93], %gather3A_92 {strides = array<i32>} : memref<240xi32, #tpu.memory_space<vmem>>, vector<16xi32>,
    %add3A_95 = arith.constant 14 : i32
    %add3A_96 = vector.broadcast %add3A_95 : i32 to vector<16xi32>
    %add3A_97 = arith.addi %add3A_96, %shift_right_arithmetic3A_32 : vector<16xi32>
    %add3A_98 = arith.addi %select_n3A_29, %add3A_97 : vector<16xi32>
    %gather3A_99 = tpu.vector_load_idx %arg6[%add3A_98] : memref<7680xi32, #tpu.memory_space<vmem>>[vector<16xi32>], vector<16xi32>,
    %swap3A_100 = arith.constant 112 : index
    %swap3A_101 = tpu.vector_load %arg8[%swap3A_100] {strides = array<i32>} : memref<240xi32, #tpu.memory_space<vmem>>, vector<16xi32>,
    tpu.vector_store %arg8[%swap3A_100], %gather3A_99 {strides = array<i32>} : memref<240xi32, #tpu.memory_space<vmem>>, vector<16xi32>,
    %add3A_102 = arith.constant 16 : i32
    %add3A_103 = vector.broadcast %add3A_102 : i32 to vector<16xi32>
    %add3A_104 = arith.addi %add3A_103, %shift_right_arithmetic3A_32 : vector<16xi32>
    %add3A_105 = arith.addi %select_n3A_29, %add3A_104 : vector<16xi32>
    %gather3A_106 = tpu.vector_load_idx %arg6[%add3A_105] : memref<7680xi32, #tpu.memory_space<vmem>>[vector<16xi32>], vector<16xi32>,
    %swap3A_107 = arith.constant 128 : index
    %swap3A_108 = tpu.vector_load %arg8[%swap3A_107] {strides = array<i32>} : memref<240xi32, #tpu.memory_space<vmem>>, vector<16xi32>,
    tpu.vector_store %arg8[%swap3A_107], %gather3A_106 {strides = array<i32>} : memref<240xi32, #tpu.memory_space<vmem>>, vector<16xi32>,
    %add3A_109 = arith.constant 18 : i32
    %add3A_110 = vector.broadcast %add3A_109 : i32 to vector<16xi32>
    %add3A_111 = arith.addi %add3A_110, %shift_right_arithmetic3A_32 : vector<16xi32>
    %add3A_112 = arith.addi %select_n3A_29, %add3A_111 : vector<16xi32>
    %gather3A_113 = tpu.vector_load_idx %arg6[%add3A_112] : memref<7680xi32, #tpu.memory_space<vmem>>[vector<16xi32>], vector<16xi32>,
    %swap3A_114 = arith.constant 144 : index
    %swap3A_115 = tpu.vector_load %arg8[%swap3A_114] {strides = array<i32>} : memref<240xi32, #tpu.memory_space<vmem>>, vector<16xi32>,
    tpu.vector_store %arg8[%swap3A_114], %gather3A_113 {strides = array<i32>} : memref<240xi32, #tpu.memory_space<vmem>>, vector<16xi32>,
    %dma_start3A_116 = arith.constant 80 : i32
    %dma_start3A_117 = arith.constant 0 : i32
    %dma_start3A_118 = tpu.memref_slice %arg9[%dma_start3A_116, %dma_start3A_117] : memref<240x256xf32, #tpu.memory_space<vmem>> -> memref<80x256xf32, #tpu.memory_space<vmem>>
    %dma_start3A_119 = arith.constant 80 : i32
    %dma_start3A_120 = tpu.memref_slice %arg8[%dma_start3A_119] : memref<240xi32, #tpu.memory_space<vmem>> -> memref<80xi32, #tpu.memory_space<vmem>>
    %dma_start3A_121 = arith.constant 0 : i32
    %dma_start3A_122 = arith.constant 0 : i32
    %dma_start3A_123 = tpu.memref_slice %arg4[%dma_start3A_121, %dma_start3A_122] : memref<30000x256xf32, #tpu.memory_space<hbm>> -> memref<30000x256xf32, #tpu.memory_space<hbm>>
    tpu.enqueue_indirect_dma source(%dma_start3A_123 : memref<30000x256xf32, #tpu.memory_space<hbm>>) target(%dma_start3A_118 : memref<80x256xf32, #tpu.memory_space<vmem>>) offsets(%dma_start3A_120 : memref<80xi32, #tpu.memory_space<vmem>>) semaphore(%arg10 : memref<!tpu.dma_semaphore, #tpu.memory_space<semaphore_mem>>)
    %dma_start3A_124 = arith.constant 0 : i32
    %dma_start3A_125 = arith.constant 0 : i32
    %dma_start3A_126 = arith.constant 0 : i32
    %dma_start3A_127 = tpu.memref_slice %arg9[%dma_start3A_125, %dma_start3A_126] : memref<240x256xf32, #tpu.memory_space<vmem>> -> memref<8x256xf32, #tpu.memory_space<vmem>>
    %dma_start3A_128 = arith.constant 0 : i32
    %dma_start3A_129 = tpu.memref_slice %arg5[%dma_start3A_124, %mul3A_2, %dma_start3A_128] : memref<30x256x256xf32, #tpu.memory_space<hbm>> -> memref<1x8x256xf32, #tpu.memory_space<hbm>>
    %dma_start3A_130 = tpu.memref_squeeze %dma_start3A_129 : memref<1x8x256xf32, #tpu.memory_space<hbm>> -> memref<8x256xf32, #tpu.memory_space<hbm>>
    %dma_start3A_131 = arith.constant 0 : i32
    %dma_start3A_132 = tpu.memref_slice %arg5[%dma_start3A_124, %mul3A_2, %dma_start3A_131] : memref<30x256x256xf32, #tpu.memory_space<hbm>> -> memref<1x8x256xf32, #tpu.memory_space<hbm>>
    %dma_start3A_133 = tpu.memref_squeeze %dma_start3A_132 : memref<1x8x256xf32, #tpu.memory_space<hbm>> -> memref<8x256xf32, #tpu.memory_space<hbm>>
    %dma_start3A_134 = arith.constant 0 : i32
    %dma_start3A_135 = arith.constant 0 : i32
    %dma_start3A_136 = tpu.memref_slice %arg9[%dma_start3A_134, %dma_start3A_135] : memref<240x256xf32, #tpu.memory_space<vmem>> -> memref<8x256xf32, #tpu.memory_space<vmem>>
    tpu.enqueue_dma source(%dma_start3A_136 : memref<8x256xf32, #tpu.memory_space<vmem>>) target(%dma_start3A_133 : memref<8x256xf32, #tpu.memory_space<hbm>>) target_semaphore(%arg11 : memref<!tpu.dma_semaphore, #tpu.memory_space<semaphore_mem>>)
    %dma_start3A_137 = arith.constant 1 : i32
    %dma_start3A_138 = arith.constant 8 : i32
    %dma_start3A_139 = arith.constant 0 : i32
    %dma_start3A_140 = tpu.memref_slice %arg9[%dma_start3A_138, %dma_start3A_139] : memref<240x256xf32, #tpu.memory_space<vmem>> -> memref<8x256xf32, #tpu.memory_space<vmem>>
    %dma_start3A_141 = arith.constant 0 : i32
    %dma_start3A_142 = tpu.memref_slice %arg5[%dma_start3A_137, %mul3A_2, %dma_start3A_141] : memref<30x256x256xf32, #tpu.memory_space<hbm>> -> memref<1x8x256xf32, #tpu.memory_space<hbm>>
    %dma_start3A_143 = tpu.memref_squeeze %dma_start3A_142 : memref<1x8x256xf32, #tpu.memory_space<hbm>> -> memref<8x256xf32, #tpu.memory_space<hbm>>
    %dma_start3A_144 = arith.constant 0 : i32
    %dma_start3A_145 = tpu.memref_slice %arg5[%dma_start3A_137, %mul3A_2, %dma_start3A_144] : memref<30x256x256xf32, #tpu.memory_space<hbm>> -> memref<1x8x256xf32, #tpu.memory_space<hbm>>
    %dma_start3A_146 = tpu.memref_squeeze %dma_start3A_145 : memref<1x8x256xf32, #tpu.memory_space<hbm>> -> memref<8x256xf32, #tpu.memory_space<hbm>>
    %dma_start3A_147 = arith.constant 8 : i32
    %dma_start3A_148 = arith.constant 0 : i32
    %dma_start3A_149 = tpu.memref_slice %arg9[%dma_start3A_147, %dma_start3A_148] : memref<240x256xf32, #tpu.memory_space<vmem>> -> memref<8x256xf32, #tpu.memory_space<vmem>>
    tpu.enqueue_dma source(%dma_start3A_149 : memref<8x256xf32, #tpu.memory_space<vmem>>) target(%dma_start3A_146 : memref<8x256xf32, #tpu.memory_space<hbm>>) target_semaphore(%arg11 : memref<!tpu.dma_semaphore, #tpu.memory_space<semaphore_mem>>)
    %dma_start3A_150 = arith.constant 2 : i32
    %dma_start3A_151 = arith.constant 16 : i32
    %dma_start3A_152 = arith.constant 0 : i32
    %dma_start3A_153 = tpu.memref_slice %arg9[%dma_start3A_151, %dma_start3A_152] : memref<240x256xf32, #tpu.memory_space<vmem>> -> memref<8x256xf32, #tpu.memory_space<vmem>>
    %dma_start3A_154 = arith.constant 0 : i32
    %dma_start3A_155 = tpu.memref_slice %arg5[%dma_start3A_150, %mul3A_2, %dma_start3A_154] : memref<30x256x256xf32, #tpu.memory_space<hbm>> -> memref<1x8x256xf32, #tpu.memory_space<hbm>>
    %dma_start3A_156 = tpu.memref_squeeze %dma_start3A_155 : memref<1x8x256xf32, #tpu.memory_space<hbm>> -> memref<8x256xf32, #tpu.memory_space<hbm>>
    %dma_start3A_157 = arith.constant 0 : i32
    %dma_start3A_158 = tpu.memref_slice %arg5[%dma_start3A_150, %mul3A_2, %dma_start3A_157] : memref<30x256x256xf32, #tpu.memory_space<hbm>> -> memref<1x8x256xf32, #tpu.memory_space<hbm>>
    %dma_start3A_159 = tpu.memref_squeeze %dma_start3A_158 : memref<1x8x256xf32, #tpu.memory_space<hbm>> -> memref<8x256xf32, #tpu.memory_space<hbm>>
    %dma_start3A_160 = arith.constant 16 : i32
    %dma_start3A_161 = arith.constant 0 : i32
    %dma_start3A_162 = tpu.memref_slice %arg9[%dma_start3A_160, %dma_start3A_161] : memref<240x256xf32, #tpu.memory_space<vmem>> -> memref<8x256xf32, #tpu.memory_space<vmem>>
    tpu.enqueue_dma source(%dma_start3A_162 : memref<8x256xf32, #tpu.memory_space<vmem>>) target(%dma_start3A_159 : memref<8x256xf32, #tpu.memory_space<hbm>>) target_semaphore(%arg11 : memref<!tpu.dma_semaphore, #tpu.memory_space<semaphore_mem>>)
    %dma_start3A_163 = arith.constant 3 : i32
    %dma_start3A_164 = arith.constant 24 : i32
    %dma_start3A_165 = arith.constant 0 : i32
    %dma_start3A_166 = tpu.memref_slice %arg9[%dma_start3A_164, %dma_start3A_165] : memref<240x256xf32, #tpu.memory_space<vmem>> -> memref<8x256xf32, #tpu.memory_space<vmem>>
    %dma_start3A_167 = arith.constant 0 : i32
    %dma_start3A_168 = tpu.memref_slice %arg5[%dma_start3A_163, %mul3A_2, %dma_start3A_167] : memref<30x256x256xf32, #tpu.memory_space<hbm>> -> memref<1x8x256xf32, #tpu.memory_space<hbm>>
    %dma_start3A_169 = tpu.memref_squeeze %dma_start3A_168 : memref<1x8x256xf32, #tpu.memory_space<hbm>> -> memref<8x256xf32, #tpu.memory_space<hbm>>
    %dma_start3A_170 = arith.constant 0 : i32
    %dma_start3A_171 = tpu.memref_slice %arg5[%dma_start3A_163, %mul3A_2, %dma_start3A_170] : memref<30x256x256xf32, #tpu.memory_space<hbm>> -> memref<1x8x256xf32, #tpu.memory_space<hbm>>
    %dma_start3A_172 = tpu.memref_squeeze %dma_start3A_171 : memref<1x8x256xf32, #tpu.memory_space<hbm>> -> memref<8x256xf32, #tpu.memory_space<hbm>>
    %dma_start3A_173 = arith.constant 24 : i32
    %dma_start3A_174 = arith.constant 0 : i32
    %dma_start3A_175 = tpu.memref_slice %arg9[%dma_start3A_173, %dma_start3A_174] : memref<240x256xf32, #tpu.memory_space<vmem>> -> memref<8x256xf32, #tpu.memory_space<vmem>>
    tpu.enqueue_dma source(%dma_start3A_175 : memref<8x256xf32, #tpu.memory_space<vmem>>) target(%dma_start3A_172 : memref<8x256xf32, #tpu.memory_space<hbm>>) target_semaphore(%arg11 : memref<!tpu.dma_semaphore, #tpu.memory_space<semaphore_mem>>)
    %dma_start3A_176 = arith.constant 4 : i32
    %dma_start3A_177 = arith.constant 32 : i32
    %dma_start3A_178 = arith.constant 0 : i32
    %dma_start3A_179 = tpu.memref_slice %arg9[%dma_start3A_177, %dma_start3A_178] : memref<240x256xf32, #tpu.memory_space<vmem>> -> memref<8x256xf32, #tpu.memory_space<vmem>>
    %dma_start3A_180 = arith.constant 0 : i32
    %dma_start3A_181 = tpu.memref_slice %arg5[%dma_start3A_176, %mul3A_2, %dma_start3A_180] : memref<30x256x256xf32, #tpu.memory_space<hbm>> -> memref<1x8x256xf32, #tpu.memory_space<hbm>>
    %dma_start3A_182 = tpu.memref_squeeze %dma_start3A_181 : memref<1x8x256xf32, #tpu.memory_space<hbm>> -> memref<8x256xf32, #tpu.memory_space<hbm>>
    %dma_start3A_183 = arith.constant 0 : i32
    %dma_start3A_184 = tpu.memref_slice %arg5[%dma_start3A_176, %mul3A_2, %dma_start3A_183] : memref<30x256x256xf32, #tpu.memory_space<hbm>> -> memref<1x8x256xf32, #tpu.memory_space<hbm>>
    %dma_start3A_185 = tpu.memref_squeeze %dma_start3A_184 : memref<1x8x256xf32, #tpu.memory_space<hbm>> -> memref<8x256xf32, #tpu.memory_space<hbm>>
    %dma_start3A_186 = arith.constant 32 : i32
    %dma_start3A_187 = arith.constant 0 : i32
    %dma_start3A_188 = tpu.memref_slice %arg9[%dma_start3A_186, %dma_start3A_187] : memref<240x256xf32, #tpu.memory_space<vmem>> -> memref<8x256xf32, #tpu.memory_space<vmem>>
    tpu.enqueue_dma source(%dma_start3A_188 : memref<8x256xf32, #tpu.memory_space<vmem>>) target(%dma_start3A_185 : memref<8x256xf32, #tpu.memory_space<hbm>>) target_semaphore(%arg11 : memref<!tpu.dma_semaphore, #tpu.memory_space<semaphore_mem>>)
    %dma_start3A_189 = arith.constant 5 : i32
    %dma_start3A_190 = arith.constant 40 : i32
    %dma_start3A_191 = arith.constant 0 : i32
    %dma_start3A_192 = tpu.memref_slice %arg9[%dma_start3A_190, %dma_start3A_191] : memref<240x256xf32, #tpu.memory_space<vmem>> -> memref<8x256xf32, #tpu.memory_space<vmem>>
    %dma_start3A_193 = arith.constant 0 : i32
    %dma_start3A_194 = tpu.memref_slice %arg5[%dma_start3A_189, %mul3A_2, %dma_start3A_193] : memref<30x256x256xf32, #tpu.memory_space<hbm>> -> memref<1x8x256xf32, #tpu.memory_space<hbm>>
    %dma_start3A_195 = tpu.memref_squeeze %dma_start3A_194 : memref<1x8x256xf32, #tpu.memory_space<hbm>> -> memref<8x256xf32, #tpu.memory_space<hbm>>
    %dma_start3A_196 = arith.constant 0 : i32
    %dma_start3A_197 = tpu.memref_slice %arg5[%dma_start3A_189, %mul3A_2, %dma_start3A_196] : memref<30x256x256xf32, #tpu.memory_space<hbm>> -> memref<1x8x256xf32, #tpu.memory_space<hbm>>
    %dma_start3A_198 = tpu.memref_squeeze %dma_start3A_197 : memref<1x8x256xf32, #tpu.memory_space<hbm>> -> memref<8x256xf32, #tpu.memory_space<hbm>>
    %dma_start3A_199 = arith.constant 40 : i32
    %dma_start3A_200 = arith.constant 0 : i32
    %dma_start3A_201 = tpu.memref_slice %arg9[%dma_start3A_199, %dma_start3A_200] : memref<240x256xf32, #tpu.memory_space<vmem>> -> memref<8x256xf32, #tpu.memory_space<vmem>>
    tpu.enqueue_dma source(%dma_start3A_201 : memref<8x256xf32, #tpu.memory_space<vmem>>) target(%dma_start3A_198 : memref<8x256xf32, #tpu.memory_space<hbm>>) target_semaphore(%arg11 : memref<!tpu.dma_semaphore, #tpu.memory_space<semaphore_mem>>)
    %dma_start3A_202 = arith.constant 6 : i32
    %dma_start3A_203 = arith.constant 48 : i32
    %dma_start3A_204 = arith.constant 0 : i32
    %dma_start3A_205 = tpu.memref_slice %arg9[%dma_start3A_203, %dma_start3A_204] : memref<240x256xf32, #tpu.memory_space<vmem>> -> memref<8x256xf32, #tpu.memory_space<vmem>>
    %dma_start3A_206 = arith.constant 0 : i32
    %dma_start3A_207 = tpu.memref_slice %arg5[%dma_start3A_202, %mul3A_2, %dma_start3A_206] : memref<30x256x256xf32, #tpu.memory_space<hbm>> -> memref<1x8x256xf32, #tpu.memory_space<hbm>>
    %dma_start3A_208 = tpu.memref_squeeze %dma_start3A_207 : memref<1x8x256xf32, #tpu.memory_space<hbm>> -> memref<8x256xf32, #tpu.memory_space<hbm>>
    %dma_start3A_209 = arith.constant 0 : i32
    %dma_start3A_210 = tpu.memref_slice %arg5[%dma_start3A_202, %mul3A_2, %dma_start3A_209] : memref<30x256x256xf32, #tpu.memory_space<hbm>> -> memref<1x8x256xf32, #tpu.memory_space<hbm>>
    %dma_start3A_211 = tpu.memref_squeeze %dma_start3A_210 : memref<1x8x256xf32, #tpu.memory_space<hbm>> -> memref<8x256xf32, #tpu.memory_space<hbm>>
    %dma_start3A_212 = arith.constant 48 : i32
    %dma_start3A_213 = arith.constant 0 : i32
    %dma_start3A_214 = tpu.memref_slice %arg9[%dma_start3A_212, %dma_start3A_213] : memref<240x256xf32, #tpu.memory_space<vmem>> -> memref<8x256xf32, #tpu.memory_space<vmem>>
    tpu.enqueue_dma source(%dma_start3A_214 : memref<8x256xf32, #tpu.memory_space<vmem>>) target(%dma_start3A_211 : memref<8x256xf32, #tpu.memory_space<hbm>>) target_semaphore(%arg11 : memref<!tpu.dma_semaphore, #tpu.memory_space<semaphore_mem>>)
    %dma_start3A_215 = arith.constant 7 : i32
    %dma_start3A_216 = arith.constant 56 : i32
    %dma_start3A_217 = arith.constant 0 : i32
    %dma_start3A_218 = tpu.memref_slice %arg9[%dma_start3A_216, %dma_start3A_217] : memref<240x256xf32, #tpu.memory_space<vmem>> -> memref<8x256xf32, #tpu.memory_space<vmem>>
    %dma_start3A_219 = arith.constant 0 : i32
    %dma_start3A_220 = tpu.memref_slice %arg5[%dma_start3A_215, %mul3A_2, %dma_start3A_219] : memref<30x256x256xf32, #tpu.memory_space<hbm>> -> memref<1x8x256xf32, #tpu.memory_space<hbm>>
    %dma_start3A_221 = tpu.memref_squeeze %dma_start3A_220 : memref<1x8x256xf32, #tpu.memory_space<hbm>> -> memref<8x256xf32, #tpu.memory_space<hbm>>
    %dma_start3A_222 = arith.constant 0 : i32
    %dma_start3A_223 = tpu.memref_slice %arg5[%dma_start3A_215, %mul3A_2, %dma_start3A_222] : memref<30x256x256xf32, #tpu.memory_space<hbm>> -> memref<1x8x256xf32, #tpu.memory_space<hbm>>
    %dma_start3A_224 = tpu.memref_squeeze %dma_start3A_223 : memref<1x8x256xf32, #tpu.memory_space<hbm>> -> memref<8x256xf32, #tpu.memory_space<hbm>>
    %dma_start3A_225 = arith.constant 56 : i32
    %dma_start3A_226 = arith.constant 0 : i32
    %dma_start3A_227 = tpu.memref_slice %arg9[%dma_start3A_225, %dma_start3A_226] : memref<240x256xf32, #tpu.memory_space<vmem>> -> memref<8x256xf32, #tpu.memory_space<vmem>>
    tpu.enqueue_dma source(%dma_start3A_227 : memref<8x256xf32, #tpu.memory_space<vmem>>) target(%dma_start3A_224 : memref<8x256xf32, #tpu.memory_space<hbm>>) target_semaphore(%arg11 : memref<!tpu.dma_semaphore, #tpu.memory_space<semaphore_mem>>)
    %dma_start3A_228 = arith.constant 8 : i32
    %dma_start3A_229 = arith.constant 64 : i32
    %dma_start3A_230 = arith.constant 0 : i32
    %dma_start3A_231 = tpu.memref_slice %arg9[%dma_start3A_229, %dma_start3A_230] : memref<240x256xf32, #tpu.memory_space<vmem>> -> memref<8x256xf32, #tpu.memory_space<vmem>>
    %dma_start3A_232 = arith.constant 0 : i32
    %dma_start3A_233 = tpu.memref_slice %arg5[%dma_start3A_228, %mul3A_2, %dma_start3A_232] : memref<30x256x256xf32, #tpu.memory_space<hbm>> -> memref<1x8x256xf32, #tpu.memory_space<hbm>>
    %dma_start3A_234 = tpu.memref_squeeze %dma_start3A_233 : memref<1x8x256xf32, #tpu.memory_space<hbm>> -> memref<8x256xf32, #tpu.memory_space<hbm>>
    %dma_start3A_235 = arith.constant 0 : i32
    %dma_start3A_236 = tpu.memref_slice %arg5[%dma_start3A_228, %mul3A_2, %dma_start3A_235] : memref<30x256x256xf32, #tpu.memory_space<hbm>> -> memref<1x8x256xf32, #tpu.memory_space<hbm>>
    %dma_start3A_237 = tpu.memref_squeeze %dma_start3A_236 : memref<1x8x256xf32, #tpu.memory_space<hbm>> -> memref<8x256xf32, #tpu.memory_space<hbm>>
    %dma_start3A_238 = arith.constant 64 : i32
    %dma_start3A_239 = arith.constant 0 : i32
    %dma_start3A_240 = tpu.memref_slice %arg9[%dma_start3A_238, %dma_start3A_239] : memref<240x256xf32, #tpu.memory_space<vmem>> -> memref<8x256xf32, #tpu.memory_space<vmem>>
    tpu.enqueue_dma source(%dma_start3A_240 : memref<8x256xf32, #tpu.memory_space<vmem>>) target(%dma_start3A_237 : memref<8x256xf32, #tpu.memory_space<hbm>>) target_semaphore(%arg11 : memref<!tpu.dma_semaphore, #tpu.memory_space<semaphore_mem>>)
    %dma_start3A_241 = arith.constant 9 : i32
    %dma_start3A_242 = arith.constant 72 : i32
    %dma_start3A_243 = arith.constant 0 : i32
    %dma_start3A_244 = tpu.memref_slice %arg9[%dma_start3A_242, %dma_start3A_243] : memref<240x256xf32, #tpu.memory_space<vmem>> -> memref<8x256xf32, #tpu.memory_space<vmem>>
    %dma_start3A_245 = arith.constant 0 : i32
    %dma_start3A_246 = tpu.memref_slice %arg5[%dma_start3A_241, %mul3A_2, %dma_start3A_245] : memref<30x256x256xf32, #tpu.memory_space<hbm>> -> memref<1x8x256xf32, #tpu.memory_space<hbm>>
    %dma_start3A_247 = tpu.memref_squeeze %dma_start3A_246 : memref<1x8x256xf32, #tpu.memory_space<hbm>> -> memref<8x256xf32, #tpu.memory_space<hbm>>
    %dma_start3A_248 = arith.constant 0 : i32
    %dma_start3A_249 = tpu.memref_slice %arg5[%dma_start3A_241, %mul3A_2, %dma_start3A_248] : memref<30x256x256xf32, #tpu.memory_space<hbm>> -> memref<1x8x256xf32, #tpu.memory_space<hbm>>
    %dma_start3A_250 = tpu.memref_squeeze %dma_start3A_249 : memref<1x8x256xf32, #tpu.memory_space<hbm>> -> memref<8x256xf32, #tpu.memory_space<hbm>>
    %dma_start3A_251 = arith.constant 72 : i32
    %dma_start3A_252 = arith.constant 0 : i32
    %dma_start3A_253 = tpu.memref_slice %arg9[%dma_start3A_251, %dma_start3A_252] : memref<240x256xf32, #tpu.memory_space<vmem>> -> memref<8x256xf32, #tpu.memory_space<vmem>>
    tpu.enqueue_dma source(%dma_start3A_253 : memref<8x256xf32, #tpu.memory_space<vmem>>) target(%dma_start3A_250 : memref<8x256xf32, #tpu.memory_space<hbm>>) target_semaphore(%arg11 : memref<!tpu.dma_semaphore, #tpu.memory_space<semaphore_mem>>)
    %dma_wait3A_254 = arith.constant 80 : i32
    %dma_wait3A_255 = arith.constant 0 : i32
    %dma_wait3A_256 = tpu.memref_slice %arg9[%dma_wait3A_254, %dma_wait3A_255] : memref<240x256xf32, #tpu.memory_space<vmem>> -> memref<80x256xf32, #tpu.memory_space<vmem>>
    %dma_wait3A_257 = arith.constant 80 : i32
    %dma_wait3A_258 = tpu.memref_slice %arg8[%dma_wait3A_257] : memref<240xi32, #tpu.memory_space<vmem>> -> memref<80xi32, #tpu.memory_space<vmem>>
    %dma_wait3A_259 = arith.constant 0 : i32
    %dma_wait3A_260 = arith.constant 0 : i32
    %dma_wait3A_261 = tpu.memref_slice %arg4[%dma_wait3A_259, %dma_wait3A_260] : memref<30000x256xf32, #tpu.memory_space<hbm>> -> memref<30000x256xf32, #tpu.memory_space<hbm>>
    tpu.wait_indirect_dma semaphore(%arg10 : memref<!tpu.dma_semaphore, #tpu.memory_space<semaphore_mem>>) src(%dma_wait3A_261 : memref<30000x256xf32, #tpu.memory_space<hbm>>) dst(%dma_wait3A_256 : memref<80x256xf32, #tpu.memory_space<vmem>>)
    %add3A_262 = arith.constant 20 : i32
    %add3A_263 = vector.broadcast %add3A_262 : i32 to vector<16xi32>
    %add3A_264 = arith.addi %add3A_263, %shift_right_arithmetic3A_32 : vector<16xi32>
    %add3A_265 = arith.addi %select_n3A_29, %add3A_264 : vector<16xi32>
    %gather3A_266 = tpu.vector_load_idx %arg6[%add3A_265] : memref<7680xi32, #tpu.memory_space<vmem>>[vector<16xi32>], vector<16xi32>,
    %swap3A_267 = arith.constant 160 : index
    %swap3A_268 = tpu.vector_load %arg8[%swap3A_267] {strides = array<i32>} : memref<240xi32, #tpu.memory_space<vmem>>, vector<16xi32>,
    tpu.vector_store %arg8[%swap3A_267], %gather3A_266 {strides = array<i32>} : memref<240xi32, #tpu.memory_space<vmem>>, vector<16xi32>,
    %add3A_269 = arith.constant 22 : i32
    %add3A_270 = vector.broadcast %add3A_269 : i32 to vector<16xi32>
    %add3A_271 = arith.addi %add3A_270, %shift_right_arithmetic3A_32 : vector<16xi32>
    %add3A_272 = arith.addi %select_n3A_29, %add3A_271 : vector<16xi32>
    %gather3A_273 = tpu.vector_load_idx %arg6[%add3A_272] : memref<7680xi32, #tpu.memory_space<vmem>>[vector<16xi32>], vector<16xi32>,
    %swap3A_274 = arith.constant 176 : index
    %swap3A_275 = tpu.vector_load %arg8[%swap3A_274] {strides = array<i32>} : memref<240xi32, #tpu.memory_space<vmem>>, vector<16xi32>,
    tpu.vector_store %arg8[%swap3A_274], %gather3A_273 {strides = array<i32>} : memref<240xi32, #tpu.memory_space<vmem>>, vector<16xi32>,
    %add3A_276 = arith.constant 24 : i32
    %add3A_277 = vector.broadcast %add3A_276 : i32 to vector<16xi32>
    %add3A_278 = arith.addi %add3A_277, %shift_right_arithmetic3A_32 : vector<16xi32>
    %add3A_279 = arith.addi %select_n3A_29, %add3A_278 : vector<16xi32>
    %gather3A_280 = tpu.vector_load_idx %arg6[%add3A_279] : memref<7680xi32, #tpu.memory_space<vmem>>[vector<16xi32>], vector<16xi32>,
    %swap3A_281 = arith.constant 192 : index
    %swap3A_282 = tpu.vector_load %arg8[%swap3A_281] {strides = array<i32>} : memref<240xi32, #tpu.memory_space<vmem>>, vector<16xi32>,
    tpu.vector_store %arg8[%swap3A_281], %gather3A_280 {strides = array<i32>} : memref<240xi32, #tpu.memory_space<vmem>>, vector<16xi32>,
    %add3A_283 = arith.constant 26 : i32
    %add3A_284 = vector.broadcast %add3A_283 : i32 to vector<16xi32>
    %add3A_285 = arith.addi %add3A_284, %shift_right_arithmetic3A_32 : vector<16xi32>
    %add3A_286 = arith.addi %select_n3A_29, %add3A_285 : vector<16xi32>
    %gather3A_287 = tpu.vector_load_idx %arg6[%add3A_286] : memref<7680xi32, #tpu.memory_space<vmem>>[vector<16xi32>], vector<16xi32>,
    %swap3A_288 = arith.constant 208 : index
    %swap3A_289 = tpu.vector_load %arg8[%swap3A_288] {strides = array<i32>} : memref<240xi32, #tpu.memory_space<vmem>>, vector<16xi32>,
    tpu.vector_store %arg8[%swap3A_288], %gather3A_287 {strides = array<i32>} : memref<240xi32, #tpu.memory_space<vmem>>, vector<16xi32>,
    %add3A_290 = arith.constant 28 : i32
    %add3A_291 = vector.broadcast %add3A_290 : i32 to vector<16xi32>
    %add3A_292 = arith.addi %add3A_291, %shift_right_arithmetic3A_32 : vector<16xi32>
    %add3A_293 = arith.addi %select_n3A_29, %add3A_292 : vector<16xi32>
    %gather3A_294 = tpu.vector_load_idx %arg6[%add3A_293] : memref<7680xi32, #tpu.memory_space<vmem>>[vector<16xi32>], vector<16xi32>,
    %swap3A_295 = arith.constant 224 : index
    %swap3A_296 = tpu.vector_load %arg8[%swap3A_295] {strides = array<i32>} : memref<240xi32, #tpu.memory_space<vmem>>, vector<16xi32>,
    tpu.vector_store %arg8[%swap3A_295], %gather3A_294 {strides = array<i32>} : memref<240xi32, #tpu.memory_space<vmem>>, vector<16xi32>,
    %dma_start3A_297 = arith.constant 160 : i32
    %dma_start3A_298 = arith.constant 0 : i32
    %dma_start3A_299 = tpu.memref_slice %arg9[%dma_start3A_297, %dma_start3A_298] : memref<240x256xf32, #tpu.memory_space<vmem>> -> memref<80x256xf32, #tpu.memory_space<vmem>>
    %dma_start3A_300 = arith.constant 160 : i32
    %dma_start3A_301 = tpu.memref_slice %arg8[%dma_start3A_300] : memref<240xi32, #tpu.memory_space<vmem>> -> memref<80xi32, #tpu.memory_space<vmem>>
    %dma_start3A_302 = arith.constant 0 : i32
    %dma_start3A_303 = arith.constant 0 : i32
    %dma_start3A_304 = tpu.memref_slice %arg4[%dma_start3A_302, %dma_start3A_303] : memref<30000x256xf32, #tpu.memory_space<hbm>> -> memref<30000x256xf32, #tpu.memory_space<hbm>>
    tpu.enqueue_indirect_dma source(%dma_start3A_304 : memref<30000x256xf32, #tpu.memory_space<hbm>>) target(%dma_start3A_299 : memref<80x256xf32, #tpu.memory_space<vmem>>) offsets(%dma_start3A_301 : memref<80xi32, #tpu.memory_space<vmem>>) semaphore(%arg10 : memref<!tpu.dma_semaphore, #tpu.memory_space<semaphore_mem>>)
    %dma_start3A_305 = arith.constant 10 : i32
    %dma_start3A_306 = arith.constant 80 : i32
    %dma_start3A_307 = arith.constant 0 : i32
    %dma_start3A_308 = tpu.memref_slice %arg9[%dma_start3A_306, %dma_start3A_307] : memref<240x256xf32, #tpu.memory_space<vmem>> -> memref<8x256xf32, #tpu.memory_space<vmem>>
    %dma_start3A_309 = arith.constant 0 : i32
    %dma_start3A_310 = tpu.memref_slice %arg5[%dma_start3A_305, %mul3A_2, %dma_start3A_309] : memref<30x256x256xf32, #tpu.memory_space<hbm>> -> memref<1x8x256xf32, #tpu.memory_space<hbm>>
    %dma_start3A_311 = tpu.memref_squeeze %dma_start3A_310 : memref<1x8x256xf32, #tpu.memory_space<hbm>> -> memref<8x256xf32, #tpu.memory_space<hbm>>
    %dma_start3A_312 = arith.constant 0 : i32
    %dma_start3A_313 = tpu.memref_slice %arg5[%dma_start3A_305, %mul3A_2, %dma_start3A_312] : memref<30x256x256xf32, #tpu.memory_space<hbm>> -> memref<1x8x256xf32, #tpu.memory_space<hbm>>
    %dma_start3A_314 = tpu.memref_squeeze %dma_start3A_313 : memref<1x8x256xf32, #tpu.memory_space<hbm>> -> memref<8x256xf32, #tpu.memory_space<hbm>>
    %dma_start3A_315 = arith.constant 80 : i32
    %dma_start3A_316 = arith.constant 0 : i32
    %dma_start3A_317 = tpu.memref_slice %arg9[%dma_start3A_315, %dma_start3A_316] : memref<240x256xf32, #tpu.memory_space<vmem>> -> memref<8x256xf32, #tpu.memory_space<vmem>>
    tpu.enqueue_dma source(%dma_start3A_317 : memref<8x256xf32, #tpu.memory_space<vmem>>) target(%dma_start3A_314 : memref<8x256xf32, #tpu.memory_space<hbm>>) target_semaphore(%arg11 : memref<!tpu.dma_semaphore, #tpu.memory_space<semaphore_mem>>)
    %dma_start3A_318 = arith.constant 11 : i32
    %dma_start3A_319 = arith.constant 88 : i32
    %dma_start3A_320 = arith.constant 0 : i32
    %dma_start3A_321 = tpu.memref_slice %arg9[%dma_start3A_319, %dma_start3A_320] : memref<240x256xf32, #tpu.memory_space<vmem>> -> memref<8x256xf32, #tpu.memory_space<vmem>>
    %dma_start3A_322 = arith.constant 0 : i32
    %dma_start3A_323 = tpu.memref_slice %arg5[%dma_start3A_318, %mul3A_2, %dma_start3A_322] : memref<30x256x256xf32, #tpu.memory_space<hbm>> -> memref<1x8x256xf32, #tpu.memory_space<hbm>>
    %dma_start3A_324 = tpu.memref_squeeze %dma_start3A_323 : memref<1x8x256xf32, #tpu.memory_space<hbm>> -> memref<8x256xf32, #tpu.memory_space<hbm>>
    %dma_start3A_325 = arith.constant 0 : i32
    %dma_start3A_326 = tpu.memref_slice %arg5[%dma_start3A_318, %mul3A_2, %dma_start3A_325] : memref<30x256x256xf32, #tpu.memory_space<hbm>> -> memref<1x8x256xf32, #tpu.memory_space<hbm>>
    %dma_start3A_327 = tpu.memref_squeeze %dma_start3A_326 : memref<1x8x256xf32, #tpu.memory_space<hbm>> -> memref<8x256xf32, #tpu.memory_space<hbm>>
    %dma_start3A_328 = arith.constant 88 : i32
    %dma_start3A_329 = arith.constant 0 : i32
    %dma_start3A_330 = tpu.memref_slice %arg9[%dma_start3A_328, %dma_start3A_329] : memref<240x256xf32, #tpu.memory_space<vmem>> -> memref<8x256xf32, #tpu.memory_space<vmem>>
    tpu.enqueue_dma source(%dma_start3A_330 : memref<8x256xf32, #tpu.memory_space<vmem>>) target(%dma_start3A_327 : memref<8x256xf32, #tpu.memory_space<hbm>>) target_semaphore(%arg11 : memref<!tpu.dma_semaphore, #tpu.memory_space<semaphore_mem>>)
    %dma_start3A_331 = arith.constant 12 : i32
    %dma_start3A_332 = arith.constant 96 : i32
    %dma_start3A_333 = arith.constant 0 : i32
    %dma_start3A_334 = tpu.memref_slice %arg9[%dma_start3A_332, %dma_start3A_333] : memref<240x256xf32, #tpu.memory_space<vmem>> -> memref<8x256xf32, #tpu.memory_space<vmem>>
    %dma_start3A_335 = arith.constant 0 : i32
    %dma_start3A_336 = tpu.memref_slice %arg5[%dma_start3A_331, %mul3A_2, %dma_start3A_335] : memref<30x256x256xf32, #tpu.memory_space<hbm>> -> memref<1x8x256xf32, #tpu.memory_space<hbm>>
    %dma_start3A_337 = tpu.memref_squeeze %dma_start3A_336 : memref<1x8x256xf32, #tpu.memory_space<hbm>> -> memref<8x256xf32, #tpu.memory_space<hbm>>
    %dma_start3A_338 = arith.constant 0 : i32
    %dma_start3A_339 = tpu.memref_slice %arg5[%dma_start3A_331, %mul3A_2, %dma_start3A_338] : memref<30x256x256xf32, #tpu.memory_space<hbm>> -> memref<1x8x256xf32, #tpu.memory_space<hbm>>
    %dma_start3A_340 = tpu.memref_squeeze %dma_start3A_339 : memref<1x8x256xf32, #tpu.memory_space<hbm>> -> memref<8x256xf32, #tpu.memory_space<hbm>>
    %dma_start3A_341 = arith.constant 96 : i32
    %dma_start3A_342 = arith.constant 0 : i32
    %dma_start3A_343 = tpu.memref_slice %arg9[%dma_start3A_341, %dma_start3A_342] : memref<240x256xf32, #tpu.memory_space<vmem>> -> memref<8x256xf32, #tpu.memory_space<vmem>>
    tpu.enqueue_dma source(%dma_start3A_343 : memref<8x256xf32, #tpu.memory_space<vmem>>) target(%dma_start3A_340 : memref<8x256xf32, #tpu.memory_space<hbm>>) target_semaphore(%arg11 : memref<!tpu.dma_semaphore, #tpu.memory_space<semaphore_mem>>)
    %dma_start3A_344 = arith.constant 13 : i32
    %dma_start3A_345 = arith.constant 104 : i32
    %dma_start3A_346 = arith.constant 0 : i32
    %dma_start3A_347 = tpu.memref_slice %arg9[%dma_start3A_345, %dma_start3A_346] : memref<240x256xf32, #tpu.memory_space<vmem>> -> memref<8x256xf32, #tpu.memory_space<vmem>>
    %dma_start3A_348 = arith.constant 0 : i32
    %dma_start3A_349 = tpu.memref_slice %arg5[%dma_start3A_344, %mul3A_2, %dma_start3A_348] : memref<30x256x256xf32, #tpu.memory_space<hbm>> -> memref<1x8x256xf32, #tpu.memory_space<hbm>>
    %dma_start3A_350 = tpu.memref_squeeze %dma_start3A_349 : memref<1x8x256xf32, #tpu.memory_space<hbm>> -> memref<8x256xf32, #tpu.memory_space<hbm>>
    %dma_start3A_351 = arith.constant 0 : i32
    %dma_start3A_352 = tpu.memref_slice %arg5[%dma_start3A_344, %mul3A_2, %dma_start3A_351] : memref<30x256x256xf32, #tpu.memory_space<hbm>> -> memref<1x8x256xf32, #tpu.memory_space<hbm>>
    %dma_start3A_353 = tpu.memref_squeeze %dma_start3A_352 : memref<1x8x256xf32, #tpu.memory_space<hbm>> -> memref<8x256xf32, #tpu.memory_space<hbm>>
    %dma_start3A_354 = arith.constant 104 : i32
    %dma_start3A_355 = arith.constant 0 : i32
    %dma_start3A_356 = tpu.memref_slice %arg9[%dma_start3A_354, %dma_start3A_355] : memref<240x256xf32, #tpu.memory_space<vmem>> -> memref<8x256xf32, #tpu.memory_space<vmem>>
    tpu.enqueue_dma source(%dma_start3A_356 : memref<8x256xf32, #tpu.memory_space<vmem>>) target(%dma_start3A_353 : memref<8x256xf32, #tpu.memory_space<hbm>>) target_semaphore(%arg11 : memref<!tpu.dma_semaphore, #tpu.memory_space<semaphore_mem>>)
    %dma_start3A_357 = arith.constant 14 : i32
    %dma_start3A_358 = arith.constant 112 : i32
    %dma_start3A_359 = arith.constant 0 : i32
    %dma_start3A_360 = tpu.memref_slice %arg9[%dma_start3A_358, %dma_start3A_359] : memref<240x256xf32, #tpu.memory_space<vmem>> -> memref<8x256xf32, #tpu.memory_space<vmem>>
    %dma_start3A_361 = arith.constant 0 : i32
    %dma_start3A_362 = tpu.memref_slice %arg5[%dma_start3A_357, %mul3A_2, %dma_start3A_361] : memref<30x256x256xf32, #tpu.memory_space<hbm>> -> memref<1x8x256xf32, #tpu.memory_space<hbm>>
    %dma_start3A_363 = tpu.memref_squeeze %dma_start3A_362 : memref<1x8x256xf32, #tpu.memory_space<hbm>> -> memref<8x256xf32, #tpu.memory_space<hbm>>
    %dma_start3A_364 = arith.constant 0 : i32
    %dma_start3A_365 = tpu.memref_slice %arg5[%dma_start3A_357, %mul3A_2, %dma_start3A_364] : memref<30x256x256xf32, #tpu.memory_space<hbm>> -> memref<1x8x256xf32, #tpu.memory_space<hbm>>
    %dma_start3A_366 = tpu.memref_squeeze %dma_start3A_365 : memref<1x8x256xf32, #tpu.memory_space<hbm>> -> memref<8x256xf32, #tpu.memory_space<hbm>>
    %dma_start3A_367 = arith.constant 112 : i32
    %dma_start3A_368 = arith.constant 0 : i32
    %dma_start3A_369 = tpu.memref_slice %arg9[%dma_start3A_367, %dma_start3A_368] : memref<240x256xf32, #tpu.memory_space<vmem>> -> memref<8x256xf32, #tpu.memory_space<vmem>>
    tpu.enqueue_dma source(%dma_start3A_369 : memref<8x256xf32, #tpu.memory_space<vmem>>) target(%dma_start3A_366 : memref<8x256xf32, #tpu.memory_space<hbm>>) target_semaphore(%arg11 : memref<!tpu.dma_semaphore, #tpu.memory_space<semaphore_mem>>)
    %dma_start3A_370 = arith.constant 15 : i32
    %dma_start3A_371 = arith.constant 120 : i32
    %dma_start3A_372 = arith.constant 0 : i32
    %dma_start3A_373 = tpu.memref_slice %arg9[%dma_start3A_371, %dma_start3A_372] : memref<240x256xf32, #tpu.memory_space<vmem>> -> memref<8x256xf32, #tpu.memory_space<vmem>>
    %dma_start3A_374 = arith.constant 0 : i32
    %dma_start3A_375 = tpu.memref_slice %arg5[%dma_start3A_370, %mul3A_2, %dma_start3A_374] : memref<30x256x256xf32, #tpu.memory_space<hbm>> -> memref<1x8x256xf32, #tpu.memory_space<hbm>>
    %dma_start3A_376 = tpu.memref_squeeze %dma_start3A_375 : memref<1x8x256xf32, #tpu.memory_space<hbm>> -> memref<8x256xf32, #tpu.memory_space<hbm>>
    %dma_start3A_377 = arith.constant 0 : i32
    %dma_start3A_378 = tpu.memref_slice %arg5[%dma_start3A_370, %mul3A_2, %dma_start3A_377] : memref<30x256x256xf32, #tpu.memory_space<hbm>> -> memref<1x8x256xf32, #tpu.memory_space<hbm>>
    %dma_start3A_379 = tpu.memref_squeeze %dma_start3A_378 : memref<1x8x256xf32, #tpu.memory_space<hbm>> -> memref<8x256xf32, #tpu.memory_space<hbm>>
    %dma_start3A_380 = arith.constant 120 : i32
    %dma_start3A_381 = arith.constant 0 : i32
    %dma_start3A_382 = tpu.memref_slice %arg9[%dma_start3A_380, %dma_start3A_381] : memref<240x256xf32, #tpu.memory_space<vmem>> -> memref<8x256xf32, #tpu.memory_space<vmem>>
    tpu.enqueue_dma source(%dma_start3A_382 : memref<8x256xf32, #tpu.memory_space<vmem>>) target(%dma_start3A_379 : memref<8x256xf32, #tpu.memory_space<hbm>>) target_semaphore(%arg11 : memref<!tpu.dma_semaphore, #tpu.memory_space<semaphore_mem>>)
    %dma_start3A_383 = arith.constant 16 : i32
    %dma_start3A_384 = arith.constant 128 : i32
    %dma_start3A_385 = arith.constant 0 : i32
    %dma_start3A_386 = tpu.memref_slice %arg9[%dma_start3A_384, %dma_start3A_385] : memref<240x256xf32, #tpu.memory_space<vmem>> -> memref<8x256xf32, #tpu.memory_space<vmem>>
    %dma_start3A_387 = arith.constant 0 : i32
    %dma_start3A_388 = tpu.memref_slice %arg5[%dma_start3A_383, %mul3A_2, %dma_start3A_387] : memref<30x256x256xf32, #tpu.memory_space<hbm>> -> memref<1x8x256xf32, #tpu.memory_space<hbm>>
    %dma_start3A_389 = tpu.memref_squeeze %dma_start3A_388 : memref<1x8x256xf32, #tpu.memory_space<hbm>> -> memref<8x256xf32, #tpu.memory_space<hbm>>
    %dma_start3A_390 = arith.constant 0 : i32
    %dma_start3A_391 = tpu.memref_slice %arg5[%dma_start3A_383, %mul3A_2, %dma_start3A_390] : memref<30x256x256xf32, #tpu.memory_space<hbm>> -> memref<1x8x256xf32, #tpu.memory_space<hbm>>
    %dma_start3A_392 = tpu.memref_squeeze %dma_start3A_391 : memref<1x8x256xf32, #tpu.memory_space<hbm>> -> memref<8x256xf32, #tpu.memory_space<hbm>>
    %dma_start3A_393 = arith.constant 128 : i32
    %dma_start3A_394 = arith.constant 0 : i32
    %dma_start3A_395 = tpu.memref_slice %arg9[%dma_start3A_393, %dma_start3A_394] : memref<240x256xf32, #tpu.memory_space<vmem>> -> memref<8x256xf32, #tpu.memory_space<vmem>>
    tpu.enqueue_dma source(%dma_start3A_395 : memref<8x256xf32, #tpu.memory_space<vmem>>) target(%dma_start3A_392 : memref<8x256xf32, #tpu.memory_space<hbm>>) target_semaphore(%arg11 : memref<!tpu.dma_semaphore, #tpu.memory_space<semaphore_mem>>)
    %dma_start3A_396 = arith.constant 17 : i32
    %dma_start3A_397 = arith.constant 136 : i32
    %dma_start3A_398 = arith.constant 0 : i32
    %dma_start3A_399 = tpu.memref_slice %arg9[%dma_start3A_397, %dma_start3A_398] : memref<240x256xf32, #tpu.memory_space<vmem>> -> memref<8x256xf32, #tpu.memory_space<vmem>>
    %dma_start3A_400 = arith.constant 0 : i32
    %dma_start3A_401 = tpu.memref_slice %arg5[%dma_start3A_396, %mul3A_2, %dma_start3A_400] : memref<30x256x256xf32, #tpu.memory_space<hbm>> -> memref<1x8x256xf32, #tpu.memory_space<hbm>>
    %dma_start3A_402 = tpu.memref_squeeze %dma_start3A_401 : memref<1x8x256xf32, #tpu.memory_space<hbm>> -> memref<8x256xf32, #tpu.memory_space<hbm>>
    %dma_start3A_403 = arith.constant 0 : i32
    %dma_start3A_404 = tpu.memref_slice %arg5[%dma_start3A_396, %mul3A_2, %dma_start3A_403] : memref<30x256x256xf32, #tpu.memory_space<hbm>> -> memref<1x8x256xf32, #tpu.memory_space<hbm>>
    %dma_start3A_405 = tpu.memref_squeeze %dma_start3A_404 : memref<1x8x256xf32, #tpu.memory_space<hbm>> -> memref<8x256xf32, #tpu.memory_space<hbm>>
    %dma_start3A_406 = arith.constant 136 : i32
    %dma_start3A_407 = arith.constant 0 : i32
    %dma_start3A_408 = tpu.memref_slice %arg9[%dma_start3A_406, %dma_start3A_407] : memref<240x256xf32, #tpu.memory_space<vmem>> -> memref<8x256xf32, #tpu.memory_space<vmem>>
    tpu.enqueue_dma source(%dma_start3A_408 : memref<8x256xf32, #tpu.memory_space<vmem>>) target(%dma_start3A_405 : memref<8x256xf32, #tpu.memory_space<hbm>>) target_semaphore(%arg11 : memref<!tpu.dma_semaphore, #tpu.memory_space<semaphore_mem>>)
    %dma_start3A_409 = arith.constant 18 : i32
    %dma_start3A_410 = arith.constant 144 : i32
    %dma_start3A_411 = arith.constant 0 : i32
    %dma_start3A_412 = tpu.memref_slice %arg9[%dma_start3A_410, %dma_start3A_411] : memref<240x256xf32, #tpu.memory_space<vmem>> -> memref<8x256xf32, #tpu.memory_space<vmem>>
    %dma_start3A_413 = arith.constant 0 : i32
    %dma_start3A_414 = tpu.memref_slice %arg5[%dma_start3A_409, %mul3A_2, %dma_start3A_413] : memref<30x256x256xf32, #tpu.memory_space<hbm>> -> memref<1x8x256xf32, #tpu.memory_space<hbm>>
    %dma_start3A_415 = tpu.memref_squeeze %dma_start3A_414 : memref<1x8x256xf32, #tpu.memory_space<hbm>> -> memref<8x256xf32, #tpu.memory_space<hbm>>
    %dma_start3A_416 = arith.constant 0 : i32
    %dma_start3A_417 = tpu.memref_slice %arg5[%dma_start3A_409, %mul3A_2, %dma_start3A_416] : memref<30x256x256xf32, #tpu.memory_space<hbm>> -> memref<1x8x256xf32, #tpu.memory_space<hbm>>
    %dma_start3A_418 = tpu.memref_squeeze %dma_start3A_417 : memref<1x8x256xf32, #tpu.memory_space<hbm>> -> memref<8x256xf32, #tpu.memory_space<hbm>>
    %dma_start3A_419 = arith.constant 144 : i32
    %dma_start3A_420 = arith.constant 0 : i32
    %dma_start3A_421 = tpu.memref_slice %arg9[%dma_start3A_419, %dma_start3A_420] : memref<240x256xf32, #tpu.memory_space<vmem>> -> memref<8x256xf32, #tpu.memory_space<vmem>>
    tpu.enqueue_dma source(%dma_start3A_421 : memref<8x256xf32, #tpu.memory_space<vmem>>) target(%dma_start3A_418 : memref<8x256xf32, #tpu.memory_space<hbm>>) target_semaphore(%arg11 : memref<!tpu.dma_semaphore, #tpu.memory_space<semaphore_mem>>)
    %dma_start3A_422 = arith.constant 19 : i32
    %dma_start3A_423 = arith.constant 152 : i32
    %dma_start3A_424 = arith.constant 0 : i32
    %dma_start3A_425 = tpu.memref_slice %arg9[%dma_start3A_423, %dma_start3A_424] : memref<240x256xf32, #tpu.memory_space<vmem>> -> memref<8x256xf32, #tpu.memory_space<vmem>>
    %dma_start3A_426 = arith.constant 0 : i32
    %dma_start3A_427 = tpu.memref_slice %arg5[%dma_start3A_422, %mul3A_2, %dma_start3A_426] : memref<30x256x256xf32, #tpu.memory_space<hbm>> -> memref<1x8x256xf32, #tpu.memory_space<hbm>>
    %dma_start3A_428 = tpu.memref_squeeze %dma_start3A_427 : memref<1x8x256xf32, #tpu.memory_space<hbm>> -> memref<8x256xf32, #tpu.memory_space<hbm>>
    %dma_start3A_429 = arith.constant 0 : i32
    %dma_start3A_430 = tpu.memref_slice %arg5[%dma_start3A_422, %mul3A_2, %dma_start3A_429] : memref<30x256x256xf32, #tpu.memory_space<hbm>> -> memref<1x8x256xf32, #tpu.memory_space<hbm>>
    %dma_start3A_431 = tpu.memref_squeeze %dma_start3A_430 : memref<1x8x256xf32, #tpu.memory_space<hbm>> -> memref<8x256xf32, #tpu.memory_space<hbm>>
    %dma_start3A_432 = arith.constant 152 : i32
    %dma_start3A_433 = arith.constant 0 : i32
    %dma_start3A_434 = tpu.memref_slice %arg9[%dma_start3A_432, %dma_start3A_433] : memref<240x256xf32, #tpu.memory_space<vmem>> -> memref<8x256xf32, #tpu.memory_space<vmem>>
    tpu.enqueue_dma source(%dma_start3A_434 : memref<8x256xf32, #tpu.memory_space<vmem>>) target(%dma_start3A_431 : memref<8x256xf32, #tpu.memory_space<hbm>>) target_semaphore(%arg11 : memref<!tpu.dma_semaphore, #tpu.memory_space<semaphore_mem>>)
    %dma_wait3A_435 = arith.constant 160 : i32
    %dma_wait3A_436 = arith.constant 0 : i32
    %dma_wait3A_437 = tpu.memref_slice %arg9[%dma_wait3A_435, %dma_wait3A_436] : memref<240x256xf32, #tpu.memory_space<vmem>> -> memref<80x256xf32, #tpu.memory_space<vmem>>
    %dma_wait3A_438 = arith.constant 160 : i32
    %dma_wait3A_439 = tpu.memref_slice %arg8[%dma_wait3A_438] : memref<240xi32, #tpu.memory_space<vmem>> -> memref<80xi32, #tpu.memory_space<vmem>>
    %dma_wait3A_440 = arith.constant 0 : i32
    %dma_wait3A_441 = arith.constant 0 : i32
    %dma_wait3A_442 = tpu.memref_slice %arg4[%dma_wait3A_440, %dma_wait3A_441] : memref<30000x256xf32, #tpu.memory_space<hbm>> -> memref<30000x256xf32, #tpu.memory_space<hbm>>
    tpu.wait_indirect_dma semaphore(%arg10 : memref<!tpu.dma_semaphore, #tpu.memory_space<semaphore_mem>>) src(%dma_wait3A_442 : memref<30000x256xf32, #tpu.memory_space<hbm>>) dst(%dma_wait3A_437 : memref<80x256xf32, #tpu.memory_space<vmem>>)
    %dma_start3A_443 = arith.constant 20 : i32
    %dma_start3A_444 = arith.constant 160 : i32
    %dma_start3A_445 = arith.constant 0 : i32
    %dma_start3A_446 = tpu.memref_slice %arg9[%dma_start3A_444, %dma_start3A_445] : memref<240x256xf32, #tpu.memory_space<vmem>> -> memref<8x256xf32, #tpu.memory_space<vmem>>
    %dma_start3A_447 = arith.constant 0 : i32
    %dma_start3A_448 = tpu.memref_slice %arg5[%dma_start3A_443, %mul3A_2, %dma_start3A_447] : memref<30x256x256xf32, #tpu.memory_space<hbm>> -> memref<1x8x256xf32, #tpu.memory_space<hbm>>
    %dma_start3A_449 = tpu.memref_squeeze %dma_start3A_448 : memref<1x8x256xf32, #tpu.memory_space<hbm>> -> memref<8x256xf32, #tpu.memory_space<hbm>>
    %dma_start3A_450 = arith.constant 0 : i32
    %dma_start3A_451 = tpu.memref_slice %arg5[%dma_start3A_443, %mul3A_2, %dma_start3A_450] : memref<30x256x256xf32, #tpu.memory_space<hbm>> -> memref<1x8x256xf32, #tpu.memory_space<hbm>>
    %dma_start3A_452 = tpu.memref_squeeze %dma_start3A_451 : memref<1x8x256xf32, #tpu.memory_space<hbm>> -> memref<8x256xf32, #tpu.memory_space<hbm>>
    %dma_start3A_453 = arith.constant 160 : i32
    %dma_start3A_454 = arith.constant 0 : i32
    %dma_start3A_455 = tpu.memref_slice %arg9[%dma_start3A_453, %dma_start3A_454] : memref<240x256xf32, #tpu.memory_space<vmem>> -> memref<8x256xf32, #tpu.memory_space<vmem>>
    tpu.enqueue_dma source(%dma_start3A_455 : memref<8x256xf32, #tpu.memory_space<vmem>>) target(%dma_start3A_452 : memref<8x256xf32, #tpu.memory_space<hbm>>) target_semaphore(%arg11 : memref<!tpu.dma_semaphore, #tpu.memory_space<semaphore_mem>>)
    %dma_start3A_456 = arith.constant 21 : i32
    %dma_start3A_457 = arith.constant 168 : i32
    %dma_start3A_458 = arith.constant 0 : i32
    %dma_start3A_459 = tpu.memref_slice %arg9[%dma_start3A_457, %dma_start3A_458] : memref<240x256xf32, #tpu.memory_space<vmem>> -> memref<8x256xf32, #tpu.memory_space<vmem>>
    %dma_start3A_460 = arith.constant 0 : i32
    %dma_start3A_461 = tpu.memref_slice %arg5[%dma_start3A_456, %mul3A_2, %dma_start3A_460] : memref<30x256x256xf32, #tpu.memory_space<hbm>> -> memref<1x8x256xf32, #tpu.memory_space<hbm>>
    %dma_start3A_462 = tpu.memref_squeeze %dma_start3A_461 : memref<1x8x256xf32, #tpu.memory_space<hbm>> -> memref<8x256xf32, #tpu.memory_space<hbm>>
    %dma_start3A_463 = arith.constant 0 : i32
    %dma_start3A_464 = tpu.memref_slice %arg5[%dma_start3A_456, %mul3A_2, %dma_start3A_463] : memref<30x256x256xf32, #tpu.memory_space<hbm>> -> memref<1x8x256xf32, #tpu.memory_space<hbm>>
    %dma_start3A_465 = tpu.memref_squeeze %dma_start3A_464 : memref<1x8x256xf32, #tpu.memory_space<hbm>> -> memref<8x256xf32, #tpu.memory_space<hbm>>
    %dma_start3A_466 = arith.constant 168 : i32
    %dma_start3A_467 = arith.constant 0 : i32
    %dma_start3A_468 = tpu.memref_slice %arg9[%dma_start3A_466, %dma_start3A_467] : memref<240x256xf32, #tpu.memory_space<vmem>> -> memref<8x256xf32, #tpu.memory_space<vmem>>
    tpu.enqueue_dma source(%dma_start3A_468 : memref<8x256xf32, #tpu.memory_space<vmem>>) target(%dma_start3A_465 : memref<8x256xf32, #tpu.memory_space<hbm>>) target_semaphore(%arg11 : memref<!tpu.dma_semaphore, #tpu.memory_space<semaphore_mem>>)
    %dma_start3A_469 = arith.constant 22 : i32
    %dma_start3A_470 = arith.constant 176 : i32
    %dma_start3A_471 = arith.constant 0 : i32
    %dma_start3A_472 = tpu.memref_slice %arg9[%dma_start3A_470, %dma_start3A_471] : memref<240x256xf32, #tpu.memory_space<vmem>> -> memref<8x256xf32, #tpu.memory_space<vmem>>
    %dma_start3A_473 = arith.constant 0 : i32
    %dma_start3A_474 = tpu.memref_slice %arg5[%dma_start3A_469, %mul3A_2, %dma_start3A_473] : memref<30x256x256xf32, #tpu.memory_space<hbm>> -> memref<1x8x256xf32, #tpu.memory_space<hbm>>
    %dma_start3A_475 = tpu.memref_squeeze %dma_start3A_474 : memref<1x8x256xf32, #tpu.memory_space<hbm>> -> memref<8x256xf32, #tpu.memory_space<hbm>>
    %dma_start3A_476 = arith.constant 0 : i32
    %dma_start3A_477 = tpu.memref_slice %arg5[%dma_start3A_469, %mul3A_2, %dma_start3A_476] : memref<30x256x256xf32, #tpu.memory_space<hbm>> -> memref<1x8x256xf32, #tpu.memory_space<hbm>>
    %dma_start3A_478 = tpu.memref_squeeze %dma_start3A_477 : memref<1x8x256xf32, #tpu.memory_space<hbm>> -> memref<8x256xf32, #tpu.memory_space<hbm>>
    %dma_start3A_479 = arith.constant 176 : i32
    %dma_start3A_480 = arith.constant 0 : i32
    %dma_start3A_481 = tpu.memref_slice %arg9[%dma_start3A_479, %dma_start3A_480] : memref<240x256xf32, #tpu.memory_space<vmem>> -> memref<8x256xf32, #tpu.memory_space<vmem>>
    tpu.enqueue_dma source(%dma_start3A_481 : memref<8x256xf32, #tpu.memory_space<vmem>>) target(%dma_start3A_478 : memref<8x256xf32, #tpu.memory_space<hbm>>) target_semaphore(%arg11 : memref<!tpu.dma_semaphore, #tpu.memory_space<semaphore_mem>>)
    %dma_start3A_482 = arith.constant 23 : i32
    %dma_start3A_483 = arith.constant 184 : i32
    %dma_start3A_484 = arith.constant 0 : i32
    %dma_start3A_485 = tpu.memref_slice %arg9[%dma_start3A_483, %dma_start3A_484] : memref<240x256xf32, #tpu.memory_space<vmem>> -> memref<8x256xf32, #tpu.memory_space<vmem>>
    %dma_start3A_486 = arith.constant 0 : i32
    %dma_start3A_487 = tpu.memref_slice %arg5[%dma_start3A_482, %mul3A_2, %dma_start3A_486] : memref<30x256x256xf32, #tpu.memory_space<hbm>> -> memref<1x8x256xf32, #tpu.memory_space<hbm>>
    %dma_start3A_488 = tpu.memref_squeeze %dma_start3A_487 : memref<1x8x256xf32, #tpu.memory_space<hbm>> -> memref<8x256xf32, #tpu.memory_space<hbm>>
    %dma_start3A_489 = arith.constant 0 : i32
    %dma_start3A_490 = tpu.memref_slice %arg5[%dma_start3A_482, %mul3A_2, %dma_start3A_489] : memref<30x256x256xf32, #tpu.memory_space<hbm>> -> memref<1x8x256xf32, #tpu.memory_space<hbm>>
    %dma_start3A_491 = tpu.memref_squeeze %dma_start3A_490 : memref<1x8x256xf32, #tpu.memory_space<hbm>> -> memref<8x256xf32, #tpu.memory_space<hbm>>
    %dma_start3A_492 = arith.constant 184 : i32
    %dma_start3A_493 = arith.constant 0 : i32
    %dma_start3A_494 = tpu.memref_slice %arg9[%dma_start3A_492, %dma_start3A_493] : memref<240x256xf32, #tpu.memory_space<vmem>> -> memref<8x256xf32, #tpu.memory_space<vmem>>
    tpu.enqueue_dma source(%dma_start3A_494 : memref<8x256xf32, #tpu.memory_space<vmem>>) target(%dma_start3A_491 : memref<8x256xf32, #tpu.memory_space<hbm>>) target_semaphore(%arg11 : memref<!tpu.dma_semaphore, #tpu.memory_space<semaphore_mem>>)
    %dma_start3A_495 = arith.constant 24 : i32
    %dma_start3A_496 = arith.constant 192 : i32
    %dma_start3A_497 = arith.constant 0 : i32
    %dma_start3A_498 = tpu.memref_slice %arg9[%dma_start3A_496, %dma_start3A_497] : memref<240x256xf32, #tpu.memory_space<vmem>> -> memref<8x256xf32, #tpu.memory_space<vmem>>
    %dma_start3A_499 = arith.constant 0 : i32
    %dma_start3A_500 = tpu.memref_slice %arg5[%dma_start3A_495, %mul3A_2, %dma_start3A_499] : memref<30x256x256xf32, #tpu.memory_space<hbm>> -> memref<1x8x256xf32, #tpu.memory_space<hbm>>
    %dma_start3A_501 = tpu.memref_squeeze %dma_start3A_500 : memref<1x8x256xf32, #tpu.memory_space<hbm>> -> memref<8x256xf32, #tpu.memory_space<hbm>>
    %dma_start3A_502 = arith.constant 0 : i32
    %dma_start3A_503 = tpu.memref_slice %arg5[%dma_start3A_495, %mul3A_2, %dma_start3A_502] : memref<30x256x256xf32, #tpu.memory_space<hbm>> -> memref<1x8x256xf32, #tpu.memory_space<hbm>>
    %dma_start3A_504 = tpu.memref_squeeze %dma_start3A_503 : memref<1x8x256xf32, #tpu.memory_space<hbm>> -> memref<8x256xf32, #tpu.memory_space<hbm>>
    %dma_start3A_505 = arith.constant 192 : i32
    %dma_start3A_506 = arith.constant 0 : i32
    %dma_start3A_507 = tpu.memref_slice %arg9[%dma_start3A_505, %dma_start3A_506] : memref<240x256xf32, #tpu.memory_space<vmem>> -> memref<8x256xf32, #tpu.memory_space<vmem>>
    tpu.enqueue_dma source(%dma_start3A_507 : memref<8x256xf32, #tpu.memory_space<vmem>>) target(%dma_start3A_504 : memref<8x256xf32, #tpu.memory_space<hbm>>) target_semaphore(%arg11 : memref<!tpu.dma_semaphore, #tpu.memory_space<semaphore_mem>>)
    %dma_start3A_508 = arith.constant 25 : i32
    %dma_start3A_509 = arith.constant 200 : i32
    %dma_start3A_510 = arith.constant 0 : i32
    %dma_start3A_511 = tpu.memref_slice %arg9[%dma_start3A_509, %dma_start3A_510] : memref<240x256xf32, #tpu.memory_space<vmem>> -> memref<8x256xf32, #tpu.memory_space<vmem>>
    %dma_start3A_512 = arith.constant 0 : i32
    %dma_start3A_513 = tpu.memref_slice %arg5[%dma_start3A_508, %mul3A_2, %dma_start3A_512] : memref<30x256x256xf32, #tpu.memory_space<hbm>> -> memref<1x8x256xf32, #tpu.memory_space<hbm>>
    %dma_start3A_514 = tpu.memref_squeeze %dma_start3A_513 : memref<1x8x256xf32, #tpu.memory_space<hbm>> -> memref<8x256xf32, #tpu.memory_space<hbm>>
    %dma_start3A_515 = arith.constant 0 : i32
    %dma_start3A_516 = tpu.memref_slice %arg5[%dma_start3A_508, %mul3A_2, %dma_start3A_515] : memref<30x256x256xf32, #tpu.memory_space<hbm>> -> memref<1x8x256xf32, #tpu.memory_space<hbm>>
    %dma_start3A_517 = tpu.memref_squeeze %dma_start3A_516 : memref<1x8x256xf32, #tpu.memory_space<hbm>> -> memref<8x256xf32, #tpu.memory_space<hbm>>
    %dma_start3A_518 = arith.constant 200 : i32
    %dma_start3A_519 = arith.constant 0 : i32
    %dma_start3A_520 = tpu.memref_slice %arg9[%dma_start3A_518, %dma_start3A_519] : memref<240x256xf32, #tpu.memory_space<vmem>> -> memref<8x256xf32, #tpu.memory_space<vmem>>
    tpu.enqueue_dma source(%dma_start3A_520 : memref<8x256xf32, #tpu.memory_space<vmem>>) target(%dma_start3A_517 : memref<8x256xf32, #tpu.memory_space<hbm>>) target_semaphore(%arg11 : memref<!tpu.dma_semaphore, #tpu.memory_space<semaphore_mem>>)
    %dma_start3A_521 = arith.constant 26 : i32
    %dma_start3A_522 = arith.constant 208 : i32
    %dma_start3A_523 = arith.constant 0 : i32
    %dma_start3A_524 = tpu.memref_slice %arg9[%dma_start3A_522, %dma_start3A_523] : memref<240x256xf32, #tpu.memory_space<vmem>> -> memref<8x256xf32, #tpu.memory_space<vmem>>
    %dma_start3A_525 = arith.constant 0 : i32
    %dma_start3A_526 = tpu.memref_slice %arg5[%dma_start3A_521, %mul3A_2, %dma_start3A_525] : memref<30x256x256xf32, #tpu.memory_space<hbm>> -> memref<1x8x256xf32, #tpu.memory_space<hbm>>
    %dma_start3A_527 = tpu.memref_squeeze %dma_start3A_526 : memref<1x8x256xf32, #tpu.memory_space<hbm>> -> memref<8x256xf32, #tpu.memory_space<hbm>>
    %dma_start3A_528 = arith.constant 0 : i32
    %dma_start3A_529 = tpu.memref_slice %arg5[%dma_start3A_521, %mul3A_2, %dma_start3A_528] : memref<30x256x256xf32, #tpu.memory_space<hbm>> -> memref<1x8x256xf32, #tpu.memory_space<hbm>>
    %dma_start3A_530 = tpu.memref_squeeze %dma_start3A_529 : memref<1x8x256xf32, #tpu.memory_space<hbm>> -> memref<8x256xf32, #tpu.memory_space<hbm>>
    %dma_start3A_531 = arith.constant 208 : i32
    %dma_start3A_532 = arith.constant 0 : i32
    %dma_start3A_533 = tpu.memref_slice %arg9[%dma_start3A_531, %dma_start3A_532] : memref<240x256xf32, #tpu.memory_space<vmem>> -> memref<8x256xf32, #tpu.memory_space<vmem>>
    tpu.enqueue_dma source(%dma_start3A_533 : memref<8x256xf32, #tpu.memory_space<vmem>>) target(%dma_start3A_530 : memref<8x256xf32, #tpu.memory_space<hbm>>) target_semaphore(%arg11 : memref<!tpu.dma_semaphore, #tpu.memory_space<semaphore_mem>>)
    %dma_start3A_534 = arith.constant 27 : i32
    %dma_start3A_535 = arith.constant 216 : i32
    %dma_start3A_536 = arith.constant 0 : i32
    %dma_start3A_537 = tpu.memref_slice %arg9[%dma_start3A_535, %dma_start3A_536] : memref<240x256xf32, #tpu.memory_space<vmem>> -> memref<8x256xf32, #tpu.memory_space<vmem>>
    %dma_start3A_538 = arith.constant 0 : i32
    %dma_start3A_539 = tpu.memref_slice %arg5[%dma_start3A_534, %mul3A_2, %dma_start3A_538] : memref<30x256x256xf32, #tpu.memory_space<hbm>> -> memref<1x8x256xf32, #tpu.memory_space<hbm>>
    %dma_start3A_540 = tpu.memref_squeeze %dma_start3A_539 : memref<1x8x256xf32, #tpu.memory_space<hbm>> -> memref<8x256xf32, #tpu.memory_space<hbm>>
    %dma_start3A_541 = arith.constant 0 : i32
    %dma_start3A_542 = tpu.memref_slice %arg5[%dma_start3A_534, %mul3A_2, %dma_start3A_541] : memref<30x256x256xf32, #tpu.memory_space<hbm>> -> memref<1x8x256xf32, #tpu.memory_space<hbm>>
    %dma_start3A_543 = tpu.memref_squeeze %dma_start3A_542 : memref<1x8x256xf32, #tpu.memory_space<hbm>> -> memref<8x256xf32, #tpu.memory_space<hbm>>
    %dma_start3A_544 = arith.constant 216 : i32
    %dma_start3A_545 = arith.constant 0 : i32
    %dma_start3A_546 = tpu.memref_slice %arg9[%dma_start3A_544, %dma_start3A_545] : memref<240x256xf32, #tpu.memory_space<vmem>> -> memref<8x256xf32, #tpu.memory_space<vmem>>
    tpu.enqueue_dma source(%dma_start3A_546 : memref<8x256xf32, #tpu.memory_space<vmem>>) target(%dma_start3A_543 : memref<8x256xf32, #tpu.memory_space<hbm>>) target_semaphore(%arg11 : memref<!tpu.dma_semaphore, #tpu.memory_space<semaphore_mem>>)
    %dma_start3A_547 = arith.constant 28 : i32
    %dma_start3A_548 = arith.constant 224 : i32
    %dma_start3A_549 = arith.constant 0 : i32
    %dma_start3A_550 = tpu.memref_slice %arg9[%dma_start3A_548, %dma_start3A_549] : memref<240x256xf32, #tpu.memory_space<vmem>> -> memref<8x256xf32, #tpu.memory_space<vmem>>
    %dma_start3A_551 = arith.constant 0 : i32
    %dma_start3A_552 = tpu.memref_slice %arg5[%dma_start3A_547, %mul3A_2, %dma_start3A_551] : memref<30x256x256xf32, #tpu.memory_space<hbm>> -> memref<1x8x256xf32, #tpu.memory_space<hbm>>
    %dma_start3A_553 = tpu.memref_squeeze %dma_start3A_552 : memref<1x8x256xf32, #tpu.memory_space<hbm>> -> memref<8x256xf32, #tpu.memory_space<hbm>>
    %dma_start3A_554 = arith.constant 0 : i32
    %dma_start3A_555 = tpu.memref_slice %arg5[%dma_start3A_547, %mul3A_2, %dma_start3A_554] : memref<30x256x256xf32, #tpu.memory_space<hbm>> -> memref<1x8x256xf32, #tpu.memory_space<hbm>>
    %dma_start3A_556 = tpu.memref_squeeze %dma_start3A_555 : memref<1x8x256xf32, #tpu.memory_space<hbm>> -> memref<8x256xf32, #tpu.memory_space<hbm>>
    %dma_start3A_557 = arith.constant 224 : i32
    %dma_start3A_558 = arith.constant 0 : i32
    %dma_start3A_559 = tpu.memref_slice %arg9[%dma_start3A_557, %dma_start3A_558] : memref<240x256xf32, #tpu.memory_space<vmem>> -> memref<8x256xf32, #tpu.memory_space<vmem>>
    tpu.enqueue_dma source(%dma_start3A_559 : memref<8x256xf32, #tpu.memory_space<vmem>>) target(%dma_start3A_556 : memref<8x256xf32, #tpu.memory_space<hbm>>) target_semaphore(%arg11 : memref<!tpu.dma_semaphore, #tpu.memory_space<semaphore_mem>>)
    %dma_start3A_560 = arith.constant 29 : i32
    %dma_start3A_561 = arith.constant 232 : i32
    %dma_start3A_562 = arith.constant 0 : i32
    %dma_start3A_563 = tpu.memref_slice %arg9[%dma_start3A_561, %dma_start3A_562] : memref<240x256xf32, #tpu.memory_space<vmem>> -> memref<8x256xf32, #tpu.memory_space<vmem>>
    %dma_start3A_564 = arith.constant 0 : i32
    %dma_start3A_565 = tpu.memref_slice %arg5[%dma_start3A_560, %mul3A_2, %dma_start3A_564] : memref<30x256x256xf32, #tpu.memory_space<hbm>> -> memref<1x8x256xf32, #tpu.memory_space<hbm>>
    %dma_start3A_566 = tpu.memref_squeeze %dma_start3A_565 : memref<1x8x256xf32, #tpu.memory_space<hbm>> -> memref<8x256xf32, #tpu.memory_space<hbm>>
    %dma_start3A_567 = arith.constant 0 : i32
    %dma_start3A_568 = tpu.memref_slice %arg5[%dma_start3A_560, %mul3A_2, %dma_start3A_567] : memref<30x256x256xf32, #tpu.memory_space<hbm>> -> memref<1x8x256xf32, #tpu.memory_space<hbm>>
    %dma_start3A_569 = tpu.memref_squeeze %dma_start3A_568 : memref<1x8x256xf32, #tpu.memory_space<hbm>> -> memref<8x256xf32, #tpu.memory_space<hbm>>
    %dma_start3A_570 = arith.constant 232 : i32
    %dma_start3A_571 = arith.constant 0 : i32
    %dma_start3A_572 = tpu.memref_slice %arg9[%dma_start3A_570, %dma_start3A_571] : memref<240x256xf32, #tpu.memory_space<vmem>> -> memref<8x256xf32, #tpu.memory_space<vmem>>
    tpu.enqueue_dma source(%dma_start3A_572 : memref<8x256xf32, #tpu.memory_space<vmem>>) target(%dma_start3A_569 : memref<8x256xf32, #tpu.memory_space<hbm>>) target_semaphore(%arg11 : memref<!tpu.dma_semaphore, #tpu.memory_space<semaphore_mem>>)
    %dma_wait3A_573 = arith.constant 0 : i32
    %dma_wait3A_574 = arith.constant 0 : i32
    %dma_wait3A_575 = arith.constant 0 : i32
    %dma_wait3A_576 = tpu.memref_slice %arg9[%dma_wait3A_574, %dma_wait3A_575] : memref<240x256xf32, #tpu.memory_space<vmem>> -> memref<8x256xf32, #tpu.memory_space<vmem>>
    %dma_wait3A_577 = arith.constant 0 : i32
    %dma_wait3A_578 = tpu.memref_slice %arg5[%dma_wait3A_573, %mul3A_2, %dma_wait3A_577] : memref<30x256x256xf32, #tpu.memory_space<hbm>> -> memref<1x8x256xf32, #tpu.memory_space<hbm>>
    %dma_wait3A_579 = tpu.memref_squeeze %dma_wait3A_578 : memref<1x8x256xf32, #tpu.memory_space<hbm>> -> memref<8x256xf32, #tpu.memory_space<hbm>>
    %dma_wait3A_580 = arith.constant 0 : i32
    %dma_wait3A_581 = tpu.memref_slice %arg5[%dma_wait3A_573, %mul3A_2, %dma_wait3A_580] : memref<30x256x256xf32, #tpu.memory_space<hbm>> -> memref<1x8x256xf32, #tpu.memory_space<hbm>>
    %dma_wait3A_582 = tpu.memref_squeeze %dma_wait3A_581 : memref<1x8x256xf32, #tpu.memory_space<hbm>> -> memref<8x256xf32, #tpu.memory_space<hbm>>
    %dma_wait3A_583 = arith.constant 0 : i32
    %dma_wait3A_584 = arith.constant 0 : i32
    %dma_wait3A_585 = tpu.memref_slice %arg9[%dma_wait3A_583, %dma_wait3A_584] : memref<240x256xf32, #tpu.memory_space<vmem>> -> memref<8x256xf32, #tpu.memory_space<vmem>>
    tpu.wait_dma2 semaphore(%arg11 : memref<!tpu.dma_semaphore, #tpu.memory_space<semaphore_mem>>) src(%dma_wait3A_585 : memref<8x256xf32, #tpu.memory_space<vmem>>) dst(%dma_wait3A_582 : memref<8x256xf32, #tpu.memory_space<hbm>>)
    %dma_wait3A_586 = arith.constant 1 : i32
    %dma_wait3A_587 = arith.constant 8 : i32
    %dma_wait3A_588 = arith.constant 0 : i32
    %dma_wait3A_589 = tpu.memref_slice %arg9[%dma_wait3A_587, %dma_wait3A_588] : memref<240x256xf32, #tpu.memory_space<vmem>> -> memref<8x256xf32, #tpu.memory_space<vmem>>
    %dma_wait3A_590 = arith.constant 0 : i32
    %dma_wait3A_591 = tpu.memref_slice %arg5[%dma_wait3A_586, %mul3A_2, %dma_wait3A_590] : memref<30x256x256xf32, #tpu.memory_space<hbm>> -> memref<1x8x256xf32, #tpu.memory_space<hbm>>
    %dma_wait3A_592 = tpu.memref_squeeze %dma_wait3A_591 : memref<1x8x256xf32, #tpu.memory_space<hbm>> -> memref<8x256xf32, #tpu.memory_space<hbm>>
    %dma_wait3A_593 = arith.constant 0 : i32
    %dma_wait3A_594 = tpu.memref_slice %arg5[%dma_wait3A_586, %mul3A_2, %dma_wait3A_593] : memref<30x256x256xf32, #tpu.memory_space<hbm>> -> memref<1x8x256xf32, #tpu.memory_space<hbm>>
    %dma_wait3A_595 = tpu.memref_squeeze %dma_wait3A_594 : memref<1x8x256xf32, #tpu.memory_space<hbm>> -> memref<8x256xf32, #tpu.memory_space<hbm>>
    %dma_wait3A_596 = arith.constant 8 : i32
    %dma_wait3A_597 = arith.constant 0 : i32
    %dma_wait3A_598 = tpu.memref_slice %arg9[%dma_wait3A_596, %dma_wait3A_597] : memref<240x256xf32, #tpu.memory_space<vmem>> -> memref<8x256xf32, #tpu.memory_space<vmem>>
    tpu.wait_dma2 semaphore(%arg11 : memref<!tpu.dma_semaphore, #tpu.memory_space<semaphore_mem>>) src(%dma_wait3A_598 : memref<8x256xf32, #tpu.memory_space<vmem>>) dst(%dma_wait3A_595 : memref<8x256xf32, #tpu.memory_space<hbm>>)
    %dma_wait3A_599 = arith.constant 2 : i32
    %dma_wait3A_600 = arith.constant 16 : i32
    %dma_wait3A_601 = arith.constant 0 : i32
    %dma_wait3A_602 = tpu.memref_slice %arg9[%dma_wait3A_600, %dma_wait3A_601] : memref<240x256xf32, #tpu.memory_space<vmem>> -> memref<8x256xf32, #tpu.memory_space<vmem>>
    %dma_wait3A_603 = arith.constant 0 : i32
    %dma_wait3A_604 = tpu.memref_slice %arg5[%dma_wait3A_599, %mul3A_2, %dma_wait3A_603] : memref<30x256x256xf32, #tpu.memory_space<hbm>> -> memref<1x8x256xf32, #tpu.memory_space<hbm>>
    %dma_wait3A_605 = tpu.memref_squeeze %dma_wait3A_604 : memref<1x8x256xf32, #tpu.memory_space<hbm>> -> memref<8x256xf32, #tpu.memory_space<hbm>>
    %dma_wait3A_606 = arith.constant 0 : i32
    %dma_wait3A_607 = tpu.memref_slice %arg5[%dma_wait3A_599, %mul3A_2, %dma_wait3A_606] : memref<30x256x256xf32, #tpu.memory_space<hbm>> -> memref<1x8x256xf32, #tpu.memory_space<hbm>>
    %dma_wait3A_608 = tpu.memref_squeeze %dma_wait3A_607 : memref<1x8x256xf32, #tpu.memory_space<hbm>> -> memref<8x256xf32, #tpu.memory_space<hbm>>
    %dma_wait3A_609 = arith.constant 16 : i32
    %dma_wait3A_610 = arith.constant 0 : i32
    %dma_wait3A_611 = tpu.memref_slice %arg9[%dma_wait3A_609, %dma_wait3A_610] : memref<240x256xf32, #tpu.memory_space<vmem>> -> memref<8x256xf32, #tpu.memory_space<vmem>>
    tpu.wait_dma2 semaphore(%arg11 : memref<!tpu.dma_semaphore, #tpu.memory_space<semaphore_mem>>) src(%dma_wait3A_611 : memref<8x256xf32, #tpu.memory_space<vmem>>) dst(%dma_wait3A_608 : memref<8x256xf32, #tpu.memory_space<hbm>>)
    %dma_wait3A_612 = arith.constant 3 : i32
    %dma_wait3A_613 = arith.constant 24 : i32
    %dma_wait3A_614 = arith.constant 0 : i32
    %dma_wait3A_615 = tpu.memref_slice %arg9[%dma_wait3A_613, %dma_wait3A_614] : memref<240x256xf32, #tpu.memory_space<vmem>> -> memref<8x256xf32, #tpu.memory_space<vmem>>
    %dma_wait3A_616 = arith.constant 0 : i32
    %dma_wait3A_617 = tpu.memref_slice %arg5[%dma_wait3A_612, %mul3A_2, %dma_wait3A_616] : memref<30x256x256xf32, #tpu.memory_space<hbm>> -> memref<1x8x256xf32, #tpu.memory_space<hbm>>
    %dma_wait3A_618 = tpu.memref_squeeze %dma_wait3A_617 : memref<1x8x256xf32, #tpu.memory_space<hbm>> -> memref<8x256xf32, #tpu.memory_space<hbm>>
    %dma_wait3A_619 = arith.constant 0 : i32
    %dma_wait3A_620 = tpu.memref_slice %arg5[%dma_wait3A_612, %mul3A_2, %dma_wait3A_619] : memref<30x256x256xf32, #tpu.memory_space<hbm>> -> memref<1x8x256xf32, #tpu.memory_space<hbm>>
    %dma_wait3A_621 = tpu.memref_squeeze %dma_wait3A_620 : memref<1x8x256xf32, #tpu.memory_space<hbm>> -> memref<8x256xf32, #tpu.memory_space<hbm>>
    %dma_wait3A_622 = arith.constant 24 : i32
    %dma_wait3A_623 = arith.constant 0 : i32
    %dma_wait3A_624 = tpu.memref_slice %arg9[%dma_wait3A_622, %dma_wait3A_623] : memref<240x256xf32, #tpu.memory_space<vmem>> -> memref<8x256xf32, #tpu.memory_space<vmem>>
    tpu.wait_dma2 semaphore(%arg11 : memref<!tpu.dma_semaphore, #tpu.memory_space<semaphore_mem>>) src(%dma_wait3A_624 : memref<8x256xf32, #tpu.memory_space<vmem>>) dst(%dma_wait3A_621 : memref<8x256xf32, #tpu.memory_space<hbm>>)
    %dma_wait3A_625 = arith.constant 4 : i32
    %dma_wait3A_626 = arith.constant 32 : i32
    %dma_wait3A_627 = arith.constant 0 : i32
    %dma_wait3A_628 = tpu.memref_slice %arg9[%dma_wait3A_626, %dma_wait3A_627] : memref<240x256xf32, #tpu.memory_space<vmem>> -> memref<8x256xf32, #tpu.memory_space<vmem>>
    %dma_wait3A_629 = arith.constant 0 : i32
    %dma_wait3A_630 = tpu.memref_slice %arg5[%dma_wait3A_625, %mul3A_2, %dma_wait3A_629] : memref<30x256x256xf32, #tpu.memory_space<hbm>> -> memref<1x8x256xf32, #tpu.memory_space<hbm>>
    %dma_wait3A_631 = tpu.memref_squeeze %dma_wait3A_630 : memref<1x8x256xf32, #tpu.memory_space<hbm>> -> memref<8x256xf32, #tpu.memory_space<hbm>>
    %dma_wait3A_632 = arith.constant 0 : i32
    %dma_wait3A_633 = tpu.memref_slice %arg5[%dma_wait3A_625, %mul3A_2, %dma_wait3A_632] : memref<30x256x256xf32, #tpu.memory_space<hbm>> -> memref<1x8x256xf32, #tpu.memory_space<hbm>>
    %dma_wait3A_634 = tpu.memref_squeeze %dma_wait3A_633 : memref<1x8x256xf32, #tpu.memory_space<hbm>> -> memref<8x256xf32, #tpu.memory_space<hbm>>
    %dma_wait3A_635 = arith.constant 32 : i32
    %dma_wait3A_636 = arith.constant 0 : i32
    %dma_wait3A_637 = tpu.memref_slice %arg9[%dma_wait3A_635, %dma_wait3A_636] : memref<240x256xf32, #tpu.memory_space<vmem>> -> memref<8x256xf32, #tpu.memory_space<vmem>>
    tpu.wait_dma2 semaphore(%arg11 : memref<!tpu.dma_semaphore, #tpu.memory_space<semaphore_mem>>) src(%dma_wait3A_637 : memref<8x256xf32, #tpu.memory_space<vmem>>) dst(%dma_wait3A_634 : memref<8x256xf32, #tpu.memory_space<hbm>>)
    %dma_wait3A_638 = arith.constant 5 : i32
    %dma_wait3A_639 = arith.constant 40 : i32
    %dma_wait3A_640 = arith.constant 0 : i32
    %dma_wait3A_641 = tpu.memref_slice %arg9[%dma_wait3A_639, %dma_wait3A_640] : memref<240x256xf32, #tpu.memory_space<vmem>> -> memref<8x256xf32, #tpu.memory_space<vmem>>
    %dma_wait3A_642 = arith.constant 0 : i32
    %dma_wait3A_643 = tpu.memref_slice %arg5[%dma_wait3A_638, %mul3A_2, %dma_wait3A_642] : memref<30x256x256xf32, #tpu.memory_space<hbm>> -> memref<1x8x256xf32, #tpu.memory_space<hbm>>
    %dma_wait3A_644 = tpu.memref_squeeze %dma_wait3A_643 : memref<1x8x256xf32, #tpu.memory_space<hbm>> -> memref<8x256xf32, #tpu.memory_space<hbm>>
    %dma_wait3A_645 = arith.constant 0 : i32
    %dma_wait3A_646 = tpu.memref_slice %arg5[%dma_wait3A_638, %mul3A_2, %dma_wait3A_645] : memref<30x256x256xf32, #tpu.memory_space<hbm>> -> memref<1x8x256xf32, #tpu.memory_space<hbm>>
    %dma_wait3A_647 = tpu.memref_squeeze %dma_wait3A_646 : memref<1x8x256xf32, #tpu.memory_space<hbm>> -> memref<8x256xf32, #tpu.memory_space<hbm>>
    %dma_wait3A_648 = arith.constant 40 : i32
    %dma_wait3A_649 = arith.constant 0 : i32
    %dma_wait3A_650 = tpu.memref_slice %arg9[%dma_wait3A_648, %dma_wait3A_649] : memref<240x256xf32, #tpu.memory_space<vmem>> -> memref<8x256xf32, #tpu.memory_space<vmem>>
    tpu.wait_dma2 semaphore(%arg11 : memref<!tpu.dma_semaphore, #tpu.memory_space<semaphore_mem>>) src(%dma_wait3A_650 : memref<8x256xf32, #tpu.memory_space<vmem>>) dst(%dma_wait3A_647 : memref<8x256xf32, #tpu.memory_space<hbm>>)
    %dma_wait3A_651 = arith.constant 6 : i32
    %dma_wait3A_652 = arith.constant 48 : i32
    %dma_wait3A_653 = arith.constant 0 : i32
    %dma_wait3A_654 = tpu.memref_slice %arg9[%dma_wait3A_652, %dma_wait3A_653] : memref<240x256xf32, #tpu.memory_space<vmem>> -> memref<8x256xf32, #tpu.memory_space<vmem>>
    %dma_wait3A_655 = arith.constant 0 : i32
    %dma_wait3A_656 = tpu.memref_slice %arg5[%dma_wait3A_651, %mul3A_2, %dma_wait3A_655] : memref<30x256x256xf32, #tpu.memory_space<hbm>> -> memref<1x8x256xf32, #tpu.memory_space<hbm>>
    %dma_wait3A_657 = tpu.memref_squeeze %dma_wait3A_656 : memref<1x8x256xf32, #tpu.memory_space<hbm>> -> memref<8x256xf32, #tpu.memory_space<hbm>>
    %dma_wait3A_658 = arith.constant 0 : i32
    %dma_wait3A_659 = tpu.memref_slice %arg5[%dma_wait3A_651, %mul3A_2, %dma_wait3A_658] : memref<30x256x256xf32, #tpu.memory_space<hbm>> -> memref<1x8x256xf32, #tpu.memory_space<hbm>>
    %dma_wait3A_660 = tpu.memref_squeeze %dma_wait3A_659 : memref<1x8x256xf32, #tpu.memory_space<hbm>> -> memref<8x256xf32, #tpu.memory_space<hbm>>
    %dma_wait3A_661 = arith.constant 48 : i32
    %dma_wait3A_662 = arith.constant 0 : i32
    %dma_wait3A_663 = tpu.memref_slice %arg9[%dma_wait3A_661, %dma_wait3A_662] : memref<240x256xf32, #tpu.memory_space<vmem>> -> memref<8x256xf32, #tpu.memory_space<vmem>>
    tpu.wait_dma2 semaphore(%arg11 : memref<!tpu.dma_semaphore, #tpu.memory_space<semaphore_mem>>) src(%dma_wait3A_663 : memref<8x256xf32, #tpu.memory_space<vmem>>) dst(%dma_wait3A_660 : memref<8x256xf32, #tpu.memory_space<hbm>>)
    %dma_wait3A_664 = arith.constant 7 : i32
    %dma_wait3A_665 = arith.constant 56 : i32
    %dma_wait3A_666 = arith.constant 0 : i32
    %dma_wait3A_667 = tpu.memref_slice %arg9[%dma_wait3A_665, %dma_wait3A_666] : memref<240x256xf32, #tpu.memory_space<vmem>> -> memref<8x256xf32, #tpu.memory_space<vmem>>
    %dma_wait3A_668 = arith.constant 0 : i32
    %dma_wait3A_669 = tpu.memref_slice %arg5[%dma_wait3A_664, %mul3A_2, %dma_wait3A_668] : memref<30x256x256xf32, #tpu.memory_space<hbm>> -> memref<1x8x256xf32, #tpu.memory_space<hbm>>
    %dma_wait3A_670 = tpu.memref_squeeze %dma_wait3A_669 : memref<1x8x256xf32, #tpu.memory_space<hbm>> -> memref<8x256xf32, #tpu.memory_space<hbm>>
    %dma_wait3A_671 = arith.constant 0 : i32
    %dma_wait3A_672 = tpu.memref_slice %arg5[%dma_wait3A_664, %mul3A_2, %dma_wait3A_671] : memref<30x256x256xf32, #tpu.memory_space<hbm>> -> memref<1x8x256xf32, #tpu.memory_space<hbm>>
    %dma_wait3A_673 = tpu.memref_squeeze %dma_wait3A_672 : memref<1x8x256xf32, #tpu.memory_space<hbm>> -> memref<8x256xf32, #tpu.memory_space<hbm>>
    %dma_wait3A_674 = arith.constant 56 : i32
    %dma_wait3A_675 = arith.constant 0 : i32
    %dma_wait3A_676 = tpu.memref_slice %arg9[%dma_wait3A_674, %dma_wait3A_675] : memref<240x256xf32, #tpu.memory_space<vmem>> -> memref<8x256xf32, #tpu.memory_space<vmem>>
    tpu.wait_dma2 semaphore(%arg11 : memref<!tpu.dma_semaphore, #tpu.memory_space<semaphore_mem>>) src(%dma_wait3A_676 : memref<8x256xf32, #tpu.memory_space<vmem>>) dst(%dma_wait3A_673 : memref<8x256xf32, #tpu.memory_space<hbm>>)
    %dma_wait3A_677 = arith.constant 8 : i32
    %dma_wait3A_678 = arith.constant 64 : i32
    %dma_wait3A_679 = arith.constant 0 : i32
    %dma_wait3A_680 = tpu.memref_slice %arg9[%dma_wait3A_678, %dma_wait3A_679] : memref<240x256xf32, #tpu.memory_space<vmem>> -> memref<8x256xf32, #tpu.memory_space<vmem>>
    %dma_wait3A_681 = arith.constant 0 : i32
    %dma_wait3A_682 = tpu.memref_slice %arg5[%dma_wait3A_677, %mul3A_2, %dma_wait3A_681] : memref<30x256x256xf32, #tpu.memory_space<hbm>> -> memref<1x8x256xf32, #tpu.memory_space<hbm>>
    %dma_wait3A_683 = tpu.memref_squeeze %dma_wait3A_682 : memref<1x8x256xf32, #tpu.memory_space<hbm>> -> memref<8x256xf32, #tpu.memory_space<hbm>>
    %dma_wait3A_684 = arith.constant 0 : i32
    %dma_wait3A_685 = tpu.memref_slice %arg5[%dma_wait3A_677, %mul3A_2, %dma_wait3A_684] : memref<30x256x256xf32, #tpu.memory_space<hbm>> -> memref<1x8x256xf32, #tpu.memory_space<hbm>>
    %dma_wait3A_686 = tpu.memref_squeeze %dma_wait3A_685 : memref<1x8x256xf32, #tpu.memory_space<hbm>> -> memref<8x256xf32, #tpu.memory_space<hbm>>
    %dma_wait3A_687 = arith.constant 64 : i32
    %dma_wait3A_688 = arith.constant 0 : i32
    %dma_wait3A_689 = tpu.memref_slice %arg9[%dma_wait3A_687, %dma_wait3A_688] : memref<240x256xf32, #tpu.memory_space<vmem>> -> memref<8x256xf32, #tpu.memory_space<vmem>>
    tpu.wait_dma2 semaphore(%arg11 : memref<!tpu.dma_semaphore, #tpu.memory_space<semaphore_mem>>) src(%dma_wait3A_689 : memref<8x256xf32, #tpu.memory_space<vmem>>) dst(%dma_wait3A_686 : memref<8x256xf32, #tpu.memory_space<hbm>>)
    %dma_wait3A_690 = arith.constant 9 : i32
    %dma_wait3A_691 = arith.constant 72 : i32
    %dma_wait3A_692 = arith.constant 0 : i32
    %dma_wait3A_693 = tpu.memref_slice %arg9[%dma_wait3A_691, %dma_wait3A_692] : memref<240x256xf32, #tpu.memory_space<vmem>> -> memref<8x256xf32, #tpu.memory_space<vmem>>
    %dma_wait3A_694 = arith.constant 0 : i32
    %dma_wait3A_695 = tpu.memref_slice %arg5[%dma_wait3A_690, %mul3A_2, %dma_wait3A_694] : memref<30x256x256xf32, #tpu.memory_space<hbm>> -> memref<1x8x256xf32, #tpu.memory_space<hbm>>
    %dma_wait3A_696 = tpu.memref_squeeze %dma_wait3A_695 : memref<1x8x256xf32, #tpu.memory_space<hbm>> -> memref<8x256xf32, #tpu.memory_space<hbm>>
    %dma_wait3A_697 = arith.constant 0 : i32
    %dma_wait3A_698 = tpu.memref_slice %arg5[%dma_wait3A_690, %mul3A_2, %dma_wait3A_697] : memref<30x256x256xf32, #tpu.memory_space<hbm>> -> memref<1x8x256xf32, #tpu.memory_space<hbm>>
    %dma_wait3A_699 = tpu.memref_squeeze %dma_wait3A_698 : memref<1x8x256xf32, #tpu.memory_space<hbm>> -> memref<8x256xf32, #tpu.memory_space<hbm>>
    %dma_wait3A_700 = arith.constant 72 : i32
    %dma_wait3A_701 = arith.constant 0 : i32
    %dma_wait3A_702 = tpu.memref_slice %arg9[%dma_wait3A_700, %dma_wait3A_701] : memref<240x256xf32, #tpu.memory_space<vmem>> -> memref<8x256xf32, #tpu.memory_space<vmem>>
    tpu.wait_dma2 semaphore(%arg11 : memref<!tpu.dma_semaphore, #tpu.memory_space<semaphore_mem>>) src(%dma_wait3A_702 : memref<8x256xf32, #tpu.memory_space<vmem>>) dst(%dma_wait3A_699 : memref<8x256xf32, #tpu.memory_space<hbm>>)
    %dma_wait3A_703 = arith.constant 10 : i32
    %dma_wait3A_704 = arith.constant 80 : i32
    %dma_wait3A_705 = arith.constant 0 : i32
    %dma_wait3A_706 = tpu.memref_slice %arg9[%dma_wait3A_704, %dma_wait3A_705] : memref<240x256xf32, #tpu.memory_space<vmem>> -> memref<8x256xf32, #tpu.memory_space<vmem>>
    %dma_wait3A_707 = arith.constant 0 : i32
    %dma_wait3A_708 = tpu.memref_slice %arg5[%dma_wait3A_703, %mul3A_2, %dma_wait3A_707] : memref<30x256x256xf32, #tpu.memory_space<hbm>> -> memref<1x8x256xf32, #tpu.memory_space<hbm>>
    %dma_wait3A_709 = tpu.memref_squeeze %dma_wait3A_708 : memref<1x8x256xf32, #tpu.memory_space<hbm>> -> memref<8x256xf32, #tpu.memory_space<hbm>>
    %dma_wait3A_710 = arith.constant 0 : i32
    %dma_wait3A_711 = tpu.memref_slice %arg5[%dma_wait3A_703, %mul3A_2, %dma_wait3A_710] : memref<30x256x256xf32, #tpu.memory_space<hbm>> -> memref<1x8x256xf32, #tpu.memory_space<hbm>>
    %dma_wait3A_712 = tpu.memref_squeeze %dma_wait3A_711 : memref<1x8x256xf32, #tpu.memory_space<hbm>> -> memref<8x256xf32, #tpu.memory_space<hbm>>
    %dma_wait3A_713 = arith.constant 80 : i32
    %dma_wait3A_714 = arith.constant 0 : i32
    %dma_wait3A_715 = tpu.memref_slice %arg9[%dma_wait3A_713, %dma_wait3A_714] : memref<240x256xf32, #tpu.memory_space<vmem>> -> memref<8x256xf32, #tpu.memory_space<vmem>>
    tpu.wait_dma2 semaphore(%arg11 : memref<!tpu.dma_semaphore, #tpu.memory_space<semaphore_mem>>) src(%dma_wait3A_715 : memref<8x256xf32, #tpu.memory_space<vmem>>) dst(%dma_wait3A_712 : memref<8x256xf32, #tpu.memory_space<hbm>>)
    %dma_wait3A_716 = arith.constant 11 : i32
    %dma_wait3A_717 = arith.constant 88 : i32
    %dma_wait3A_718 = arith.constant 0 : i32
    %dma_wait3A_719 = tpu.memref_slice %arg9[%dma_wait3A_717, %dma_wait3A_718] : memref<240x256xf32, #tpu.memory_space<vmem>> -> memref<8x256xf32, #tpu.memory_space<vmem>>
    %dma_wait3A_720 = arith.constant 0 : i32
    %dma_wait3A_721 = tpu.memref_slice %arg5[%dma_wait3A_716, %mul3A_2, %dma_wait3A_720] : memref<30x256x256xf32, #tpu.memory_space<hbm>> -> memref<1x8x256xf32, #tpu.memory_space<hbm>>
    %dma_wait3A_722 = tpu.memref_squeeze %dma_wait3A_721 : memref<1x8x256xf32, #tpu.memory_space<hbm>> -> memref<8x256xf32, #tpu.memory_space<hbm>>
    %dma_wait3A_723 = arith.constant 0 : i32
    %dma_wait3A_724 = tpu.memref_slice %arg5[%dma_wait3A_716, %mul3A_2, %dma_wait3A_723] : memref<30x256x256xf32, #tpu.memory_space<hbm>> -> memref<1x8x256xf32, #tpu.memory_space<hbm>>
    %dma_wait3A_725 = tpu.memref_squeeze %dma_wait3A_724 : memref<1x8x256xf32, #tpu.memory_space<hbm>> -> memref<8x256xf32, #tpu.memory_space<hbm>>
    %dma_wait3A_726 = arith.constant 88 : i32
    %dma_wait3A_727 = arith.constant 0 : i32
    %dma_wait3A_728 = tpu.memref_slice %arg9[%dma_wait3A_726, %dma_wait3A_727] : memref<240x256xf32, #tpu.memory_space<vmem>> -> memref<8x256xf32, #tpu.memory_space<vmem>>
    tpu.wait_dma2 semaphore(%arg11 : memref<!tpu.dma_semaphore, #tpu.memory_space<semaphore_mem>>) src(%dma_wait3A_728 : memref<8x256xf32, #tpu.memory_space<vmem>>) dst(%dma_wait3A_725 : memref<8x256xf32, #tpu.memory_space<hbm>>)
    %dma_wait3A_729 = arith.constant 12 : i32
    %dma_wait3A_730 = arith.constant 96 : i32
    %dma_wait3A_731 = arith.constant 0 : i32
    %dma_wait3A_732 = tpu.memref_slice %arg9[%dma_wait3A_730, %dma_wait3A_731] : memref<240x256xf32, #tpu.memory_space<vmem>> -> memref<8x256xf32, #tpu.memory_space<vmem>>
    %dma_wait3A_733 = arith.constant 0 : i32
    %dma_wait3A_734 = tpu.memref_slice %arg5[%dma_wait3A_729, %mul3A_2, %dma_wait3A_733] : memref<30x256x256xf32, #tpu.memory_space<hbm>> -> memref<1x8x256xf32, #tpu.memory_space<hbm>>
    %dma_wait3A_735 = tpu.memref_squeeze %dma_wait3A_734 : memref<1x8x256xf32, #tpu.memory_space<hbm>> -> memref<8x256xf32, #tpu.memory_space<hbm>>
    %dma_wait3A_736 = arith.constant 0 : i32
    %dma_wait3A_737 = tpu.memref_slice %arg5[%dma_wait3A_729, %mul3A_2, %dma_wait3A_736] : memref<30x256x256xf32, #tpu.memory_space<hbm>> -> memref<1x8x256xf32, #tpu.memory_space<hbm>>
    %dma_wait3A_738 = tpu.memref_squeeze %dma_wait3A_737 : memref<1x8x256xf32, #tpu.memory_space<hbm>> -> memref<8x256xf32, #tpu.memory_space<hbm>>
    %dma_wait3A_739 = arith.constant 96 : i32
    %dma_wait3A_740 = arith.constant 0 : i32
    %dma_wait3A_741 = tpu.memref_slice %arg9[%dma_wait3A_739, %dma_wait3A_740] : memref<240x256xf32, #tpu.memory_space<vmem>> -> memref<8x256xf32, #tpu.memory_space<vmem>>
    tpu.wait_dma2 semaphore(%arg11 : memref<!tpu.dma_semaphore, #tpu.memory_space<semaphore_mem>>) src(%dma_wait3A_741 : memref<8x256xf32, #tpu.memory_space<vmem>>) dst(%dma_wait3A_738 : memref<8x256xf32, #tpu.memory_space<hbm>>)
    %dma_wait3A_742 = arith.constant 13 : i32
    %dma_wait3A_743 = arith.constant 104 : i32
    %dma_wait3A_744 = arith.constant 0 : i32
    %dma_wait3A_745 = tpu.memref_slice %arg9[%dma_wait3A_743, %dma_wait3A_744] : memref<240x256xf32, #tpu.memory_space<vmem>> -> memref<8x256xf32, #tpu.memory_space<vmem>>
    %dma_wait3A_746 = arith.constant 0 : i32
    %dma_wait3A_747 = tpu.memref_slice %arg5[%dma_wait3A_742, %mul3A_2, %dma_wait3A_746] : memref<30x256x256xf32, #tpu.memory_space<hbm>> -> memref<1x8x256xf32, #tpu.memory_space<hbm>>
    %dma_wait3A_748 = tpu.memref_squeeze %dma_wait3A_747 : memref<1x8x256xf32, #tpu.memory_space<hbm>> -> memref<8x256xf32, #tpu.memory_space<hbm>>
    %dma_wait3A_749 = arith.constant 0 : i32
    %dma_wait3A_750 = tpu.memref_slice %arg5[%dma_wait3A_742, %mul3A_2, %dma_wait3A_749] : memref<30x256x256xf32, #tpu.memory_space<hbm>> -> memref<1x8x256xf32, #tpu.memory_space<hbm>>
    %dma_wait3A_751 = tpu.memref_squeeze %dma_wait3A_750 : memref<1x8x256xf32, #tpu.memory_space<hbm>> -> memref<8x256xf32, #tpu.memory_space<hbm>>
    %dma_wait3A_752 = arith.constant 104 : i32
    %dma_wait3A_753 = arith.constant 0 : i32
    %dma_wait3A_754 = tpu.memref_slice %arg9[%dma_wait3A_752, %dma_wait3A_753] : memref<240x256xf32, #tpu.memory_space<vmem>> -> memref<8x256xf32, #tpu.memory_space<vmem>>
    tpu.wait_dma2 semaphore(%arg11 : memref<!tpu.dma_semaphore, #tpu.memory_space<semaphore_mem>>) src(%dma_wait3A_754 : memref<8x256xf32, #tpu.memory_space<vmem>>) dst(%dma_wait3A_751 : memref<8x256xf32, #tpu.memory_space<hbm>>)
    %dma_wait3A_755 = arith.constant 14 : i32
    %dma_wait3A_756 = arith.constant 112 : i32
    %dma_wait3A_757 = arith.constant 0 : i32
    %dma_wait3A_758 = tpu.memref_slice %arg9[%dma_wait3A_756, %dma_wait3A_757] : memref<240x256xf32, #tpu.memory_space<vmem>> -> memref<8x256xf32, #tpu.memory_space<vmem>>
    %dma_wait3A_759 = arith.constant 0 : i32
    %dma_wait3A_760 = tpu.memref_slice %arg5[%dma_wait3A_755, %mul3A_2, %dma_wait3A_759] : memref<30x256x256xf32, #tpu.memory_space<hbm>> -> memref<1x8x256xf32, #tpu.memory_space<hbm>>
    %dma_wait3A_761 = tpu.memref_squeeze %dma_wait3A_760 : memref<1x8x256xf32, #tpu.memory_space<hbm>> -> memref<8x256xf32, #tpu.memory_space<hbm>>
    %dma_wait3A_762 = arith.constant 0 : i32
    %dma_wait3A_763 = tpu.memref_slice %arg5[%dma_wait3A_755, %mul3A_2, %dma_wait3A_762] : memref<30x256x256xf32, #tpu.memory_space<hbm>> -> memref<1x8x256xf32, #tpu.memory_space<hbm>>
    %dma_wait3A_764 = tpu.memref_squeeze %dma_wait3A_763 : memref<1x8x256xf32, #tpu.memory_space<hbm>> -> memref<8x256xf32, #tpu.memory_space<hbm>>
    %dma_wait3A_765 = arith.constant 112 : i32
    %dma_wait3A_766 = arith.constant 0 : i32
    %dma_wait3A_767 = tpu.memref_slice %arg9[%dma_wait3A_765, %dma_wait3A_766] : memref<240x256xf32, #tpu.memory_space<vmem>> -> memref<8x256xf32, #tpu.memory_space<vmem>>
    tpu.wait_dma2 semaphore(%arg11 : memref<!tpu.dma_semaphore, #tpu.memory_space<semaphore_mem>>) src(%dma_wait3A_767 : memref<8x256xf32, #tpu.memory_space<vmem>>) dst(%dma_wait3A_764 : memref<8x256xf32, #tpu.memory_space<hbm>>)
    %dma_wait3A_768 = arith.constant 15 : i32
    %dma_wait3A_769 = arith.constant 120 : i32
    %dma_wait3A_770 = arith.constant 0 : i32
    %dma_wait3A_771 = tpu.memref_slice %arg9[%dma_wait3A_769, %dma_wait3A_770] : memref<240x256xf32, #tpu.memory_space<vmem>> -> memref<8x256xf32, #tpu.memory_space<vmem>>
    %dma_wait3A_772 = arith.constant 0 : i32
    %dma_wait3A_773 = tpu.memref_slice %arg5[%dma_wait3A_768, %mul3A_2, %dma_wait3A_772] : memref<30x256x256xf32, #tpu.memory_space<hbm>> -> memref<1x8x256xf32, #tpu.memory_space<hbm>>
    %dma_wait3A_774 = tpu.memref_squeeze %dma_wait3A_773 : memref<1x8x256xf32, #tpu.memory_space<hbm>> -> memref<8x256xf32, #tpu.memory_space<hbm>>
    %dma_wait3A_775 = arith.constant 0 : i32
    %dma_wait3A_776 = tpu.memref_slice %arg5[%dma_wait3A_768, %mul3A_2, %dma_wait3A_775] : memref<30x256x256xf32, #tpu.memory_space<hbm>> -> memref<1x8x256xf32, #tpu.memory_space<hbm>>
    %dma_wait3A_777 = tpu.memref_squeeze %dma_wait3A_776 : memref<1x8x256xf32, #tpu.memory_space<hbm>> -> memref<8x256xf32, #tpu.memory_space<hbm>>
    %dma_wait3A_778 = arith.constant 120 : i32
    %dma_wait3A_779 = arith.constant 0 : i32
    %dma_wait3A_780 = tpu.memref_slice %arg9[%dma_wait3A_778, %dma_wait3A_779] : memref<240x256xf32, #tpu.memory_space<vmem>> -> memref<8x256xf32, #tpu.memory_space<vmem>>
    tpu.wait_dma2 semaphore(%arg11 : memref<!tpu.dma_semaphore, #tpu.memory_space<semaphore_mem>>) src(%dma_wait3A_780 : memref<8x256xf32, #tpu.memory_space<vmem>>) dst(%dma_wait3A_777 : memref<8x256xf32, #tpu.memory_space<hbm>>)
    %dma_wait3A_781 = arith.constant 16 : i32
    %dma_wait3A_782 = arith.constant 128 : i32
    %dma_wait3A_783 = arith.constant 0 : i32
    %dma_wait3A_784 = tpu.memref_slice %arg9[%dma_wait3A_782, %dma_wait3A_783] : memref<240x256xf32, #tpu.memory_space<vmem>> -> memref<8x256xf32, #tpu.memory_space<vmem>>
    %dma_wait3A_785 = arith.constant 0 : i32
    %dma_wait3A_786 = tpu.memref_slice %arg5[%dma_wait3A_781, %mul3A_2, %dma_wait3A_785] : memref<30x256x256xf32, #tpu.memory_space<hbm>> -> memref<1x8x256xf32, #tpu.memory_space<hbm>>
    %dma_wait3A_787 = tpu.memref_squeeze %dma_wait3A_786 : memref<1x8x256xf32, #tpu.memory_space<hbm>> -> memref<8x256xf32, #tpu.memory_space<hbm>>
    %dma_wait3A_788 = arith.constant 0 : i32
    %dma_wait3A_789 = tpu.memref_slice %arg5[%dma_wait3A_781, %mul3A_2, %dma_wait3A_788] : memref<30x256x256xf32, #tpu.memory_space<hbm>> -> memref<1x8x256xf32, #tpu.memory_space<hbm>>
    %dma_wait3A_790 = tpu.memref_squeeze %dma_wait3A_789 : memref<1x8x256xf32, #tpu.memory_space<hbm>> -> memref<8x256xf32, #tpu.memory_space<hbm>>
    %dma_wait3A_791 = arith.constant 128 : i32
    %dma_wait3A_792 = arith.constant 0 : i32
    %dma_wait3A_793 = tpu.memref_slice %arg9[%dma_wait3A_791, %dma_wait3A_792] : memref<240x256xf32, #tpu.memory_space<vmem>> -> memref<8x256xf32, #tpu.memory_space<vmem>>
    tpu.wait_dma2 semaphore(%arg11 : memref<!tpu.dma_semaphore, #tpu.memory_space<semaphore_mem>>) src(%dma_wait3A_793 : memref<8x256xf32, #tpu.memory_space<vmem>>) dst(%dma_wait3A_790 : memref<8x256xf32, #tpu.memory_space<hbm>>)
    %dma_wait3A_794 = arith.constant 17 : i32
    %dma_wait3A_795 = arith.constant 136 : i32
    %dma_wait3A_796 = arith.constant 0 : i32
    %dma_wait3A_797 = tpu.memref_slice %arg9[%dma_wait3A_795, %dma_wait3A_796] : memref<240x256xf32, #tpu.memory_space<vmem>> -> memref<8x256xf32, #tpu.memory_space<vmem>>
    %dma_wait3A_798 = arith.constant 0 : i32
    %dma_wait3A_799 = tpu.memref_slice %arg5[%dma_wait3A_794, %mul3A_2, %dma_wait3A_798] : memref<30x256x256xf32, #tpu.memory_space<hbm>> -> memref<1x8x256xf32, #tpu.memory_space<hbm>>
    %dma_wait3A_800 = tpu.memref_squeeze %dma_wait3A_799 : memref<1x8x256xf32, #tpu.memory_space<hbm>> -> memref<8x256xf32, #tpu.memory_space<hbm>>
    %dma_wait3A_801 = arith.constant 0 : i32
    %dma_wait3A_802 = tpu.memref_slice %arg5[%dma_wait3A_794, %mul3A_2, %dma_wait3A_801] : memref<30x256x256xf32, #tpu.memory_space<hbm>> -> memref<1x8x256xf32, #tpu.memory_space<hbm>>
    %dma_wait3A_803 = tpu.memref_squeeze %dma_wait3A_802 : memref<1x8x256xf32, #tpu.memory_space<hbm>> -> memref<8x256xf32, #tpu.memory_space<hbm>>
    %dma_wait3A_804 = arith.constant 136 : i32
    %dma_wait3A_805 = arith.constant 0 : i32
    %dma_wait3A_806 = tpu.memref_slice %arg9[%dma_wait3A_804, %dma_wait3A_805] : memref<240x256xf32, #tpu.memory_space<vmem>> -> memref<8x256xf32, #tpu.memory_space<vmem>>
    tpu.wait_dma2 semaphore(%arg11 : memref<!tpu.dma_semaphore, #tpu.memory_space<semaphore_mem>>) src(%dma_wait3A_806 : memref<8x256xf32, #tpu.memory_space<vmem>>) dst(%dma_wait3A_803 : memref<8x256xf32, #tpu.memory_space<hbm>>)
    %dma_wait3A_807 = arith.constant 18 : i32
    %dma_wait3A_808 = arith.constant 144 : i32
    %dma_wait3A_809 = arith.constant 0 : i32
    %dma_wait3A_810 = tpu.memref_slice %arg9[%dma_wait3A_808, %dma_wait3A_809] : memref<240x256xf32, #tpu.memory_space<vmem>> -> memref<8x256xf32, #tpu.memory_space<vmem>>
    %dma_wait3A_811 = arith.constant 0 : i32
    %dma_wait3A_812 = tpu.memref_slice %arg5[%dma_wait3A_807, %mul3A_2, %dma_wait3A_811] : memref<30x256x256xf32, #tpu.memory_space<hbm>> -> memref<1x8x256xf32, #tpu.memory_space<hbm>>
    %dma_wait3A_813 = tpu.memref_squeeze %dma_wait3A_812 : memref<1x8x256xf32, #tpu.memory_space<hbm>> -> memref<8x256xf32, #tpu.memory_space<hbm>>
    %dma_wait3A_814 = arith.constant 0 : i32
    %dma_wait3A_815 = tpu.memref_slice %arg5[%dma_wait3A_807, %mul3A_2, %dma_wait3A_814] : memref<30x256x256xf32, #tpu.memory_space<hbm>> -> memref<1x8x256xf32, #tpu.memory_space<hbm>>
    %dma_wait3A_816 = tpu.memref_squeeze %dma_wait3A_815 : memref<1x8x256xf32, #tpu.memory_space<hbm>> -> memref<8x256xf32, #tpu.memory_space<hbm>>
    %dma_wait3A_817 = arith.constant 144 : i32
    %dma_wait3A_818 = arith.constant 0 : i32
    %dma_wait3A_819 = tpu.memref_slice %arg9[%dma_wait3A_817, %dma_wait3A_818] : memref<240x256xf32, #tpu.memory_space<vmem>> -> memref<8x256xf32, #tpu.memory_space<vmem>>
    tpu.wait_dma2 semaphore(%arg11 : memref<!tpu.dma_semaphore, #tpu.memory_space<semaphore_mem>>) src(%dma_wait3A_819 : memref<8x256xf32, #tpu.memory_space<vmem>>) dst(%dma_wait3A_816 : memref<8x256xf32, #tpu.memory_space<hbm>>)
    %dma_wait3A_820 = arith.constant 19 : i32
    %dma_wait3A_821 = arith.constant 152 : i32
    %dma_wait3A_822 = arith.constant 0 : i32
    %dma_wait3A_823 = tpu.memref_slice %arg9[%dma_wait3A_821, %dma_wait3A_822] : memref<240x256xf32, #tpu.memory_space<vmem>> -> memref<8x256xf32, #tpu.memory_space<vmem>>
    %dma_wait3A_824 = arith.constant 0 : i32
    %dma_wait3A_825 = tpu.memref_slice %arg5[%dma_wait3A_820, %mul3A_2, %dma_wait3A_824] : memref<30x256x256xf32, #tpu.memory_space<hbm>> -> memref<1x8x256xf32, #tpu.memory_space<hbm>>
    %dma_wait3A_826 = tpu.memref_squeeze %dma_wait3A_825 : memref<1x8x256xf32, #tpu.memory_space<hbm>> -> memref<8x256xf32, #tpu.memory_space<hbm>>
    %dma_wait3A_827 = arith.constant 0 : i32
    %dma_wait3A_828 = tpu.memref_slice %arg5[%dma_wait3A_820, %mul3A_2, %dma_wait3A_827] : memref<30x256x256xf32, #tpu.memory_space<hbm>> -> memref<1x8x256xf32, #tpu.memory_space<hbm>>
    %dma_wait3A_829 = tpu.memref_squeeze %dma_wait3A_828 : memref<1x8x256xf32, #tpu.memory_space<hbm>> -> memref<8x256xf32, #tpu.memory_space<hbm>>
    %dma_wait3A_830 = arith.constant 152 : i32
    %dma_wait3A_831 = arith.constant 0 : i32
    %dma_wait3A_832 = tpu.memref_slice %arg9[%dma_wait3A_830, %dma_wait3A_831] : memref<240x256xf32, #tpu.memory_space<vmem>> -> memref<8x256xf32, #tpu.memory_space<vmem>>
    tpu.wait_dma2 semaphore(%arg11 : memref<!tpu.dma_semaphore, #tpu.memory_space<semaphore_mem>>) src(%dma_wait3A_832 : memref<8x256xf32, #tpu.memory_space<vmem>>) dst(%dma_wait3A_829 : memref<8x256xf32, #tpu.memory_space<hbm>>)
    %dma_wait3A_833 = arith.constant 20 : i32
    %dma_wait3A_834 = arith.constant 160 : i32
    %dma_wait3A_835 = arith.constant 0 : i32
    %dma_wait3A_836 = tpu.memref_slice %arg9[%dma_wait3A_834, %dma_wait3A_835] : memref<240x256xf32, #tpu.memory_space<vmem>> -> memref<8x256xf32, #tpu.memory_space<vmem>>
    %dma_wait3A_837 = arith.constant 0 : i32
    %dma_wait3A_838 = tpu.memref_slice %arg5[%dma_wait3A_833, %mul3A_2, %dma_wait3A_837] : memref<30x256x256xf32, #tpu.memory_space<hbm>> -> memref<1x8x256xf32, #tpu.memory_space<hbm>>
    %dma_wait3A_839 = tpu.memref_squeeze %dma_wait3A_838 : memref<1x8x256xf32, #tpu.memory_space<hbm>> -> memref<8x256xf32, #tpu.memory_space<hbm>>
    %dma_wait3A_840 = arith.constant 0 : i32
    %dma_wait3A_841 = tpu.memref_slice %arg5[%dma_wait3A_833, %mul3A_2, %dma_wait3A_840] : memref<30x256x256xf32, #tpu.memory_space<hbm>> -> memref<1x8x256xf32, #tpu.memory_space<hbm>>
    %dma_wait3A_842 = tpu.memref_squeeze %dma_wait3A_841 : memref<1x8x256xf32, #tpu.memory_space<hbm>> -> memref<8x256xf32, #tpu.memory_space<hbm>>
    %dma_wait3A_843 = arith.constant 160 : i32
    %dma_wait3A_844 = arith.constant 0 : i32
    %dma_wait3A_845 = tpu.memref_slice %arg9[%dma_wait3A_843, %dma_wait3A_844] : memref<240x256xf32, #tpu.memory_space<vmem>> -> memref<8x256xf32, #tpu.memory_space<vmem>>
    tpu.wait_dma2 semaphore(%arg11 : memref<!tpu.dma_semaphore, #tpu.memory_space<semaphore_mem>>) src(%dma_wait3A_845 : memref<8x256xf32, #tpu.memory_space<vmem>>) dst(%dma_wait3A_842 : memref<8x256xf32, #tpu.memory_space<hbm>>)
    %dma_wait3A_846 = arith.constant 21 : i32
    %dma_wait3A_847 = arith.constant 168 : i32
    %dma_wait3A_848 = arith.constant 0 : i32
    %dma_wait3A_849 = tpu.memref_slice %arg9[%dma_wait3A_847, %dma_wait3A_848] : memref<240x256xf32, #tpu.memory_space<vmem>> -> memref<8x256xf32, #tpu.memory_space<vmem>>
    %dma_wait3A_850 = arith.constant 0 : i32
    %dma_wait3A_851 = tpu.memref_slice %arg5[%dma_wait3A_846, %mul3A_2, %dma_wait3A_850] : memref<30x256x256xf32, #tpu.memory_space<hbm>> -> memref<1x8x256xf32, #tpu.memory_space<hbm>>
    %dma_wait3A_852 = tpu.memref_squeeze %dma_wait3A_851 : memref<1x8x256xf32, #tpu.memory_space<hbm>> -> memref<8x256xf32, #tpu.memory_space<hbm>>
    %dma_wait3A_853 = arith.constant 0 : i32
    %dma_wait3A_854 = tpu.memref_slice %arg5[%dma_wait3A_846, %mul3A_2, %dma_wait3A_853] : memref<30x256x256xf32, #tpu.memory_space<hbm>> -> memref<1x8x256xf32, #tpu.memory_space<hbm>>
    %dma_wait3A_855 = tpu.memref_squeeze %dma_wait3A_854 : memref<1x8x256xf32, #tpu.memory_space<hbm>> -> memref<8x256xf32, #tpu.memory_space<hbm>>
    %dma_wait3A_856 = arith.constant 168 : i32
    %dma_wait3A_857 = arith.constant 0 : i32
    %dma_wait3A_858 = tpu.memref_slice %arg9[%dma_wait3A_856, %dma_wait3A_857] : memref<240x256xf32, #tpu.memory_space<vmem>> -> memref<8x256xf32, #tpu.memory_space<vmem>>
    tpu.wait_dma2 semaphore(%arg11 : memref<!tpu.dma_semaphore, #tpu.memory_space<semaphore_mem>>) src(%dma_wait3A_858 : memref<8x256xf32, #tpu.memory_space<vmem>>) dst(%dma_wait3A_855 : memref<8x256xf32, #tpu.memory_space<hbm>>)
    %dma_wait3A_859 = arith.constant 22 : i32
    %dma_wait3A_860 = arith.constant 176 : i32
    %dma_wait3A_861 = arith.constant 0 : i32
    %dma_wait3A_862 = tpu.memref_slice %arg9[%dma_wait3A_860, %dma_wait3A_861] : memref<240x256xf32, #tpu.memory_space<vmem>> -> memref<8x256xf32, #tpu.memory_space<vmem>>
    %dma_wait3A_863 = arith.constant 0 : i32
    %dma_wait3A_864 = tpu.memref_slice %arg5[%dma_wait3A_859, %mul3A_2, %dma_wait3A_863] : memref<30x256x256xf32, #tpu.memory_space<hbm>> -> memref<1x8x256xf32, #tpu.memory_space<hbm>>
    %dma_wait3A_865 = tpu.memref_squeeze %dma_wait3A_864 : memref<1x8x256xf32, #tpu.memory_space<hbm>> -> memref<8x256xf32, #tpu.memory_space<hbm>>
    %dma_wait3A_866 = arith.constant 0 : i32
    %dma_wait3A_867 = tpu.memref_slice %arg5[%dma_wait3A_859, %mul3A_2, %dma_wait3A_866] : memref<30x256x256xf32, #tpu.memory_space<hbm>> -> memref<1x8x256xf32, #tpu.memory_space<hbm>>
    %dma_wait3A_868 = tpu.memref_squeeze %dma_wait3A_867 : memref<1x8x256xf32, #tpu.memory_space<hbm>> -> memref<8x256xf32, #tpu.memory_space<hbm>>
    %dma_wait3A_869 = arith.constant 176 : i32
    %dma_wait3A_870 = arith.constant 0 : i32
    %dma_wait3A_871 = tpu.memref_slice %arg9[%dma_wait3A_869, %dma_wait3A_870] : memref<240x256xf32, #tpu.memory_space<vmem>> -> memref<8x256xf32, #tpu.memory_space<vmem>>
    tpu.wait_dma2 semaphore(%arg11 : memref<!tpu.dma_semaphore, #tpu.memory_space<semaphore_mem>>) src(%dma_wait3A_871 : memref<8x256xf32, #tpu.memory_space<vmem>>) dst(%dma_wait3A_868 : memref<8x256xf32, #tpu.memory_space<hbm>>)
    %dma_wait3A_872 = arith.constant 23 : i32
    %dma_wait3A_873 = arith.constant 184 : i32
    %dma_wait3A_874 = arith.constant 0 : i32
    %dma_wait3A_875 = tpu.memref_slice %arg9[%dma_wait3A_873, %dma_wait3A_874] : memref<240x256xf32, #tpu.memory_space<vmem>> -> memref<8x256xf32, #tpu.memory_space<vmem>>
    %dma_wait3A_876 = arith.constant 0 : i32
    %dma_wait3A_877 = tpu.memref_slice %arg5[%dma_wait3A_872, %mul3A_2, %dma_wait3A_876] : memref<30x256x256xf32, #tpu.memory_space<hbm>> -> memref<1x8x256xf32, #tpu.memory_space<hbm>>
    %dma_wait3A_878 = tpu.memref_squeeze %dma_wait3A_877 : memref<1x8x256xf32, #tpu.memory_space<hbm>> -> memref<8x256xf32, #tpu.memory_space<hbm>>
    %dma_wait3A_879 = arith.constant 0 : i32
    %dma_wait3A_880 = tpu.memref_slice %arg5[%dma_wait3A_872, %mul3A_2, %dma_wait3A_879] : memref<30x256x256xf32, #tpu.memory_space<hbm>> -> memref<1x8x256xf32, #tpu.memory_space<hbm>>
    %dma_wait3A_881 = tpu.memref_squeeze %dma_wait3A_880 : memref<1x8x256xf32, #tpu.memory_space<hbm>> -> memref<8x256xf32, #tpu.memory_space<hbm>>
    %dma_wait3A_882 = arith.constant 184 : i32
    %dma_wait3A_883 = arith.constant 0 : i32
    %dma_wait3A_884 = tpu.memref_slice %arg9[%dma_wait3A_882, %dma_wait3A_883] : memref<240x256xf32, #tpu.memory_space<vmem>> -> memref<8x256xf32, #tpu.memory_space<vmem>>
    tpu.wait_dma2 semaphore(%arg11 : memref<!tpu.dma_semaphore, #tpu.memory_space<semaphore_mem>>) src(%dma_wait3A_884 : memref<8x256xf32, #tpu.memory_space<vmem>>) dst(%dma_wait3A_881 : memref<8x256xf32, #tpu.memory_space<hbm>>)
    %dma_wait3A_885 = arith.constant 24 : i32
    %dma_wait3A_886 = arith.constant 192 : i32
    %dma_wait3A_887 = arith.constant 0 : i32
    %dma_wait3A_888 = tpu.memref_slice %arg9[%dma_wait3A_886, %dma_wait3A_887] : memref<240x256xf32, #tpu.memory_space<vmem>> -> memref<8x256xf32, #tpu.memory_space<vmem>>
    %dma_wait3A_889 = arith.constant 0 : i32
    %dma_wait3A_890 = tpu.memref_slice %arg5[%dma_wait3A_885, %mul3A_2, %dma_wait3A_889] : memref<30x256x256xf32, #tpu.memory_space<hbm>> -> memref<1x8x256xf32, #tpu.memory_space<hbm>>
    %dma_wait3A_891 = tpu.memref_squeeze %dma_wait3A_890 : memref<1x8x256xf32, #tpu.memory_space<hbm>> -> memref<8x256xf32, #tpu.memory_space<hbm>>
    %dma_wait3A_892 = arith.constant 0 : i32
    %dma_wait3A_893 = tpu.memref_slice %arg5[%dma_wait3A_885, %mul3A_2, %dma_wait3A_892] : memref<30x256x256xf32, #tpu.memory_space<hbm>> -> memref<1x8x256xf32, #tpu.memory_space<hbm>>
    %dma_wait3A_894 = tpu.memref_squeeze %dma_wait3A_893 : memref<1x8x256xf32, #tpu.memory_space<hbm>> -> memref<8x256xf32, #tpu.memory_space<hbm>>
    %dma_wait3A_895 = arith.constant 192 : i32
    %dma_wait3A_896 = arith.constant 0 : i32
    %dma_wait3A_897 = tpu.memref_slice %arg9[%dma_wait3A_895, %dma_wait3A_896] : memref<240x256xf32, #tpu.memory_space<vmem>> -> memref<8x256xf32, #tpu.memory_space<vmem>>
    tpu.wait_dma2 semaphore(%arg11 : memref<!tpu.dma_semaphore, #tpu.memory_space<semaphore_mem>>) src(%dma_wait3A_897 : memref<8x256xf32, #tpu.memory_space<vmem>>) dst(%dma_wait3A_894 : memref<8x256xf32, #tpu.memory_space<hbm>>)
    %dma_wait3A_898 = arith.constant 25 : i32
    %dma_wait3A_899 = arith.constant 200 : i32
    %dma_wait3A_900 = arith.constant 0 : i32
    %dma_wait3A_901 = tpu.memref_slice %arg9[%dma_wait3A_899, %dma_wait3A_900] : memref<240x256xf32, #tpu.memory_space<vmem>> -> memref<8x256xf32, #tpu.memory_space<vmem>>
    %dma_wait3A_902 = arith.constant 0 : i32
    %dma_wait3A_903 = tpu.memref_slice %arg5[%dma_wait3A_898, %mul3A_2, %dma_wait3A_902] : memref<30x256x256xf32, #tpu.memory_space<hbm>> -> memref<1x8x256xf32, #tpu.memory_space<hbm>>
    %dma_wait3A_904 = tpu.memref_squeeze %dma_wait3A_903 : memref<1x8x256xf32, #tpu.memory_space<hbm>> -> memref<8x256xf32, #tpu.memory_space<hbm>>
    %dma_wait3A_905 = arith.constant 0 : i32
    %dma_wait3A_906 = tpu.memref_slice %arg5[%dma_wait3A_898, %mul3A_2, %dma_wait3A_905] : memref<30x256x256xf32, #tpu.memory_space<hbm>> -> memref<1x8x256xf32, #tpu.memory_space<hbm>>
    %dma_wait3A_907 = tpu.memref_squeeze %dma_wait3A_906 : memref<1x8x256xf32, #tpu.memory_space<hbm>> -> memref<8x256xf32, #tpu.memory_space<hbm>>
    %dma_wait3A_908 = arith.constant 200 : i32
    %dma_wait3A_909 = arith.constant 0 : i32
    %dma_wait3A_910 = tpu.memref_slice %arg9[%dma_wait3A_908, %dma_wait3A_909] : memref<240x256xf32, #tpu.memory_space<vmem>> -> memref<8x256xf32, #tpu.memory_space<vmem>>
    tpu.wait_dma2 semaphore(%arg11 : memref<!tpu.dma_semaphore, #tpu.memory_space<semaphore_mem>>) src(%dma_wait3A_910 : memref<8x256xf32, #tpu.memory_space<vmem>>) dst(%dma_wait3A_907 : memref<8x256xf32, #tpu.memory_space<hbm>>)
    %dma_wait3A_911 = arith.constant 26 : i32
    %dma_wait3A_912 = arith.constant 208 : i32
    %dma_wait3A_913 = arith.constant 0 : i32
    %dma_wait3A_914 = tpu.memref_slice %arg9[%dma_wait3A_912, %dma_wait3A_913] : memref<240x256xf32, #tpu.memory_space<vmem>> -> memref<8x256xf32, #tpu.memory_space<vmem>>
    %dma_wait3A_915 = arith.constant 0 : i32
    %dma_wait3A_916 = tpu.memref_slice %arg5[%dma_wait3A_911, %mul3A_2, %dma_wait3A_915] : memref<30x256x256xf32, #tpu.memory_space<hbm>> -> memref<1x8x256xf32, #tpu.memory_space<hbm>>
    %dma_wait3A_917 = tpu.memref_squeeze %dma_wait3A_916 : memref<1x8x256xf32, #tpu.memory_space<hbm>> -> memref<8x256xf32, #tpu.memory_space<hbm>>
    %dma_wait3A_918 = arith.constant 0 : i32
    %dma_wait3A_919 = tpu.memref_slice %arg5[%dma_wait3A_911, %mul3A_2, %dma_wait3A_918] : memref<30x256x256xf32, #tpu.memory_space<hbm>> -> memref<1x8x256xf32, #tpu.memory_space<hbm>>
    %dma_wait3A_920 = tpu.memref_squeeze %dma_wait3A_919 : memref<1x8x256xf32, #tpu.memory_space<hbm>> -> memref<8x256xf32, #tpu.memory_space<hbm>>
    %dma_wait3A_921 = arith.constant 208 : i32
    %dma_wait3A_922 = arith.constant 0 : i32
    %dma_wait3A_923 = tpu.memref_slice %arg9[%dma_wait3A_921, %dma_wait3A_922] : memref<240x256xf32, #tpu.memory_space<vmem>> -> memref<8x256xf32, #tpu.memory_space<vmem>>
    tpu.wait_dma2 semaphore(%arg11 : memref<!tpu.dma_semaphore, #tpu.memory_space<semaphore_mem>>) src(%dma_wait3A_923 : memref<8x256xf32, #tpu.memory_space<vmem>>) dst(%dma_wait3A_920 : memref<8x256xf32, #tpu.memory_space<hbm>>)
    %dma_wait3A_924 = arith.constant 27 : i32
    %dma_wait3A_925 = arith.constant 216 : i32
    %dma_wait3A_926 = arith.constant 0 : i32
    %dma_wait3A_927 = tpu.memref_slice %arg9[%dma_wait3A_925, %dma_wait3A_926] : memref<240x256xf32, #tpu.memory_space<vmem>> -> memref<8x256xf32, #tpu.memory_space<vmem>>
    %dma_wait3A_928 = arith.constant 0 : i32
    %dma_wait3A_929 = tpu.memref_slice %arg5[%dma_wait3A_924, %mul3A_2, %dma_wait3A_928] : memref<30x256x256xf32, #tpu.memory_space<hbm>> -> memref<1x8x256xf32, #tpu.memory_space<hbm>>
    %dma_wait3A_930 = tpu.memref_squeeze %dma_wait3A_929 : memref<1x8x256xf32, #tpu.memory_space<hbm>> -> memref<8x256xf32, #tpu.memory_space<hbm>>
    %dma_wait3A_931 = arith.constant 0 : i32
    %dma_wait3A_932 = tpu.memref_slice %arg5[%dma_wait3A_924, %mul3A_2, %dma_wait3A_931] : memref<30x256x256xf32, #tpu.memory_space<hbm>> -> memref<1x8x256xf32, #tpu.memory_space<hbm>>
    %dma_wait3A_933 = tpu.memref_squeeze %dma_wait3A_932 : memref<1x8x256xf32, #tpu.memory_space<hbm>> -> memref<8x256xf32, #tpu.memory_space<hbm>>
    %dma_wait3A_934 = arith.constant 216 : i32
    %dma_wait3A_935 = arith.constant 0 : i32
    %dma_wait3A_936 = tpu.memref_slice %arg9[%dma_wait3A_934, %dma_wait3A_935] : memref<240x256xf32, #tpu.memory_space<vmem>> -> memref<8x256xf32, #tpu.memory_space<vmem>>
    tpu.wait_dma2 semaphore(%arg11 : memref<!tpu.dma_semaphore, #tpu.memory_space<semaphore_mem>>) src(%dma_wait3A_936 : memref<8x256xf32, #tpu.memory_space<vmem>>) dst(%dma_wait3A_933 : memref<8x256xf32, #tpu.memory_space<hbm>>)
    %dma_wait3A_937 = arith.constant 28 : i32
    %dma_wait3A_938 = arith.constant 224 : i32
    %dma_wait3A_939 = arith.constant 0 : i32
    %dma_wait3A_940 = tpu.memref_slice %arg9[%dma_wait3A_938, %dma_wait3A_939] : memref<240x256xf32, #tpu.memory_space<vmem>> -> memref<8x256xf32, #tpu.memory_space<vmem>>
    %dma_wait3A_941 = arith.constant 0 : i32
    %dma_wait3A_942 = tpu.memref_slice %arg5[%dma_wait3A_937, %mul3A_2, %dma_wait3A_941] : memref<30x256x256xf32, #tpu.memory_space<hbm>> -> memref<1x8x256xf32, #tpu.memory_space<hbm>>
    %dma_wait3A_943 = tpu.memref_squeeze %dma_wait3A_942 : memref<1x8x256xf32, #tpu.memory_space<hbm>> -> memref<8x256xf32, #tpu.memory_space<hbm>>
    %dma_wait3A_944 = arith.constant 0 : i32
    %dma_wait3A_945 = tpu.memref_slice %arg5[%dma_wait3A_937, %mul3A_2, %dma_wait3A_944] : memref<30x256x256xf32, #tpu.memory_space<hbm>> -> memref<1x8x256xf32, #tpu.memory_space<hbm>>
    %dma_wait3A_946 = tpu.memref_squeeze %dma_wait3A_945 : memref<1x8x256xf32, #tpu.memory_space<hbm>> -> memref<8x256xf32, #tpu.memory_space<hbm>>
    %dma_wait3A_947 = arith.constant 224 : i32
    %dma_wait3A_948 = arith.constant 0 : i32
    %dma_wait3A_949 = tpu.memref_slice %arg9[%dma_wait3A_947, %dma_wait3A_948] : memref<240x256xf32, #tpu.memory_space<vmem>> -> memref<8x256xf32, #tpu.memory_space<vmem>>
    tpu.wait_dma2 semaphore(%arg11 : memref<!tpu.dma_semaphore, #tpu.memory_space<semaphore_mem>>) src(%dma_wait3A_949 : memref<8x256xf32, #tpu.memory_space<vmem>>) dst(%dma_wait3A_946 : memref<8x256xf32, #tpu.memory_space<hbm>>)
    %dma_wait3A_950 = arith.constant 29 : i32
    %dma_wait3A_951 = arith.constant 232 : i32
    %dma_wait3A_952 = arith.constant 0 : i32
    %dma_wait3A_953 = tpu.memref_slice %arg9[%dma_wait3A_951, %dma_wait3A_952] : memref<240x256xf32, #tpu.memory_space<vmem>> -> memref<8x256xf32, #tpu.memory_space<vmem>>
    %dma_wait3A_954 = arith.constant 0 : i32
    %dma_wait3A_955 = tpu.memref_slice %arg5[%dma_wait3A_950, %mul3A_2, %dma_wait3A_954] : memref<30x256x256xf32, #tpu.memory_space<hbm>> -> memref<1x8x256xf32, #tpu.memory_space<hbm>>
    %dma_wait3A_956 = tpu.memref_squeeze %dma_wait3A_955 : memref<1x8x256xf32, #tpu.memory_space<hbm>> -> memref<8x256xf32, #tpu.memory_space<hbm>>
    %dma_wait3A_957 = arith.constant 0 : i32
    %dma_wait3A_958 = tpu.memref_slice %arg5[%dma_wait3A_950, %mul3A_2, %dma_wait3A_957] : memref<30x256x256xf32, #tpu.memory_space<hbm>> -> memref<1x8x256xf32, #tpu.memory_space<hbm>>
    %dma_wait3A_959 = tpu.memref_squeeze %dma_wait3A_958 : memref<1x8x256xf32, #tpu.memory_space<hbm>> -> memref<8x256xf32, #tpu.memory_space<hbm>>
    %dma_wait3A_960 = arith.constant 232 : i32
    %dma_wait3A_961 = arith.constant 0 : i32
    %dma_wait3A_962 = tpu.memref_slice %arg9[%dma_wait3A_960, %dma_wait3A_961] : memref<240x256xf32, #tpu.memory_space<vmem>> -> memref<8x256xf32, #tpu.memory_space<vmem>>
    tpu.wait_dma2 semaphore(%arg11 : memref<!tpu.dma_semaphore, #tpu.memory_space<semaphore_mem>>) src(%dma_wait3A_962 : memref<8x256xf32, #tpu.memory_space<vmem>>) dst(%dma_wait3A_959 : memref<8x256xf32, #tpu.memory_space<hbm>>)
    return
  }
}

module attributes {stable_mosaic.version = 14 : i64} {
  func.func @tc_kernel(%arg0: i32, %arg1: memref<10x256x256xf32, #tpu.memory_space<vmem>>, %arg2: memref<16x15xi32, #tpu.memory_space<vmem>>, %arg3: memref<16xi32, #tpu.memory_space<vmem>>, %arg4: memref<16xi32, #tpu.memory_space<vmem>>, %arg5: memref<256x768xf32, #tpu.memory_space<vmem>>, %arg6: memref<256x768xf32, #tpu.memory_space<vmem>>, %arg7: memref<768xf32, #tpu.memory_space<vmem>>, %arg8: memref<256x768xf32, #tpu.memory_space<vmem>>, %arg9: memref<256x768xf32, #tpu.memory_space<vmem>>, %arg10: memref<768xf32, #tpu.memory_space<vmem>>, %arg11: memref<16x256xf32, #tpu.memory_space<vmem>>, %arg12: memref<256x256xf32, #tpu.memory_space<vmem>>, %arg13: memref<256x1xf32, #tpu.memory_space<vmem>>) attributes {dimension_semantics = [#tpu.dimension_semantics<arbitrary>], iteration_bounds = array<i64: 3>, scalar_prefetch = 0 : i64, scratch_operands = 2 : i64, tpu.core_type = #tpu.core_type<tc>, window_params = [{transform_indices = @transform_0, window_bounds = array<i64: 10, 256, 256>}, {pipeline_mode = #tpu.pipeline_mode<synchronous>, transform_indices = @transform_1, window_bounds = array<i64: 16, 15>}, {pipeline_mode = #tpu.pipeline_mode<synchronous>, transform_indices = @transform_2, window_bounds = array<i64: 16>}, {pipeline_mode = #tpu.pipeline_mode<synchronous>, transform_indices = @transform_3, window_bounds = array<i64: 16>}, {pipeline_mode = #tpu.pipeline_mode<synchronous>, transform_indices = @transform_4, window_bounds = array<i64: 256, 768>}, {pipeline_mode = #tpu.pipeline_mode<synchronous>, transform_indices = @transform_5, window_bounds = array<i64: 256, 768>}, {pipeline_mode = #tpu.pipeline_mode<synchronous>, transform_indices = @transform_6, window_bounds = array<i64: 768>}, {pipeline_mode = #tpu.pipeline_mode<synchronous>, transform_indices = @transform_7, window_bounds = array<i64: 256, 768>}, {pipeline_mode = #tpu.pipeline_mode<synchronous>, transform_indices = @transform_8, window_bounds = array<i64: 256, 768>}, {pipeline_mode = #tpu.pipeline_mode<synchronous>, transform_indices = @transform_9, window_bounds = array<i64: 768>}, {pipeline_mode = #tpu.pipeline_mode<synchronous>, transform_indices = @transform_10, window_bounds = array<i64: 16, 256>}]} {
    %eq3A = arith.constant 0 : i32
    %eq3A_0 = arith.cmpi eq, %arg0, %eq3A : i32
    %convert_element_type3A = arith.extui %eq3A_0 : i1 to i32
    %cond3A = arith.constant 0 : i32
    %cond3A_1 = arith.cmpi ne, %convert_element_type3A, %cond3A : i32
    scf.if %cond3A_1 {
      %broadcast_in_dim3A_505 = arith.constant 0.000000e+00 : f32
      %broadcast_in_dim3A_506 = vector.broadcast %broadcast_in_dim3A_505 : f32 to vector<256x256xf32>
      %swap3A_507 = arith.constant 0 : index
      %swap3A_508 = arith.constant 0 : index
      %swap3A_509 = vector.load %arg12[%swap3A_507, %swap3A_508] : memref<256x256xf32, #tpu.memory_space<vmem>>, vector<256x256xf32>
      tpu.vector_store %arg12[%swap3A_507, %swap3A_508], %broadcast_in_dim3A_506 {strides = array<i32>} : memref<256x256xf32, #tpu.memory_space<vmem>>, vector<256x256xf32>,
      %get3A_510 = arith.constant 0 : index
      %get3A_511 = vector.load %arg3[%get3A_510] : memref<16xi32, #tpu.memory_space<vmem>>, vector<16xi32>
      %convert_element_type3A_512 = arith.sitofp %get3A_511 : vector<16xi32> to vector<16xf32>
      %reshape3A_513 = vector.shape_cast %convert_element_type3A_512 : vector<16xf32> to vector<1x16xf32>
      %iota3A = tpu.iota {dimensions = array<i32: 0>} : vector<16x16xi32>
      %iota3A_514 = tpu.iota {dimensions = array<i32: 1>} : vector<16x16xi32>
      %eq3A_515 = arith.cmpi eq, %iota3A, %iota3A_514 : vector<16x16xi32>
      %convert_element_type3A_516 = arith.extui %eq3A_515 : vector<16x16xi1> to vector<16x16xi32>
      %convert_element_type3A_517 = arith.sitofp %convert_element_type3A_516 : vector<16x16xi32> to vector<16x16xf32>
      %mul3A_518 = vector.broadcast %reshape3A_513 : vector<1x16xf32> to vector<16x16xf32>
      %mul3A_519 = arith.mulf %convert_element_type3A_517, %mul3A_518 : vector<16x16xf32>
      %broadcast_in_dim3A_520 = arith.constant 1.000000e+00 : f32
      %broadcast_in_dim3A_521 = vector.broadcast %broadcast_in_dim3A_520 : f32 to vector<16x1xf32>
      %dot_general3A_522 = arith.constant dense<0.000000e+00> : vector<16x1xf32>
      %dot_general3A_523 = tpu.matmul %mul3A_519, %broadcast_in_dim3A_521, %dot_general3A_522 {dimension_numbers = #tpu.dot_dimension_numbers<[1], [0], [0], [1], [0, 0, 1, 1], [], []>, transpose_lhs_hint = false} : vector<16x16xf32>, vector<16x1xf32>, vector<16x1xf32> -> vector<16x1xf32>
      %get3A_524 = arith.constant 0 : index
      %get3A_525 = arith.constant 0 : index
      %get3A_526 = vector.load %arg2[%get3A_524, %get3A_525] : memref<16x15xi32, #tpu.memory_space<vmem>>, vector<16x15xi32>
      %convert_element_type3A_527 = arith.sitofp %get3A_526 : vector<16x15xi32> to vector<16x15xf32>
      %concatenate3A = tpu.concatenate %convert_element_type3A_527, %dot_general3A_523 in 1 : vector<16x15xf32>, vector<16x1xf32> -> vector<16x16xf32>
      %iota3A_528 = tpu.iota {dimensions = array<i32: 0>} : vector<256x16xi32>
      %iota3A_529 = tpu.iota {dimensions = array<i32: 1>} : vector<256x16xi32>
      %and3A = arith.constant 15 : i32
      %and3A_530 = vector.broadcast %and3A : i32 to vector<256x16xi32>
      %and3A_531 = arith.andi %iota3A_528, %and3A_530 : vector<256x16xi32>
      %eq3A_532 = arith.cmpi eq, %and3A_531, %iota3A_529 : vector<256x16xi32>
      %convert_element_type3A_533 = arith.extui %eq3A_532 : vector<256x16xi1> to vector<256x16xi32>
      %convert_element_type3A_534 = arith.sitofp %convert_element_type3A_533 : vector<256x16xi32> to vector<256x16xf32>
      %shift_right_arithmetic3A = arith.constant 4 : i32
      %shift_right_arithmetic3A_535 = vector.broadcast %shift_right_arithmetic3A : i32 to vector<256x16xi32>
      %shift_right_arithmetic3A_536 = arith.shrsi %iota3A_528, %shift_right_arithmetic3A_535 : vector<256x16xi32>
      %eq3A_537 = arith.cmpi eq, %shift_right_arithmetic3A_536, %iota3A_529 : vector<256x16xi32>
      %convert_element_type3A_538 = arith.extui %eq3A_537 : vector<256x16xi1> to vector<256x16xi32>
      %convert_element_type3A_539 = arith.sitofp %convert_element_type3A_538 : vector<256x16xi32> to vector<256x16xf32>
      %dot_general3A_540 = arith.constant dense<0.000000e+00> : vector<256x16xf32>
      %dot_general3A_541 = tpu.matmul %convert_element_type3A_534, %concatenate3A, %dot_general3A_540 {dimension_numbers = #tpu.dot_dimension_numbers<[1], [0], [0], [1], [0, 0, 1, 1], [], []>, transpose_lhs_hint = false} : vector<256x16xf32>, vector<16x16xf32>, vector<256x16xf32> -> vector<256x16xf32>
      %mul3A_542 = arith.mulf %dot_general3A_541, %convert_element_type3A_539 : vector<256x16xf32>
      %broadcast_in_dim3A_543 = arith.constant 1.000000e+00 : f32
      %broadcast_in_dim3A_544 = vector.broadcast %broadcast_in_dim3A_543 : f32 to vector<16x1xf32>
      %dot_general3A_545 = arith.constant dense<0.000000e+00> : vector<256x1xf32>
      %dot_general3A_546 = tpu.matmul %mul3A_542, %broadcast_in_dim3A_544, %dot_general3A_545 {dimension_numbers = #tpu.dot_dimension_numbers<[1], [0], [0], [1], [0, 0, 1, 1], [], []>, transpose_lhs_hint = false} : vector<256x16xf32>, vector<16x1xf32>, vector<256x1xf32> -> vector<256x1xf32>
      %swap3A_547 = arith.constant 0 : index
      %swap3A_548 = arith.constant 0 : index
      %swap3A_549 = vector.load %arg13[%swap3A_547, %swap3A_548] : memref<256x1xf32, #tpu.memory_space<vmem>>, vector<256x1xf32>
      tpu.vector_store %arg13[%swap3A_547, %swap3A_548], %dot_general3A_546 {strides = array<i32>} : memref<256x1xf32, #tpu.memory_space<vmem>>, vector<256x1xf32>,
    } else {
    }
    %get3A = arith.constant 0 : index
    %get3A_2 = arith.constant 0 : index
    %get3A_3 = vector.load %arg6[%get3A, %get3A_2] : memref<256x768xf32, #tpu.memory_space<vmem>>, vector<256x768xf32>
    %convert_element_type3A_4 = arith.truncf %get3A_3 : vector<256x768xf32> to vector<256x768xbf16>
    %get3A_5 = arith.constant 0 : index
    %get3A_6 = arith.constant 0 : index
    %get3A_7 = vector.load %arg13[%get3A_5, %get3A_6] : memref<256x1xf32, #tpu.memory_space<vmem>>, vector<256x1xf32>
    %get3A_8 = arith.constant 0 : index
    %get3A_9 = arith.constant 0 : index
    %get3A_10 = arith.constant 0 : index
    %get3A_11 = vector.load %arg1[%get3A_8, %get3A_9, %get3A_10] : memref<10x256x256xf32, #tpu.memory_space<vmem>>, vector<10x256x256xf32>
    %reshape3A = vector.shape_cast %get3A_11 : vector<10x256x256xf32> to vector<2560x256xf32>
    %convert_element_type3A_12 = arith.truncf %reshape3A : vector<2560x256xf32> to vector<2560x256xbf16>
    %get3A_13 = arith.constant 0 : index
    %get3A_14 = arith.constant 0 : index
    %get3A_15 = vector.load %arg5[%get3A_13, %get3A_14] : memref<256x768xf32, #tpu.memory_space<vmem>>, vector<256x768xf32>
    %convert_element_type3A_16 = arith.truncf %get3A_15 : vector<256x768xf32> to vector<256x768xbf16>
    %dot_general3A = arith.constant dense<0.000000e+00> : vector<2560x768xf32>
    %dot_general3A_17 = tpu.matmul %convert_element_type3A_12, %convert_element_type3A_16, %dot_general3A {dimension_numbers = #tpu.dot_dimension_numbers<[1], [0], [0], [1], [0, 0, 1, 1], [], []>, transpose_lhs_hint = false} : vector<2560x256xbf16>, vector<256x768xbf16>, vector<2560x768xf32> -> vector<2560x768xf32>
    %get3A_18 = arith.constant 0 : index
    %get3A_19 = vector.load %arg7[%get3A_18] : memref<768xf32, #tpu.memory_space<vmem>>, vector<768xf32>
    %broadcast_in_dim3A = vector.shape_cast %get3A_19 : vector<768xf32> to vector<1x768xf32>
    %add3A = vector.broadcast %broadcast_in_dim3A : vector<1x768xf32> to vector<2560x768xf32>
    %add3A_20 = arith.addf %dot_general3A_17, %add3A : vector<2560x768xf32>
    %get3A_21 = arith.constant 0 : index
    %get3A_22 = arith.constant 0 : index
    %get3A_23 = vector.load %arg12[%get3A_21, %get3A_22] : memref<256x256xf32, #tpu.memory_space<vmem>>, vector<256x256xf32>
    %slice3A = vector.extract_strided_slice %add3A_20 {offsets = [0, 0], sizes = [256, 768], strides = [1, 1]} : vector<2560x768xf32> to vector<256x768xf32>
    %convert_element_type3A_24 = arith.truncf %get3A_23 : vector<256x256xf32> to vector<256x256xbf16>
    %dot_general3A_25 = arith.constant dense<0.000000e+00> : vector<256x768xf32>
    %dot_general3A_26 = tpu.matmul %convert_element_type3A_24, %convert_element_type3A_4, %dot_general3A_25 {dimension_numbers = #tpu.dot_dimension_numbers<[1], [0], [0], [1], [0, 0, 1, 1], [], []>, transpose_lhs_hint = false} : vector<256x256xbf16>, vector<256x768xbf16>, vector<256x768xf32> -> vector<256x768xf32>
    %slice3A_27 = vector.extract_strided_slice %slice3A {offsets = [0, 0], sizes = [256, 256], strides = [1, 1]} : vector<256x768xf32> to vector<256x256xf32>
    %slice3A_28 = vector.extract_strided_slice %dot_general3A_26 {offsets = [0, 0], sizes = [256, 256], strides = [1, 1]} : vector<256x768xf32> to vector<256x256xf32>
    %add3A_29 = arith.addf %slice3A_27, %slice3A_28 : vector<256x256xf32>
    %mul3A = arith.constant 5.000000e-01 : f32
    %mul3A_30 = vector.broadcast %mul3A : f32 to vector<256x256xf32>
    %mul3A_31 = arith.mulf %mul3A_30, %add3A_29 : vector<256x256xf32>
    %tanh3A = math.tanh %mul3A_31 : vector<256x256xf32>
    %mul3A_32 = arith.constant 5.000000e-01 : f32
    %mul3A_33 = vector.broadcast %mul3A_32 : f32 to vector<256x256xf32>
    %mul3A_34 = arith.mulf %mul3A_33, %tanh3A : vector<256x256xf32>
    %add3A_35 = arith.constant 5.000000e-01 : f32
    %add3A_36 = vector.broadcast %add3A_35 : f32 to vector<256x256xf32>
    %add3A_37 = arith.addf %add3A_36, %mul3A_34 : vector<256x256xf32>
    %slice3A_38 = vector.extract_strided_slice %slice3A {offsets = [0, 256], sizes = [256, 256], strides = [1, 1]} : vector<256x768xf32> to vector<256x256xf32>
    %slice3A_39 = vector.extract_strided_slice %dot_general3A_26 {offsets = [0, 256], sizes = [256, 256], strides = [1, 1]} : vector<256x768xf32> to vector<256x256xf32>
    %add3A_40 = arith.addf %slice3A_38, %slice3A_39 : vector<256x256xf32>
    %mul3A_41 = arith.constant 5.000000e-01 : f32
    %mul3A_42 = vector.broadcast %mul3A_41 : f32 to vector<256x256xf32>
    %mul3A_43 = arith.mulf %mul3A_42, %add3A_40 : vector<256x256xf32>
    %tanh3A_44 = math.tanh %mul3A_43 : vector<256x256xf32>
    %mul3A_45 = arith.constant 5.000000e-01 : f32
    %mul3A_46 = vector.broadcast %mul3A_45 : f32 to vector<256x256xf32>
    %mul3A_47 = arith.mulf %mul3A_46, %tanh3A_44 : vector<256x256xf32>
    %add3A_48 = arith.constant 5.000000e-01 : f32
    %add3A_49 = vector.broadcast %add3A_48 : f32 to vector<256x256xf32>
    %add3A_50 = arith.addf %add3A_49, %mul3A_47 : vector<256x256xf32>
    %slice3A_51 = vector.extract_strided_slice %slice3A {offsets = [0, 512], sizes = [256, 256], strides = [1, 1]} : vector<256x768xf32> to vector<256x256xf32>
    %slice3A_52 = vector.extract_strided_slice %dot_general3A_26 {offsets = [0, 512], sizes = [256, 256], strides = [1, 1]} : vector<256x768xf32> to vector<256x256xf32>
    %mul3A_53 = arith.mulf %add3A_37, %slice3A_52 : vector<256x256xf32>
    %add3A_54 = arith.addf %slice3A_51, %mul3A_53 : vector<256x256xf32>
    %tanh3A_55 = math.tanh %add3A_54 : vector<256x256xf32>
    %mul3A_56 = arith.constant 10 : i32
    %mul3A_57 = arith.muli %arg0, %mul3A_56 : i32
    %add3A_58 = arith.constant 0 : i32
    %add3A_59 = arith.addi %mul3A_57, %add3A_58 : i32
    %convert_element_type3A_60 = arith.sitofp %add3A_59 : i32 to f32
    %gt3A = vector.broadcast %convert_element_type3A_60 : f32 to vector<256x1xf32>
    %gt3A_61 = arith.cmpf ogt, %get3A_7, %gt3A : vector<256x1xf32>
    %sub3A = arith.subf %get3A_23, %tanh3A_55 : vector<256x256xf32>
    %mul3A_62 = arith.mulf %add3A_50, %sub3A : vector<256x256xf32>
    %add3A_63 = arith.addf %tanh3A_55, %mul3A_62 : vector<256x256xf32>
    %broadcast_in_dim3A_64 = vector.shape_cast %gt3A_61 : vector<256x1xi1> to vector<256x1xi1>
    %broadcast_in_dim3A_65 = vector.broadcast %broadcast_in_dim3A_64 : vector<256x1xi1> to vector<256x256xi1>
    %select_n3A = arith.select %broadcast_in_dim3A_65, %add3A_63, %get3A_23 : vector<256x256xi1>, vector<256x256xf32>
    %slice3A_66 = vector.extract_strided_slice %add3A_20 {offsets = [256, 0], sizes = [256, 768], strides = [1, 1]} : vector<2560x768xf32> to vector<256x768xf32>
    %convert_element_type3A_67 = arith.truncf %select_n3A : vector<256x256xf32> to vector<256x256xbf16>
    %dot_general3A_68 = arith.constant dense<0.000000e+00> : vector<256x768xf32>
    %dot_general3A_69 = tpu.matmul %convert_element_type3A_67, %convert_element_type3A_4, %dot_general3A_68 {dimension_numbers = #tpu.dot_dimension_numbers<[1], [0], [0], [1], [0, 0, 1, 1], [], []>, transpose_lhs_hint = false} : vector<256x256xbf16>, vector<256x768xbf16>, vector<256x768xf32> -> vector<256x768xf32>
    %slice3A_70 = vector.extract_strided_slice %slice3A_66 {offsets = [0, 0], sizes = [256, 256], strides = [1, 1]} : vector<256x768xf32> to vector<256x256xf32>
    %slice3A_71 = vector.extract_strided_slice %dot_general3A_69 {offsets = [0, 0], sizes = [256, 256], strides = [1, 1]} : vector<256x768xf32> to vector<256x256xf32>
    %add3A_72 = arith.addf %slice3A_70, %slice3A_71 : vector<256x256xf32>
    %mul3A_73 = arith.constant 5.000000e-01 : f32
    %mul3A_74 = vector.broadcast %mul3A_73 : f32 to vector<256x256xf32>
    %mul3A_75 = arith.mulf %mul3A_74, %add3A_72 : vector<256x256xf32>
    %tanh3A_76 = math.tanh %mul3A_75 : vector<256x256xf32>
    %mul3A_77 = arith.constant 5.000000e-01 : f32
    %mul3A_78 = vector.broadcast %mul3A_77 : f32 to vector<256x256xf32>
    %mul3A_79 = arith.mulf %mul3A_78, %tanh3A_76 : vector<256x256xf32>
    %add3A_80 = arith.constant 5.000000e-01 : f32
    %add3A_81 = vector.broadcast %add3A_80 : f32 to vector<256x256xf32>
    %add3A_82 = arith.addf %add3A_81, %mul3A_79 : vector<256x256xf32>
    %slice3A_83 = vector.extract_strided_slice %slice3A_66 {offsets = [0, 256], sizes = [256, 256], strides = [1, 1]} : vector<256x768xf32> to vector<256x256xf32>
    %slice3A_84 = vector.extract_strided_slice %dot_general3A_69 {offsets = [0, 256], sizes = [256, 256], strides = [1, 1]} : vector<256x768xf32> to vector<256x256xf32>
    %add3A_85 = arith.addf %slice3A_83, %slice3A_84 : vector<256x256xf32>
    %mul3A_86 = arith.constant 5.000000e-01 : f32
    %mul3A_87 = vector.broadcast %mul3A_86 : f32 to vector<256x256xf32>
    %mul3A_88 = arith.mulf %mul3A_87, %add3A_85 : vector<256x256xf32>
    %tanh3A_89 = math.tanh %mul3A_88 : vector<256x256xf32>
    %mul3A_90 = arith.constant 5.000000e-01 : f32
    %mul3A_91 = vector.broadcast %mul3A_90 : f32 to vector<256x256xf32>
    %mul3A_92 = arith.mulf %mul3A_91, %tanh3A_89 : vector<256x256xf32>
    %add3A_93 = arith.constant 5.000000e-01 : f32
    %add3A_94 = vector.broadcast %add3A_93 : f32 to vector<256x256xf32>
    %add3A_95 = arith.addf %add3A_94, %mul3A_92 : vector<256x256xf32>
    %slice3A_96 = vector.extract_strided_slice %slice3A_66 {offsets = [0, 512], sizes = [256, 256], strides = [1, 1]} : vector<256x768xf32> to vector<256x256xf32>
    %slice3A_97 = vector.extract_strided_slice %dot_general3A_69 {offsets = [0, 512], sizes = [256, 256], strides = [1, 1]} : vector<256x768xf32> to vector<256x256xf32>
    %mul3A_98 = arith.mulf %add3A_82, %slice3A_97 : vector<256x256xf32>
    %add3A_99 = arith.addf %slice3A_96, %mul3A_98 : vector<256x256xf32>
    %tanh3A_100 = math.tanh %add3A_99 : vector<256x256xf32>
    %mul3A_101 = arith.constant 10 : i32
    %mul3A_102 = arith.muli %arg0, %mul3A_101 : i32
    %add3A_103 = arith.constant 1 : i32
    %add3A_104 = arith.addi %mul3A_102, %add3A_103 : i32
    %convert_element_type3A_105 = arith.sitofp %add3A_104 : i32 to f32
    %gt3A_106 = vector.broadcast %convert_element_type3A_105 : f32 to vector<256x1xf32>
    %gt3A_107 = arith.cmpf ogt, %get3A_7, %gt3A_106 : vector<256x1xf32>
    %sub3A_108 = arith.subf %select_n3A, %tanh3A_100 : vector<256x256xf32>
    %mul3A_109 = arith.mulf %add3A_95, %sub3A_108 : vector<256x256xf32>
    %add3A_110 = arith.addf %tanh3A_100, %mul3A_109 : vector<256x256xf32>
    %broadcast_in_dim3A_111 = vector.shape_cast %gt3A_107 : vector<256x1xi1> to vector<256x1xi1>
    %broadcast_in_dim3A_112 = vector.broadcast %broadcast_in_dim3A_111 : vector<256x1xi1> to vector<256x256xi1>
    %select_n3A_113 = arith.select %broadcast_in_dim3A_112, %add3A_110, %select_n3A : vector<256x256xi1>, vector<256x256xf32>
    %slice3A_114 = vector.extract_strided_slice %add3A_20 {offsets = [512, 0], sizes = [256, 768], strides = [1, 1]} : vector<2560x768xf32> to vector<256x768xf32>
    %convert_element_type3A_115 = arith.truncf %select_n3A_113 : vector<256x256xf32> to vector<256x256xbf16>
    %dot_general3A_116 = arith.constant dense<0.000000e+00> : vector<256x768xf32>
    %dot_general3A_117 = tpu.matmul %convert_element_type3A_115, %convert_element_type3A_4, %dot_general3A_116 {dimension_numbers = #tpu.dot_dimension_numbers<[1], [0], [0], [1], [0, 0, 1, 1], [], []>, transpose_lhs_hint = false} : vector<256x256xbf16>, vector<256x768xbf16>, vector<256x768xf32> -> vector<256x768xf32>
    %slice3A_118 = vector.extract_strided_slice %slice3A_114 {offsets = [0, 0], sizes = [256, 256], strides = [1, 1]} : vector<256x768xf32> to vector<256x256xf32>
    %slice3A_119 = vector.extract_strided_slice %dot_general3A_117 {offsets = [0, 0], sizes = [256, 256], strides = [1, 1]} : vector<256x768xf32> to vector<256x256xf32>
    %add3A_120 = arith.addf %slice3A_118, %slice3A_119 : vector<256x256xf32>
    %mul3A_121 = arith.constant 5.000000e-01 : f32
    %mul3A_122 = vector.broadcast %mul3A_121 : f32 to vector<256x256xf32>
    %mul3A_123 = arith.mulf %mul3A_122, %add3A_120 : vector<256x256xf32>
    %tanh3A_124 = math.tanh %mul3A_123 : vector<256x256xf32>
    %mul3A_125 = arith.constant 5.000000e-01 : f32
    %mul3A_126 = vector.broadcast %mul3A_125 : f32 to vector<256x256xf32>
    %mul3A_127 = arith.mulf %mul3A_126, %tanh3A_124 : vector<256x256xf32>
    %add3A_128 = arith.constant 5.000000e-01 : f32
    %add3A_129 = vector.broadcast %add3A_128 : f32 to vector<256x256xf32>
    %add3A_130 = arith.addf %add3A_129, %mul3A_127 : vector<256x256xf32>
    %slice3A_131 = vector.extract_strided_slice %slice3A_114 {offsets = [0, 256], sizes = [256, 256], strides = [1, 1]} : vector<256x768xf32> to vector<256x256xf32>
    %slice3A_132 = vector.extract_strided_slice %dot_general3A_117 {offsets = [0, 256], sizes = [256, 256], strides = [1, 1]} : vector<256x768xf32> to vector<256x256xf32>
    %add3A_133 = arith.addf %slice3A_131, %slice3A_132 : vector<256x256xf32>
    %mul3A_134 = arith.constant 5.000000e-01 : f32
    %mul3A_135 = vector.broadcast %mul3A_134 : f32 to vector<256x256xf32>
    %mul3A_136 = arith.mulf %mul3A_135, %add3A_133 : vector<256x256xf32>
    %tanh3A_137 = math.tanh %mul3A_136 : vector<256x256xf32>
    %mul3A_138 = arith.constant 5.000000e-01 : f32
    %mul3A_139 = vector.broadcast %mul3A_138 : f32 to vector<256x256xf32>
    %mul3A_140 = arith.mulf %mul3A_139, %tanh3A_137 : vector<256x256xf32>
    %add3A_141 = arith.constant 5.000000e-01 : f32
    %add3A_142 = vector.broadcast %add3A_141 : f32 to vector<256x256xf32>
    %add3A_143 = arith.addf %add3A_142, %mul3A_140 : vector<256x256xf32>
    %slice3A_144 = vector.extract_strided_slice %slice3A_114 {offsets = [0, 512], sizes = [256, 256], strides = [1, 1]} : vector<256x768xf32> to vector<256x256xf32>
    %slice3A_145 = vector.extract_strided_slice %dot_general3A_117 {offsets = [0, 512], sizes = [256, 256], strides = [1, 1]} : vector<256x768xf32> to vector<256x256xf32>
    %mul3A_146 = arith.mulf %add3A_130, %slice3A_145 : vector<256x256xf32>
    %add3A_147 = arith.addf %slice3A_144, %mul3A_146 : vector<256x256xf32>
    %tanh3A_148 = math.tanh %add3A_147 : vector<256x256xf32>
    %mul3A_149 = arith.constant 10 : i32
    %mul3A_150 = arith.muli %arg0, %mul3A_149 : i32
    %add3A_151 = arith.constant 2 : i32
    %add3A_152 = arith.addi %mul3A_150, %add3A_151 : i32
    %convert_element_type3A_153 = arith.sitofp %add3A_152 : i32 to f32
    %gt3A_154 = vector.broadcast %convert_element_type3A_153 : f32 to vector<256x1xf32>
    %gt3A_155 = arith.cmpf ogt, %get3A_7, %gt3A_154 : vector<256x1xf32>
    %sub3A_156 = arith.subf %select_n3A_113, %tanh3A_148 : vector<256x256xf32>
    %mul3A_157 = arith.mulf %add3A_143, %sub3A_156 : vector<256x256xf32>
    %add3A_158 = arith.addf %tanh3A_148, %mul3A_157 : vector<256x256xf32>
    %broadcast_in_dim3A_159 = vector.shape_cast %gt3A_155 : vector<256x1xi1> to vector<256x1xi1>
    %broadcast_in_dim3A_160 = vector.broadcast %broadcast_in_dim3A_159 : vector<256x1xi1> to vector<256x256xi1>
    %select_n3A_161 = arith.select %broadcast_in_dim3A_160, %add3A_158, %select_n3A_113 : vector<256x256xi1>, vector<256x256xf32>
    %slice3A_162 = vector.extract_strided_slice %add3A_20 {offsets = [768, 0], sizes = [256, 768], strides = [1, 1]} : vector<2560x768xf32> to vector<256x768xf32>
    %convert_element_type3A_163 = arith.truncf %select_n3A_161 : vector<256x256xf32> to vector<256x256xbf16>
    %dot_general3A_164 = arith.constant dense<0.000000e+00> : vector<256x768xf32>
    %dot_general3A_165 = tpu.matmul %convert_element_type3A_163, %convert_element_type3A_4, %dot_general3A_164 {dimension_numbers = #tpu.dot_dimension_numbers<[1], [0], [0], [1], [0, 0, 1, 1], [], []>, transpose_lhs_hint = false} : vector<256x256xbf16>, vector<256x768xbf16>, vector<256x768xf32> -> vector<256x768xf32>
    %slice3A_166 = vector.extract_strided_slice %slice3A_162 {offsets = [0, 0], sizes = [256, 256], strides = [1, 1]} : vector<256x768xf32> to vector<256x256xf32>
    %slice3A_167 = vector.extract_strided_slice %dot_general3A_165 {offsets = [0, 0], sizes = [256, 256], strides = [1, 1]} : vector<256x768xf32> to vector<256x256xf32>
    %add3A_168 = arith.addf %slice3A_166, %slice3A_167 : vector<256x256xf32>
    %mul3A_169 = arith.constant 5.000000e-01 : f32
    %mul3A_170 = vector.broadcast %mul3A_169 : f32 to vector<256x256xf32>
    %mul3A_171 = arith.mulf %mul3A_170, %add3A_168 : vector<256x256xf32>
    %tanh3A_172 = math.tanh %mul3A_171 : vector<256x256xf32>
    %mul3A_173 = arith.constant 5.000000e-01 : f32
    %mul3A_174 = vector.broadcast %mul3A_173 : f32 to vector<256x256xf32>
    %mul3A_175 = arith.mulf %mul3A_174, %tanh3A_172 : vector<256x256xf32>
    %add3A_176 = arith.constant 5.000000e-01 : f32
    %add3A_177 = vector.broadcast %add3A_176 : f32 to vector<256x256xf32>
    %add3A_178 = arith.addf %add3A_177, %mul3A_175 : vector<256x256xf32>
    %slice3A_179 = vector.extract_strided_slice %slice3A_162 {offsets = [0, 256], sizes = [256, 256], strides = [1, 1]} : vector<256x768xf32> to vector<256x256xf32>
    %slice3A_180 = vector.extract_strided_slice %dot_general3A_165 {offsets = [0, 256], sizes = [256, 256], strides = [1, 1]} : vector<256x768xf32> to vector<256x256xf32>
    %add3A_181 = arith.addf %slice3A_179, %slice3A_180 : vector<256x256xf32>
    %mul3A_182 = arith.constant 5.000000e-01 : f32
    %mul3A_183 = vector.broadcast %mul3A_182 : f32 to vector<256x256xf32>
    %mul3A_184 = arith.mulf %mul3A_183, %add3A_181 : vector<256x256xf32>
    %tanh3A_185 = math.tanh %mul3A_184 : vector<256x256xf32>
    %mul3A_186 = arith.constant 5.000000e-01 : f32
    %mul3A_187 = vector.broadcast %mul3A_186 : f32 to vector<256x256xf32>
    %mul3A_188 = arith.mulf %mul3A_187, %tanh3A_185 : vector<256x256xf32>
    %add3A_189 = arith.constant 5.000000e-01 : f32
    %add3A_190 = vector.broadcast %add3A_189 : f32 to vector<256x256xf32>
    %add3A_191 = arith.addf %add3A_190, %mul3A_188 : vector<256x256xf32>
    %slice3A_192 = vector.extract_strided_slice %slice3A_162 {offsets = [0, 512], sizes = [256, 256], strides = [1, 1]} : vector<256x768xf32> to vector<256x256xf32>
    %slice3A_193 = vector.extract_strided_slice %dot_general3A_165 {offsets = [0, 512], sizes = [256, 256], strides = [1, 1]} : vector<256x768xf32> to vector<256x256xf32>
    %mul3A_194 = arith.mulf %add3A_178, %slice3A_193 : vector<256x256xf32>
    %add3A_195 = arith.addf %slice3A_192, %mul3A_194 : vector<256x256xf32>
    %tanh3A_196 = math.tanh %add3A_195 : vector<256x256xf32>
    %mul3A_197 = arith.constant 10 : i32
    %mul3A_198 = arith.muli %arg0, %mul3A_197 : i32
    %add3A_199 = arith.constant 3 : i32
    %add3A_200 = arith.addi %mul3A_198, %add3A_199 : i32
    %convert_element_type3A_201 = arith.sitofp %add3A_200 : i32 to f32
    %gt3A_202 = vector.broadcast %convert_element_type3A_201 : f32 to vector<256x1xf32>
    %gt3A_203 = arith.cmpf ogt, %get3A_7, %gt3A_202 : vector<256x1xf32>
    %sub3A_204 = arith.subf %select_n3A_161, %tanh3A_196 : vector<256x256xf32>
    %mul3A_205 = arith.mulf %add3A_191, %sub3A_204 : vector<256x256xf32>
    %add3A_206 = arith.addf %tanh3A_196, %mul3A_205 : vector<256x256xf32>
    %broadcast_in_dim3A_207 = vector.shape_cast %gt3A_203 : vector<256x1xi1> to vector<256x1xi1>
    %broadcast_in_dim3A_208 = vector.broadcast %broadcast_in_dim3A_207 : vector<256x1xi1> to vector<256x256xi1>
    %select_n3A_209 = arith.select %broadcast_in_dim3A_208, %add3A_206, %select_n3A_161 : vector<256x256xi1>, vector<256x256xf32>
    %slice3A_210 = vector.extract_strided_slice %add3A_20 {offsets = [1024, 0], sizes = [256, 768], strides = [1, 1]} : vector<2560x768xf32> to vector<256x768xf32>
    %convert_element_type3A_211 = arith.truncf %select_n3A_209 : vector<256x256xf32> to vector<256x256xbf16>
    %dot_general3A_212 = arith.constant dense<0.000000e+00> : vector<256x768xf32>
    %dot_general3A_213 = tpu.matmul %convert_element_type3A_211, %convert_element_type3A_4, %dot_general3A_212 {dimension_numbers = #tpu.dot_dimension_numbers<[1], [0], [0], [1], [0, 0, 1, 1], [], []>, transpose_lhs_hint = false} : vector<256x256xbf16>, vector<256x768xbf16>, vector<256x768xf32> -> vector<256x768xf32>
    %slice3A_214 = vector.extract_strided_slice %slice3A_210 {offsets = [0, 0], sizes = [256, 256], strides = [1, 1]} : vector<256x768xf32> to vector<256x256xf32>
    %slice3A_215 = vector.extract_strided_slice %dot_general3A_213 {offsets = [0, 0], sizes = [256, 256], strides = [1, 1]} : vector<256x768xf32> to vector<256x256xf32>
    %add3A_216 = arith.addf %slice3A_214, %slice3A_215 : vector<256x256xf32>
    %mul3A_217 = arith.constant 5.000000e-01 : f32
    %mul3A_218 = vector.broadcast %mul3A_217 : f32 to vector<256x256xf32>
    %mul3A_219 = arith.mulf %mul3A_218, %add3A_216 : vector<256x256xf32>
    %tanh3A_220 = math.tanh %mul3A_219 : vector<256x256xf32>
    %mul3A_221 = arith.constant 5.000000e-01 : f32
    %mul3A_222 = vector.broadcast %mul3A_221 : f32 to vector<256x256xf32>
    %mul3A_223 = arith.mulf %mul3A_222, %tanh3A_220 : vector<256x256xf32>
    %add3A_224 = arith.constant 5.000000e-01 : f32
    %add3A_225 = vector.broadcast %add3A_224 : f32 to vector<256x256xf32>
    %add3A_226 = arith.addf %add3A_225, %mul3A_223 : vector<256x256xf32>
    %slice3A_227 = vector.extract_strided_slice %slice3A_210 {offsets = [0, 256], sizes = [256, 256], strides = [1, 1]} : vector<256x768xf32> to vector<256x256xf32>
    %slice3A_228 = vector.extract_strided_slice %dot_general3A_213 {offsets = [0, 256], sizes = [256, 256], strides = [1, 1]} : vector<256x768xf32> to vector<256x256xf32>
    %add3A_229 = arith.addf %slice3A_227, %slice3A_228 : vector<256x256xf32>
    %mul3A_230 = arith.constant 5.000000e-01 : f32
    %mul3A_231 = vector.broadcast %mul3A_230 : f32 to vector<256x256xf32>
    %mul3A_232 = arith.mulf %mul3A_231, %add3A_229 : vector<256x256xf32>
    %tanh3A_233 = math.tanh %mul3A_232 : vector<256x256xf32>
    %mul3A_234 = arith.constant 5.000000e-01 : f32
    %mul3A_235 = vector.broadcast %mul3A_234 : f32 to vector<256x256xf32>
    %mul3A_236 = arith.mulf %mul3A_235, %tanh3A_233 : vector<256x256xf32>
    %add3A_237 = arith.constant 5.000000e-01 : f32
    %add3A_238 = vector.broadcast %add3A_237 : f32 to vector<256x256xf32>
    %add3A_239 = arith.addf %add3A_238, %mul3A_236 : vector<256x256xf32>
    %slice3A_240 = vector.extract_strided_slice %slice3A_210 {offsets = [0, 512], sizes = [256, 256], strides = [1, 1]} : vector<256x768xf32> to vector<256x256xf32>
    %slice3A_241 = vector.extract_strided_slice %dot_general3A_213 {offsets = [0, 512], sizes = [256, 256], strides = [1, 1]} : vector<256x768xf32> to vector<256x256xf32>
    %mul3A_242 = arith.mulf %add3A_226, %slice3A_241 : vector<256x256xf32>
    %add3A_243 = arith.addf %slice3A_240, %mul3A_242 : vector<256x256xf32>
    %tanh3A_244 = math.tanh %add3A_243 : vector<256x256xf32>
    %mul3A_245 = arith.constant 10 : i32
    %mul3A_246 = arith.muli %arg0, %mul3A_245 : i32
    %add3A_247 = arith.constant 4 : i32
    %add3A_248 = arith.addi %mul3A_246, %add3A_247 : i32
    %convert_element_type3A_249 = arith.sitofp %add3A_248 : i32 to f32
    %gt3A_250 = vector.broadcast %convert_element_type3A_249 : f32 to vector<256x1xf32>
    %gt3A_251 = arith.cmpf ogt, %get3A_7, %gt3A_250 : vector<256x1xf32>
    %sub3A_252 = arith.subf %select_n3A_209, %tanh3A_244 : vector<256x256xf32>
    %mul3A_253 = arith.mulf %add3A_239, %sub3A_252 : vector<256x256xf32>
    %add3A_254 = arith.addf %tanh3A_244, %mul3A_253 : vector<256x256xf32>
    %broadcast_in_dim3A_255 = vector.shape_cast %gt3A_251 : vector<256x1xi1> to vector<256x1xi1>
    %broadcast_in_dim3A_256 = vector.broadcast %broadcast_in_dim3A_255 : vector<256x1xi1> to vector<256x256xi1>
    %select_n3A_257 = arith.select %broadcast_in_dim3A_256, %add3A_254, %select_n3A_209 : vector<256x256xi1>, vector<256x256xf32>
    %slice3A_258 = vector.extract_strided_slice %add3A_20 {offsets = [1280, 0], sizes = [256, 768], strides = [1, 1]} : vector<2560x768xf32> to vector<256x768xf32>
    %convert_element_type3A_259 = arith.truncf %select_n3A_257 : vector<256x256xf32> to vector<256x256xbf16>
    %dot_general3A_260 = arith.constant dense<0.000000e+00> : vector<256x768xf32>
    %dot_general3A_261 = tpu.matmul %convert_element_type3A_259, %convert_element_type3A_4, %dot_general3A_260 {dimension_numbers = #tpu.dot_dimension_numbers<[1], [0], [0], [1], [0, 0, 1, 1], [], []>, transpose_lhs_hint = false} : vector<256x256xbf16>, vector<256x768xbf16>, vector<256x768xf32> -> vector<256x768xf32>
    %slice3A_262 = vector.extract_strided_slice %slice3A_258 {offsets = [0, 0], sizes = [256, 256], strides = [1, 1]} : vector<256x768xf32> to vector<256x256xf32>
    %slice3A_263 = vector.extract_strided_slice %dot_general3A_261 {offsets = [0, 0], sizes = [256, 256], strides = [1, 1]} : vector<256x768xf32> to vector<256x256xf32>
    %add3A_264 = arith.addf %slice3A_262, %slice3A_263 : vector<256x256xf32>
    %mul3A_265 = arith.constant 5.000000e-01 : f32
    %mul3A_266 = vector.broadcast %mul3A_265 : f32 to vector<256x256xf32>
    %mul3A_267 = arith.mulf %mul3A_266, %add3A_264 : vector<256x256xf32>
    %tanh3A_268 = math.tanh %mul3A_267 : vector<256x256xf32>
    %mul3A_269 = arith.constant 5.000000e-01 : f32
    %mul3A_270 = vector.broadcast %mul3A_269 : f32 to vector<256x256xf32>
    %mul3A_271 = arith.mulf %mul3A_270, %tanh3A_268 : vector<256x256xf32>
    %add3A_272 = arith.constant 5.000000e-01 : f32
    %add3A_273 = vector.broadcast %add3A_272 : f32 to vector<256x256xf32>
    %add3A_274 = arith.addf %add3A_273, %mul3A_271 : vector<256x256xf32>
    %slice3A_275 = vector.extract_strided_slice %slice3A_258 {offsets = [0, 256], sizes = [256, 256], strides = [1, 1]} : vector<256x768xf32> to vector<256x256xf32>
    %slice3A_276 = vector.extract_strided_slice %dot_general3A_261 {offsets = [0, 256], sizes = [256, 256], strides = [1, 1]} : vector<256x768xf32> to vector<256x256xf32>
    %add3A_277 = arith.addf %slice3A_275, %slice3A_276 : vector<256x256xf32>
    %mul3A_278 = arith.constant 5.000000e-01 : f32
    %mul3A_279 = vector.broadcast %mul3A_278 : f32 to vector<256x256xf32>
    %mul3A_280 = arith.mulf %mul3A_279, %add3A_277 : vector<256x256xf32>
    %tanh3A_281 = math.tanh %mul3A_280 : vector<256x256xf32>
    %mul3A_282 = arith.constant 5.000000e-01 : f32
    %mul3A_283 = vector.broadcast %mul3A_282 : f32 to vector<256x256xf32>
    %mul3A_284 = arith.mulf %mul3A_283, %tanh3A_281 : vector<256x256xf32>
    %add3A_285 = arith.constant 5.000000e-01 : f32
    %add3A_286 = vector.broadcast %add3A_285 : f32 to vector<256x256xf32>
    %add3A_287 = arith.addf %add3A_286, %mul3A_284 : vector<256x256xf32>
    %slice3A_288 = vector.extract_strided_slice %slice3A_258 {offsets = [0, 512], sizes = [256, 256], strides = [1, 1]} : vector<256x768xf32> to vector<256x256xf32>
    %slice3A_289 = vector.extract_strided_slice %dot_general3A_261 {offsets = [0, 512], sizes = [256, 256], strides = [1, 1]} : vector<256x768xf32> to vector<256x256xf32>
    %mul3A_290 = arith.mulf %add3A_274, %slice3A_289 : vector<256x256xf32>
    %add3A_291 = arith.addf %slice3A_288, %mul3A_290 : vector<256x256xf32>
    %tanh3A_292 = math.tanh %add3A_291 : vector<256x256xf32>
    %mul3A_293 = arith.constant 10 : i32
    %mul3A_294 = arith.muli %arg0, %mul3A_293 : i32
    %add3A_295 = arith.constant 5 : i32
    %add3A_296 = arith.addi %mul3A_294, %add3A_295 : i32
    %convert_element_type3A_297 = arith.sitofp %add3A_296 : i32 to f32
    %gt3A_298 = vector.broadcast %convert_element_type3A_297 : f32 to vector<256x1xf32>
    %gt3A_299 = arith.cmpf ogt, %get3A_7, %gt3A_298 : vector<256x1xf32>
    %sub3A_300 = arith.subf %select_n3A_257, %tanh3A_292 : vector<256x256xf32>
    %mul3A_301 = arith.mulf %add3A_287, %sub3A_300 : vector<256x256xf32>
    %add3A_302 = arith.addf %tanh3A_292, %mul3A_301 : vector<256x256xf32>
    %broadcast_in_dim3A_303 = vector.shape_cast %gt3A_299 : vector<256x1xi1> to vector<256x1xi1>
    %broadcast_in_dim3A_304 = vector.broadcast %broadcast_in_dim3A_303 : vector<256x1xi1> to vector<256x256xi1>
    %select_n3A_305 = arith.select %broadcast_in_dim3A_304, %add3A_302, %select_n3A_257 : vector<256x256xi1>, vector<256x256xf32>
    %slice3A_306 = vector.extract_strided_slice %add3A_20 {offsets = [1536, 0], sizes = [256, 768], strides = [1, 1]} : vector<2560x768xf32> to vector<256x768xf32>
    %convert_element_type3A_307 = arith.truncf %select_n3A_305 : vector<256x256xf32> to vector<256x256xbf16>
    %dot_general3A_308 = arith.constant dense<0.000000e+00> : vector<256x768xf32>
    %dot_general3A_309 = tpu.matmul %convert_element_type3A_307, %convert_element_type3A_4, %dot_general3A_308 {dimension_numbers = #tpu.dot_dimension_numbers<[1], [0], [0], [1], [0, 0, 1, 1], [], []>, transpose_lhs_hint = false} : vector<256x256xbf16>, vector<256x768xbf16>, vector<256x768xf32> -> vector<256x768xf32>
    %slice3A_310 = vector.extract_strided_slice %slice3A_306 {offsets = [0, 0], sizes = [256, 256], strides = [1, 1]} : vector<256x768xf32> to vector<256x256xf32>
    %slice3A_311 = vector.extract_strided_slice %dot_general3A_309 {offsets = [0, 0], sizes = [256, 256], strides = [1, 1]} : vector<256x768xf32> to vector<256x256xf32>
    %add3A_312 = arith.addf %slice3A_310, %slice3A_311 : vector<256x256xf32>
    %mul3A_313 = arith.constant 5.000000e-01 : f32
    %mul3A_314 = vector.broadcast %mul3A_313 : f32 to vector<256x256xf32>
    %mul3A_315 = arith.mulf %mul3A_314, %add3A_312 : vector<256x256xf32>
    %tanh3A_316 = math.tanh %mul3A_315 : vector<256x256xf32>
    %mul3A_317 = arith.constant 5.000000e-01 : f32
    %mul3A_318 = vector.broadcast %mul3A_317 : f32 to vector<256x256xf32>
    %mul3A_319 = arith.mulf %mul3A_318, %tanh3A_316 : vector<256x256xf32>
    %add3A_320 = arith.constant 5.000000e-01 : f32
    %add3A_321 = vector.broadcast %add3A_320 : f32 to vector<256x256xf32>
    %add3A_322 = arith.addf %add3A_321, %mul3A_319 : vector<256x256xf32>
    %slice3A_323 = vector.extract_strided_slice %slice3A_306 {offsets = [0, 256], sizes = [256, 256], strides = [1, 1]} : vector<256x768xf32> to vector<256x256xf32>
    %slice3A_324 = vector.extract_strided_slice %dot_general3A_309 {offsets = [0, 256], sizes = [256, 256], strides = [1, 1]} : vector<256x768xf32> to vector<256x256xf32>
    %add3A_325 = arith.addf %slice3A_323, %slice3A_324 : vector<256x256xf32>
    %mul3A_326 = arith.constant 5.000000e-01 : f32
    %mul3A_327 = vector.broadcast %mul3A_326 : f32 to vector<256x256xf32>
    %mul3A_328 = arith.mulf %mul3A_327, %add3A_325 : vector<256x256xf32>
    %tanh3A_329 = math.tanh %mul3A_328 : vector<256x256xf32>
    %mul3A_330 = arith.constant 5.000000e-01 : f32
    %mul3A_331 = vector.broadcast %mul3A_330 : f32 to vector<256x256xf32>
    %mul3A_332 = arith.mulf %mul3A_331, %tanh3A_329 : vector<256x256xf32>
    %add3A_333 = arith.constant 5.000000e-01 : f32
    %add3A_334 = vector.broadcast %add3A_333 : f32 to vector<256x256xf32>
    %add3A_335 = arith.addf %add3A_334, %mul3A_332 : vector<256x256xf32>
    %slice3A_336 = vector.extract_strided_slice %slice3A_306 {offsets = [0, 512], sizes = [256, 256], strides = [1, 1]} : vector<256x768xf32> to vector<256x256xf32>
    %slice3A_337 = vector.extract_strided_slice %dot_general3A_309 {offsets = [0, 512], sizes = [256, 256], strides = [1, 1]} : vector<256x768xf32> to vector<256x256xf32>
    %mul3A_338 = arith.mulf %add3A_322, %slice3A_337 : vector<256x256xf32>
    %add3A_339 = arith.addf %slice3A_336, %mul3A_338 : vector<256x256xf32>
    %tanh3A_340 = math.tanh %add3A_339 : vector<256x256xf32>
    %mul3A_341 = arith.constant 10 : i32
    %mul3A_342 = arith.muli %arg0, %mul3A_341 : i32
    %add3A_343 = arith.constant 6 : i32
    %add3A_344 = arith.addi %mul3A_342, %add3A_343 : i32
    %convert_element_type3A_345 = arith.sitofp %add3A_344 : i32 to f32
    %gt3A_346 = vector.broadcast %convert_element_type3A_345 : f32 to vector<256x1xf32>
    %gt3A_347 = arith.cmpf ogt, %get3A_7, %gt3A_346 : vector<256x1xf32>
    %sub3A_348 = arith.subf %select_n3A_305, %tanh3A_340 : vector<256x256xf32>
    %mul3A_349 = arith.mulf %add3A_335, %sub3A_348 : vector<256x256xf32>
    %add3A_350 = arith.addf %tanh3A_340, %mul3A_349 : vector<256x256xf32>
    %broadcast_in_dim3A_351 = vector.shape_cast %gt3A_347 : vector<256x1xi1> to vector<256x1xi1>
    %broadcast_in_dim3A_352 = vector.broadcast %broadcast_in_dim3A_351 : vector<256x1xi1> to vector<256x256xi1>
    %select_n3A_353 = arith.select %broadcast_in_dim3A_352, %add3A_350, %select_n3A_305 : vector<256x256xi1>, vector<256x256xf32>
    %slice3A_354 = vector.extract_strided_slice %add3A_20 {offsets = [1792, 0], sizes = [256, 768], strides = [1, 1]} : vector<2560x768xf32> to vector<256x768xf32>
    %convert_element_type3A_355 = arith.truncf %select_n3A_353 : vector<256x256xf32> to vector<256x256xbf16>
    %dot_general3A_356 = arith.constant dense<0.000000e+00> : vector<256x768xf32>
    %dot_general3A_357 = tpu.matmul %convert_element_type3A_355, %convert_element_type3A_4, %dot_general3A_356 {dimension_numbers = #tpu.dot_dimension_numbers<[1], [0], [0], [1], [0, 0, 1, 1], [], []>, transpose_lhs_hint = false} : vector<256x256xbf16>, vector<256x768xbf16>, vector<256x768xf32> -> vector<256x768xf32>
    %slice3A_358 = vector.extract_strided_slice %slice3A_354 {offsets = [0, 0], sizes = [256, 256], strides = [1, 1]} : vector<256x768xf32> to vector<256x256xf32>
    %slice3A_359 = vector.extract_strided_slice %dot_general3A_357 {offsets = [0, 0], sizes = [256, 256], strides = [1, 1]} : vector<256x768xf32> to vector<256x256xf32>
    %add3A_360 = arith.addf %slice3A_358, %slice3A_359 : vector<256x256xf32>
    %mul3A_361 = arith.constant 5.000000e-01 : f32
    %mul3A_362 = vector.broadcast %mul3A_361 : f32 to vector<256x256xf32>
    %mul3A_363 = arith.mulf %mul3A_362, %add3A_360 : vector<256x256xf32>
    %tanh3A_364 = math.tanh %mul3A_363 : vector<256x256xf32>
    %mul3A_365 = arith.constant 5.000000e-01 : f32
    %mul3A_366 = vector.broadcast %mul3A_365 : f32 to vector<256x256xf32>
    %mul3A_367 = arith.mulf %mul3A_366, %tanh3A_364 : vector<256x256xf32>
    %add3A_368 = arith.constant 5.000000e-01 : f32
    %add3A_369 = vector.broadcast %add3A_368 : f32 to vector<256x256xf32>
    %add3A_370 = arith.addf %add3A_369, %mul3A_367 : vector<256x256xf32>
    %slice3A_371 = vector.extract_strided_slice %slice3A_354 {offsets = [0, 256], sizes = [256, 256], strides = [1, 1]} : vector<256x768xf32> to vector<256x256xf32>
    %slice3A_372 = vector.extract_strided_slice %dot_general3A_357 {offsets = [0, 256], sizes = [256, 256], strides = [1, 1]} : vector<256x768xf32> to vector<256x256xf32>
    %add3A_373 = arith.addf %slice3A_371, %slice3A_372 : vector<256x256xf32>
    %mul3A_374 = arith.constant 5.000000e-01 : f32
    %mul3A_375 = vector.broadcast %mul3A_374 : f32 to vector<256x256xf32>
    %mul3A_376 = arith.mulf %mul3A_375, %add3A_373 : vector<256x256xf32>
    %tanh3A_377 = math.tanh %mul3A_376 : vector<256x256xf32>
    %mul3A_378 = arith.constant 5.000000e-01 : f32
    %mul3A_379 = vector.broadcast %mul3A_378 : f32 to vector<256x256xf32>
    %mul3A_380 = arith.mulf %mul3A_379, %tanh3A_377 : vector<256x256xf32>
    %add3A_381 = arith.constant 5.000000e-01 : f32
    %add3A_382 = vector.broadcast %add3A_381 : f32 to vector<256x256xf32>
    %add3A_383 = arith.addf %add3A_382, %mul3A_380 : vector<256x256xf32>
    %slice3A_384 = vector.extract_strided_slice %slice3A_354 {offsets = [0, 512], sizes = [256, 256], strides = [1, 1]} : vector<256x768xf32> to vector<256x256xf32>
    %slice3A_385 = vector.extract_strided_slice %dot_general3A_357 {offsets = [0, 512], sizes = [256, 256], strides = [1, 1]} : vector<256x768xf32> to vector<256x256xf32>
    %mul3A_386 = arith.mulf %add3A_370, %slice3A_385 : vector<256x256xf32>
    %add3A_387 = arith.addf %slice3A_384, %mul3A_386 : vector<256x256xf32>
    %tanh3A_388 = math.tanh %add3A_387 : vector<256x256xf32>
    %mul3A_389 = arith.constant 10 : i32
    %mul3A_390 = arith.muli %arg0, %mul3A_389 : i32
    %add3A_391 = arith.constant 7 : i32
    %add3A_392 = arith.addi %mul3A_390, %add3A_391 : i32
    %convert_element_type3A_393 = arith.sitofp %add3A_392 : i32 to f32
    %gt3A_394 = vector.broadcast %convert_element_type3A_393 : f32 to vector<256x1xf32>
    %gt3A_395 = arith.cmpf ogt, %get3A_7, %gt3A_394 : vector<256x1xf32>
    %sub3A_396 = arith.subf %select_n3A_353, %tanh3A_388 : vector<256x256xf32>
    %mul3A_397 = arith.mulf %add3A_383, %sub3A_396 : vector<256x256xf32>
    %add3A_398 = arith.addf %tanh3A_388, %mul3A_397 : vector<256x256xf32>
    %broadcast_in_dim3A_399 = vector.shape_cast %gt3A_395 : vector<256x1xi1> to vector<256x1xi1>
    %broadcast_in_dim3A_400 = vector.broadcast %broadcast_in_dim3A_399 : vector<256x1xi1> to vector<256x256xi1>
    %select_n3A_401 = arith.select %broadcast_in_dim3A_400, %add3A_398, %select_n3A_353 : vector<256x256xi1>, vector<256x256xf32>
    %slice3A_402 = vector.extract_strided_slice %add3A_20 {offsets = [2048, 0], sizes = [256, 768], strides = [1, 1]} : vector<2560x768xf32> to vector<256x768xf32>
    %convert_element_type3A_403 = arith.truncf %select_n3A_401 : vector<256x256xf32> to vector<256x256xbf16>
    %dot_general3A_404 = arith.constant dense<0.000000e+00> : vector<256x768xf32>
    %dot_general3A_405 = tpu.matmul %convert_element_type3A_403, %convert_element_type3A_4, %dot_general3A_404 {dimension_numbers = #tpu.dot_dimension_numbers<[1], [0], [0], [1], [0, 0, 1, 1], [], []>, transpose_lhs_hint = false} : vector<256x256xbf16>, vector<256x768xbf16>, vector<256x768xf32> -> vector<256x768xf32>
    %slice3A_406 = vector.extract_strided_slice %slice3A_402 {offsets = [0, 0], sizes = [256, 256], strides = [1, 1]} : vector<256x768xf32> to vector<256x256xf32>
    %slice3A_407 = vector.extract_strided_slice %dot_general3A_405 {offsets = [0, 0], sizes = [256, 256], strides = [1, 1]} : vector<256x768xf32> to vector<256x256xf32>
    %add3A_408 = arith.addf %slice3A_406, %slice3A_407 : vector<256x256xf32>
    %mul3A_409 = arith.constant 5.000000e-01 : f32
    %mul3A_410 = vector.broadcast %mul3A_409 : f32 to vector<256x256xf32>
    %mul3A_411 = arith.mulf %mul3A_410, %add3A_408 : vector<256x256xf32>
    %tanh3A_412 = math.tanh %mul3A_411 : vector<256x256xf32>
    %mul3A_413 = arith.constant 5.000000e-01 : f32
    %mul3A_414 = vector.broadcast %mul3A_413 : f32 to vector<256x256xf32>
    %mul3A_415 = arith.mulf %mul3A_414, %tanh3A_412 : vector<256x256xf32>
    %add3A_416 = arith.constant 5.000000e-01 : f32
    %add3A_417 = vector.broadcast %add3A_416 : f32 to vector<256x256xf32>
    %add3A_418 = arith.addf %add3A_417, %mul3A_415 : vector<256x256xf32>
    %slice3A_419 = vector.extract_strided_slice %slice3A_402 {offsets = [0, 256], sizes = [256, 256], strides = [1, 1]} : vector<256x768xf32> to vector<256x256xf32>
    %slice3A_420 = vector.extract_strided_slice %dot_general3A_405 {offsets = [0, 256], sizes = [256, 256], strides = [1, 1]} : vector<256x768xf32> to vector<256x256xf32>
    %add3A_421 = arith.addf %slice3A_419, %slice3A_420 : vector<256x256xf32>
    %mul3A_422 = arith.constant 5.000000e-01 : f32
    %mul3A_423 = vector.broadcast %mul3A_422 : f32 to vector<256x256xf32>
    %mul3A_424 = arith.mulf %mul3A_423, %add3A_421 : vector<256x256xf32>
    %tanh3A_425 = math.tanh %mul3A_424 : vector<256x256xf32>
    %mul3A_426 = arith.constant 5.000000e-01 : f32
    %mul3A_427 = vector.broadcast %mul3A_426 : f32 to vector<256x256xf32>
    %mul3A_428 = arith.mulf %mul3A_427, %tanh3A_425 : vector<256x256xf32>
    %add3A_429 = arith.constant 5.000000e-01 : f32
    %add3A_430 = vector.broadcast %add3A_429 : f32 to vector<256x256xf32>
    %add3A_431 = arith.addf %add3A_430, %mul3A_428 : vector<256x256xf32>
    %slice3A_432 = vector.extract_strided_slice %slice3A_402 {offsets = [0, 512], sizes = [256, 256], strides = [1, 1]} : vector<256x768xf32> to vector<256x256xf32>
    %slice3A_433 = vector.extract_strided_slice %dot_general3A_405 {offsets = [0, 512], sizes = [256, 256], strides = [1, 1]} : vector<256x768xf32> to vector<256x256xf32>
    %mul3A_434 = arith.mulf %add3A_418, %slice3A_433 : vector<256x256xf32>
    %add3A_435 = arith.addf %slice3A_432, %mul3A_434 : vector<256x256xf32>
    %tanh3A_436 = math.tanh %add3A_435 : vector<256x256xf32>
    %mul3A_437 = arith.constant 10 : i32
    %mul3A_438 = arith.muli %arg0, %mul3A_437 : i32
    %add3A_439 = arith.constant 8 : i32
    %add3A_440 = arith.addi %mul3A_438, %add3A_439 : i32
    %convert_element_type3A_441 = arith.sitofp %add3A_440 : i32 to f32
    %gt3A_442 = vector.broadcast %convert_element_type3A_441 : f32 to vector<256x1xf32>
    %gt3A_443 = arith.cmpf ogt, %get3A_7, %gt3A_442 : vector<256x1xf32>
    %sub3A_444 = arith.subf %select_n3A_401, %tanh3A_436 : vector<256x256xf32>
    %mul3A_445 = arith.mulf %add3A_431, %sub3A_444 : vector<256x256xf32>
    %add3A_446 = arith.addf %tanh3A_436, %mul3A_445 : vector<256x256xf32>
    %broadcast_in_dim3A_447 = vector.shape_cast %gt3A_443 : vector<256x1xi1> to vector<256x1xi1>
    %broadcast_in_dim3A_448 = vector.broadcast %broadcast_in_dim3A_447 : vector<256x1xi1> to vector<256x256xi1>
    %select_n3A_449 = arith.select %broadcast_in_dim3A_448, %add3A_446, %select_n3A_401 : vector<256x256xi1>, vector<256x256xf32>
    %slice3A_450 = vector.extract_strided_slice %add3A_20 {offsets = [2304, 0], sizes = [256, 768], strides = [1, 1]} : vector<2560x768xf32> to vector<256x768xf32>
    %convert_element_type3A_451 = arith.truncf %select_n3A_449 : vector<256x256xf32> to vector<256x256xbf16>
    %dot_general3A_452 = arith.constant dense<0.000000e+00> : vector<256x768xf32>
    %dot_general3A_453 = tpu.matmul %convert_element_type3A_451, %convert_element_type3A_4, %dot_general3A_452 {dimension_numbers = #tpu.dot_dimension_numbers<[1], [0], [0], [1], [0, 0, 1, 1], [], []>, transpose_lhs_hint = false} : vector<256x256xbf16>, vector<256x768xbf16>, vector<256x768xf32> -> vector<256x768xf32>
    %slice3A_454 = vector.extract_strided_slice %slice3A_450 {offsets = [0, 0], sizes = [256, 256], strides = [1, 1]} : vector<256x768xf32> to vector<256x256xf32>
    %slice3A_455 = vector.extract_strided_slice %dot_general3A_453 {offsets = [0, 0], sizes = [256, 256], strides = [1, 1]} : vector<256x768xf32> to vector<256x256xf32>
    %add3A_456 = arith.addf %slice3A_454, %slice3A_455 : vector<256x256xf32>
    %mul3A_457 = arith.constant 5.000000e-01 : f32
    %mul3A_458 = vector.broadcast %mul3A_457 : f32 to vector<256x256xf32>
    %mul3A_459 = arith.mulf %mul3A_458, %add3A_456 : vector<256x256xf32>
    %tanh3A_460 = math.tanh %mul3A_459 : vector<256x256xf32>
    %mul3A_461 = arith.constant 5.000000e-01 : f32
    %mul3A_462 = vector.broadcast %mul3A_461 : f32 to vector<256x256xf32>
    %mul3A_463 = arith.mulf %mul3A_462, %tanh3A_460 : vector<256x256xf32>
    %add3A_464 = arith.constant 5.000000e-01 : f32
    %add3A_465 = vector.broadcast %add3A_464 : f32 to vector<256x256xf32>
    %add3A_466 = arith.addf %add3A_465, %mul3A_463 : vector<256x256xf32>
    %slice3A_467 = vector.extract_strided_slice %slice3A_450 {offsets = [0, 256], sizes = [256, 256], strides = [1, 1]} : vector<256x768xf32> to vector<256x256xf32>
    %slice3A_468 = vector.extract_strided_slice %dot_general3A_453 {offsets = [0, 256], sizes = [256, 256], strides = [1, 1]} : vector<256x768xf32> to vector<256x256xf32>
    %add3A_469 = arith.addf %slice3A_467, %slice3A_468 : vector<256x256xf32>
    %mul3A_470 = arith.constant 5.000000e-01 : f32
    %mul3A_471 = vector.broadcast %mul3A_470 : f32 to vector<256x256xf32>
    %mul3A_472 = arith.mulf %mul3A_471, %add3A_469 : vector<256x256xf32>
    %tanh3A_473 = math.tanh %mul3A_472 : vector<256x256xf32>
    %mul3A_474 = arith.constant 5.000000e-01 : f32
    %mul3A_475 = vector.broadcast %mul3A_474 : f32 to vector<256x256xf32>
    %mul3A_476 = arith.mulf %mul3A_475, %tanh3A_473 : vector<256x256xf32>
    %add3A_477 = arith.constant 5.000000e-01 : f32
    %add3A_478 = vector.broadcast %add3A_477 : f32 to vector<256x256xf32>
    %add3A_479 = arith.addf %add3A_478, %mul3A_476 : vector<256x256xf32>
    %slice3A_480 = vector.extract_strided_slice %slice3A_450 {offsets = [0, 512], sizes = [256, 256], strides = [1, 1]} : vector<256x768xf32> to vector<256x256xf32>
    %slice3A_481 = vector.extract_strided_slice %dot_general3A_453 {offsets = [0, 512], sizes = [256, 256], strides = [1, 1]} : vector<256x768xf32> to vector<256x256xf32>
    %mul3A_482 = arith.mulf %add3A_466, %slice3A_481 : vector<256x256xf32>
    %add3A_483 = arith.addf %slice3A_480, %mul3A_482 : vector<256x256xf32>
    %tanh3A_484 = math.tanh %add3A_483 : vector<256x256xf32>
    %mul3A_485 = arith.constant 10 : i32
    %mul3A_486 = arith.muli %arg0, %mul3A_485 : i32
    %add3A_487 = arith.constant 9 : i32
    %add3A_488 = arith.addi %mul3A_486, %add3A_487 : i32
    %convert_element_type3A_489 = arith.sitofp %add3A_488 : i32 to f32
    %gt3A_490 = vector.broadcast %convert_element_type3A_489 : f32 to vector<256x1xf32>
    %gt3A_491 = arith.cmpf ogt, %get3A_7, %gt3A_490 : vector<256x1xf32>
    %sub3A_492 = arith.subf %select_n3A_449, %tanh3A_484 : vector<256x256xf32>
    %mul3A_493 = arith.mulf %add3A_479, %sub3A_492 : vector<256x256xf32>
    %add3A_494 = arith.addf %tanh3A_484, %mul3A_493 : vector<256x256xf32>
    %broadcast_in_dim3A_495 = vector.shape_cast %gt3A_491 : vector<256x1xi1> to vector<256x1xi1>
    %broadcast_in_dim3A_496 = vector.broadcast %broadcast_in_dim3A_495 : vector<256x1xi1> to vector<256x256xi1>
    %select_n3A_497 = arith.select %broadcast_in_dim3A_496, %add3A_494, %select_n3A_449 : vector<256x256xi1>, vector<256x256xf32>
    %swap3A = arith.constant 0 : index
    %swap3A_498 = arith.constant 0 : index
    %swap3A_499 = vector.load %arg12[%swap3A, %swap3A_498] : memref<256x256xf32, #tpu.memory_space<vmem>>, vector<256x256xf32>
    tpu.vector_store %arg12[%swap3A, %swap3A_498], %select_n3A_497 {strides = array<i32>} : memref<256x256xf32, #tpu.memory_space<vmem>>, vector<256x256xf32>,
    %eq3A_500 = arith.constant 2 : i32
    %eq3A_501 = arith.cmpi eq, %arg0, %eq3A_500 : i32
    %convert_element_type3A_502 = arith.extui %eq3A_501 : i1 to i32
    %cond3A_503 = arith.constant 0 : i32
    %cond3A_504 = arith.cmpi ne, %convert_element_type3A_502, %cond3A_503 : i32
    scf.if %cond3A_504 {
      %convert_element_type3A_505 = arith.truncf %select_n3A_497 : vector<256x256xf32> to vector<256x256xbf16>
      %get3A_506 = arith.constant 0 : index
      %get3A_507 = arith.constant 0 : index
      %get3A_508 = vector.load %arg8[%get3A_506, %get3A_507] : memref<256x768xf32, #tpu.memory_space<vmem>>, vector<256x768xf32>
      %convert_element_type3A_509 = arith.truncf %get3A_508 : vector<256x768xf32> to vector<256x768xbf16>
      %dot_general3A_510 = arith.constant dense<0.000000e+00> : vector<256x768xf32>
      %dot_general3A_511 = tpu.matmul %convert_element_type3A_505, %convert_element_type3A_509, %dot_general3A_510 {dimension_numbers = #tpu.dot_dimension_numbers<[1], [0], [0], [1], [0, 0, 1, 1], [], []>, transpose_lhs_hint = false} : vector<256x256xbf16>, vector<256x768xbf16>, vector<256x768xf32> -> vector<256x768xf32>
      %get3A_512 = arith.constant 0 : index
      %get3A_513 = vector.load %arg10[%get3A_512] : memref<768xf32, #tpu.memory_space<vmem>>, vector<768xf32>
      %broadcast_in_dim3A_514 = vector.shape_cast %get3A_513 : vector<768xf32> to vector<1x768xf32>
      %add3A_515 = vector.broadcast %broadcast_in_dim3A_514 : vector<1x768xf32> to vector<256x768xf32>
      %add3A_516 = arith.addf %dot_general3A_511, %add3A_515 : vector<256x768xf32>
      %get3A_517 = arith.constant 0 : index
      %get3A_518 = arith.constant 0 : index
      %get3A_519 = vector.load %arg9[%get3A_517, %get3A_518] : memref<256x768xf32, #tpu.memory_space<vmem>>, vector<256x768xf32>
      %convert_element_type3A_520 = arith.truncf %get3A_519 : vector<256x768xf32> to vector<256x768xbf16>
      %get3A_521 = arith.constant 0 : index
      %get3A_522 = vector.load %arg4[%get3A_521] : memref<16xi32, #tpu.memory_space<vmem>>, vector<16xi32>
      %convert_element_type3A_523 = arith.sitofp %get3A_522 : vector<16xi32> to vector<16xf32>
      %reshape3A_524 = vector.shape_cast %convert_element_type3A_523 : vector<16xf32> to vector<1x16xf32>
      %iota3A = tpu.iota {dimensions = array<i32: 0>} : vector<16x16xi32>
      %iota3A_525 = tpu.iota {dimensions = array<i32: 1>} : vector<16x16xi32>
      %eq3A_526 = arith.cmpi eq, %iota3A, %iota3A_525 : vector<16x16xi32>
      %convert_element_type3A_527 = arith.extui %eq3A_526 : vector<16x16xi1> to vector<16x16xi32>
      %convert_element_type3A_528 = arith.sitofp %convert_element_type3A_527 : vector<16x16xi32> to vector<16x16xf32>
      %mul3A_529 = vector.broadcast %reshape3A_524 : vector<1x16xf32> to vector<16x16xf32>
      %mul3A_530 = arith.mulf %convert_element_type3A_528, %mul3A_529 : vector<16x16xf32>
      %broadcast_in_dim3A_531 = arith.constant 1.000000e+00 : f32
      %broadcast_in_dim3A_532 = vector.broadcast %broadcast_in_dim3A_531 : f32 to vector<16x1xf32>
      %dot_general3A_533 = arith.constant dense<0.000000e+00> : vector<16x1xf32>
      %dot_general3A_534 = tpu.matmul %mul3A_530, %broadcast_in_dim3A_532, %dot_general3A_533 {dimension_numbers = #tpu.dot_dimension_numbers<[1], [0], [0], [1], [0, 0, 1, 1], [], []>, transpose_lhs_hint = false} : vector<16x16xf32>, vector<16x1xf32>, vector<16x1xf32> -> vector<16x1xf32>
      %broadcast_in_dim3A_535 = arith.constant 0.000000e+00 : f32
      %broadcast_in_dim3A_536 = vector.broadcast %broadcast_in_dim3A_535 : f32 to vector<16x256xf32>
      %slice3A_537 = vector.extract_strided_slice %add3A_516 {offsets = [0, 0], sizes = [16, 768], strides = [1, 1]} : vector<256x768xf32> to vector<16x768xf32>
      %convert_element_type3A_538 = arith.truncf %broadcast_in_dim3A_536 : vector<16x256xf32> to vector<16x256xbf16>
      %dot_general3A_539 = arith.constant dense<0.000000e+00> : vector<16x768xf32>
      %dot_general3A_540 = tpu.matmul %convert_element_type3A_538, %convert_element_type3A_520, %dot_general3A_539 {dimension_numbers = #tpu.dot_dimension_numbers<[1], [0], [0], [1], [0, 0, 1, 1], [], []>, transpose_lhs_hint = false} : vector<16x256xbf16>, vector<256x768xbf16>, vector<16x768xf32> -> vector<16x768xf32>
      %slice3A_541 = vector.extract_strided_slice %slice3A_537 {offsets = [0, 0], sizes = [16, 256], strides = [1, 1]} : vector<16x768xf32> to vector<16x256xf32>
      %slice3A_542 = vector.extract_strided_slice %dot_general3A_540 {offsets = [0, 0], sizes = [16, 256], strides = [1, 1]} : vector<16x768xf32> to vector<16x256xf32>
      %add3A_543 = arith.addf %slice3A_541, %slice3A_542 : vector<16x256xf32>
      %mul3A_544 = arith.constant 5.000000e-01 : f32
      %mul3A_545 = vector.broadcast %mul3A_544 : f32 to vector<16x256xf32>
      %mul3A_546 = arith.mulf %mul3A_545, %add3A_543 : vector<16x256xf32>
      %tanh3A_547 = math.tanh %mul3A_546 : vector<16x256xf32>
      %mul3A_548 = arith.constant 5.000000e-01 : f32
      %mul3A_549 = vector.broadcast %mul3A_548 : f32 to vector<16x256xf32>
      %mul3A_550 = arith.mulf %mul3A_549, %tanh3A_547 : vector<16x256xf32>
      %add3A_551 = arith.constant 5.000000e-01 : f32
      %add3A_552 = vector.broadcast %add3A_551 : f32 to vector<16x256xf32>
      %add3A_553 = arith.addf %add3A_552, %mul3A_550 : vector<16x256xf32>
      %slice3A_554 = vector.extract_strided_slice %slice3A_537 {offsets = [0, 256], sizes = [16, 256], strides = [1, 1]} : vector<16x768xf32> to vector<16x256xf32>
      %slice3A_555 = vector.extract_strided_slice %dot_general3A_540 {offsets = [0, 256], sizes = [16, 256], strides = [1, 1]} : vector<16x768xf32> to vector<16x256xf32>
      %add3A_556 = arith.addf %slice3A_554, %slice3A_555 : vector<16x256xf32>
      %mul3A_557 = arith.constant 5.000000e-01 : f32
      %mul3A_558 = vector.broadcast %mul3A_557 : f32 to vector<16x256xf32>
      %mul3A_559 = arith.mulf %mul3A_558, %add3A_556 : vector<16x256xf32>
      %tanh3A_560 = math.tanh %mul3A_559 : vector<16x256xf32>
      %mul3A_561 = arith.constant 5.000000e-01 : f32
      %mul3A_562 = vector.broadcast %mul3A_561 : f32 to vector<16x256xf32>
      %mul3A_563 = arith.mulf %mul3A_562, %tanh3A_560 : vector<16x256xf32>
      %add3A_564 = arith.constant 5.000000e-01 : f32
      %add3A_565 = vector.broadcast %add3A_564 : f32 to vector<16x256xf32>
      %add3A_566 = arith.addf %add3A_565, %mul3A_563 : vector<16x256xf32>
      %slice3A_567 = vector.extract_strided_slice %slice3A_537 {offsets = [0, 512], sizes = [16, 256], strides = [1, 1]} : vector<16x768xf32> to vector<16x256xf32>
      %slice3A_568 = vector.extract_strided_slice %dot_general3A_540 {offsets = [0, 512], sizes = [16, 256], strides = [1, 1]} : vector<16x768xf32> to vector<16x256xf32>
      %mul3A_569 = arith.mulf %add3A_553, %slice3A_568 : vector<16x256xf32>
      %add3A_570 = arith.addf %slice3A_567, %mul3A_569 : vector<16x256xf32>
      %tanh3A_571 = math.tanh %add3A_570 : vector<16x256xf32>
      %ge3A = arith.constant 0.000000e+00 : f32
      %ge3A_572 = vector.broadcast %ge3A : f32 to vector<16x1xf32>
      %ge3A_573 = arith.cmpf oge, %dot_general3A_534, %ge3A_572 : vector<16x1xf32>
      %sub3A_574 = arith.subf %broadcast_in_dim3A_536, %tanh3A_571 : vector<16x256xf32>
      %mul3A_575 = arith.mulf %add3A_566, %sub3A_574 : vector<16x256xf32>
      %add3A_576 = arith.addf %tanh3A_571, %mul3A_575 : vector<16x256xf32>
      %broadcast_in_dim3A_577 = vector.shape_cast %ge3A_573 : vector<16x1xi1> to vector<16x1xi1>
      %broadcast_in_dim3A_578 = vector.broadcast %broadcast_in_dim3A_577 : vector<16x1xi1> to vector<16x256xi1>
      %select_n3A_579 = arith.select %broadcast_in_dim3A_578, %add3A_576, %broadcast_in_dim3A_536 : vector<16x256xi1>, vector<16x256xf32>
      %slice3A_580 = vector.extract_strided_slice %add3A_516 {offsets = [16, 0], sizes = [16, 768], strides = [1, 1]} : vector<256x768xf32> to vector<16x768xf32>
      %convert_element_type3A_581 = arith.truncf %select_n3A_579 : vector<16x256xf32> to vector<16x256xbf16>
      %dot_general3A_582 = arith.constant dense<0.000000e+00> : vector<16x768xf32>
      %dot_general3A_583 = tpu.matmul %convert_element_type3A_581, %convert_element_type3A_520, %dot_general3A_582 {dimension_numbers = #tpu.dot_dimension_numbers<[1], [0], [0], [1], [0, 0, 1, 1], [], []>, transpose_lhs_hint = false} : vector<16x256xbf16>, vector<256x768xbf16>, vector<16x768xf32> -> vector<16x768xf32>
      %slice3A_584 = vector.extract_strided_slice %slice3A_580 {offsets = [0, 0], sizes = [16, 256], strides = [1, 1]} : vector<16x768xf32> to vector<16x256xf32>
      %slice3A_585 = vector.extract_strided_slice %dot_general3A_583 {offsets = [0, 0], sizes = [16, 256], strides = [1, 1]} : vector<16x768xf32> to vector<16x256xf32>
      %add3A_586 = arith.addf %slice3A_584, %slice3A_585 : vector<16x256xf32>
      %mul3A_587 = arith.constant 5.000000e-01 : f32
      %mul3A_588 = vector.broadcast %mul3A_587 : f32 to vector<16x256xf32>
      %mul3A_589 = arith.mulf %mul3A_588, %add3A_586 : vector<16x256xf32>
      %tanh3A_590 = math.tanh %mul3A_589 : vector<16x256xf32>
      %mul3A_591 = arith.constant 5.000000e-01 : f32
      %mul3A_592 = vector.broadcast %mul3A_591 : f32 to vector<16x256xf32>
      %mul3A_593 = arith.mulf %mul3A_592, %tanh3A_590 : vector<16x256xf32>
      %add3A_594 = arith.constant 5.000000e-01 : f32
      %add3A_595 = vector.broadcast %add3A_594 : f32 to vector<16x256xf32>
      %add3A_596 = arith.addf %add3A_595, %mul3A_593 : vector<16x256xf32>
      %slice3A_597 = vector.extract_strided_slice %slice3A_580 {offsets = [0, 256], sizes = [16, 256], strides = [1, 1]} : vector<16x768xf32> to vector<16x256xf32>
      %slice3A_598 = vector.extract_strided_slice %dot_general3A_583 {offsets = [0, 256], sizes = [16, 256], strides = [1, 1]} : vector<16x768xf32> to vector<16x256xf32>
      %add3A_599 = arith.addf %slice3A_597, %slice3A_598 : vector<16x256xf32>
      %mul3A_600 = arith.constant 5.000000e-01 : f32
      %mul3A_601 = vector.broadcast %mul3A_600 : f32 to vector<16x256xf32>
      %mul3A_602 = arith.mulf %mul3A_601, %add3A_599 : vector<16x256xf32>
      %tanh3A_603 = math.tanh %mul3A_602 : vector<16x256xf32>
      %mul3A_604 = arith.constant 5.000000e-01 : f32
      %mul3A_605 = vector.broadcast %mul3A_604 : f32 to vector<16x256xf32>
      %mul3A_606 = arith.mulf %mul3A_605, %tanh3A_603 : vector<16x256xf32>
      %add3A_607 = arith.constant 5.000000e-01 : f32
      %add3A_608 = vector.broadcast %add3A_607 : f32 to vector<16x256xf32>
      %add3A_609 = arith.addf %add3A_608, %mul3A_606 : vector<16x256xf32>
      %slice3A_610 = vector.extract_strided_slice %slice3A_580 {offsets = [0, 512], sizes = [16, 256], strides = [1, 1]} : vector<16x768xf32> to vector<16x256xf32>
      %slice3A_611 = vector.extract_strided_slice %dot_general3A_583 {offsets = [0, 512], sizes = [16, 256], strides = [1, 1]} : vector<16x768xf32> to vector<16x256xf32>
      %mul3A_612 = arith.mulf %add3A_596, %slice3A_611 : vector<16x256xf32>
      %add3A_613 = arith.addf %slice3A_610, %mul3A_612 : vector<16x256xf32>
      %tanh3A_614 = math.tanh %add3A_613 : vector<16x256xf32>
      %ge3A_615 = arith.constant 1.000000e+00 : f32
      %ge3A_616 = vector.broadcast %ge3A_615 : f32 to vector<16x1xf32>
      %ge3A_617 = arith.cmpf oge, %dot_general3A_534, %ge3A_616 : vector<16x1xf32>
      %sub3A_618 = arith.subf %select_n3A_579, %tanh3A_614 : vector<16x256xf32>
      %mul3A_619 = arith.mulf %add3A_609, %sub3A_618 : vector<16x256xf32>
      %add3A_620 = arith.addf %tanh3A_614, %mul3A_619 : vector<16x256xf32>
      %broadcast_in_dim3A_621 = vector.shape_cast %ge3A_617 : vector<16x1xi1> to vector<16x1xi1>
      %broadcast_in_dim3A_622 = vector.broadcast %broadcast_in_dim3A_621 : vector<16x1xi1> to vector<16x256xi1>
      %select_n3A_623 = arith.select %broadcast_in_dim3A_622, %add3A_620, %select_n3A_579 : vector<16x256xi1>, vector<16x256xf32>
      %slice3A_624 = vector.extract_strided_slice %add3A_516 {offsets = [32, 0], sizes = [16, 768], strides = [1, 1]} : vector<256x768xf32> to vector<16x768xf32>
      %convert_element_type3A_625 = arith.truncf %select_n3A_623 : vector<16x256xf32> to vector<16x256xbf16>
      %dot_general3A_626 = arith.constant dense<0.000000e+00> : vector<16x768xf32>
      %dot_general3A_627 = tpu.matmul %convert_element_type3A_625, %convert_element_type3A_520, %dot_general3A_626 {dimension_numbers = #tpu.dot_dimension_numbers<[1], [0], [0], [1], [0, 0, 1, 1], [], []>, transpose_lhs_hint = false} : vector<16x256xbf16>, vector<256x768xbf16>, vector<16x768xf32> -> vector<16x768xf32>
      %slice3A_628 = vector.extract_strided_slice %slice3A_624 {offsets = [0, 0], sizes = [16, 256], strides = [1, 1]} : vector<16x768xf32> to vector<16x256xf32>
      %slice3A_629 = vector.extract_strided_slice %dot_general3A_627 {offsets = [0, 0], sizes = [16, 256], strides = [1, 1]} : vector<16x768xf32> to vector<16x256xf32>
      %add3A_630 = arith.addf %slice3A_628, %slice3A_629 : vector<16x256xf32>
      %mul3A_631 = arith.constant 5.000000e-01 : f32
      %mul3A_632 = vector.broadcast %mul3A_631 : f32 to vector<16x256xf32>
      %mul3A_633 = arith.mulf %mul3A_632, %add3A_630 : vector<16x256xf32>
      %tanh3A_634 = math.tanh %mul3A_633 : vector<16x256xf32>
      %mul3A_635 = arith.constant 5.000000e-01 : f32
      %mul3A_636 = vector.broadcast %mul3A_635 : f32 to vector<16x256xf32>
      %mul3A_637 = arith.mulf %mul3A_636, %tanh3A_634 : vector<16x256xf32>
      %add3A_638 = arith.constant 5.000000e-01 : f32
      %add3A_639 = vector.broadcast %add3A_638 : f32 to vector<16x256xf32>
      %add3A_640 = arith.addf %add3A_639, %mul3A_637 : vector<16x256xf32>
      %slice3A_641 = vector.extract_strided_slice %slice3A_624 {offsets = [0, 256], sizes = [16, 256], strides = [1, 1]} : vector<16x768xf32> to vector<16x256xf32>
      %slice3A_642 = vector.extract_strided_slice %dot_general3A_627 {offsets = [0, 256], sizes = [16, 256], strides = [1, 1]} : vector<16x768xf32> to vector<16x256xf32>
      %add3A_643 = arith.addf %slice3A_641, %slice3A_642 : vector<16x256xf32>
      %mul3A_644 = arith.constant 5.000000e-01 : f32
      %mul3A_645 = vector.broadcast %mul3A_644 : f32 to vector<16x256xf32>
      %mul3A_646 = arith.mulf %mul3A_645, %add3A_643 : vector<16x256xf32>
      %tanh3A_647 = math.tanh %mul3A_646 : vector<16x256xf32>
      %mul3A_648 = arith.constant 5.000000e-01 : f32
      %mul3A_649 = vector.broadcast %mul3A_648 : f32 to vector<16x256xf32>
      %mul3A_650 = arith.mulf %mul3A_649, %tanh3A_647 : vector<16x256xf32>
      %add3A_651 = arith.constant 5.000000e-01 : f32
      %add3A_652 = vector.broadcast %add3A_651 : f32 to vector<16x256xf32>
      %add3A_653 = arith.addf %add3A_652, %mul3A_650 : vector<16x256xf32>
      %slice3A_654 = vector.extract_strided_slice %slice3A_624 {offsets = [0, 512], sizes = [16, 256], strides = [1, 1]} : vector<16x768xf32> to vector<16x256xf32>
      %slice3A_655 = vector.extract_strided_slice %dot_general3A_627 {offsets = [0, 512], sizes = [16, 256], strides = [1, 1]} : vector<16x768xf32> to vector<16x256xf32>
      %mul3A_656 = arith.mulf %add3A_640, %slice3A_655 : vector<16x256xf32>
      %add3A_657 = arith.addf %slice3A_654, %mul3A_656 : vector<16x256xf32>
      %tanh3A_658 = math.tanh %add3A_657 : vector<16x256xf32>
      %ge3A_659 = arith.constant 2.000000e+00 : f32
      %ge3A_660 = vector.broadcast %ge3A_659 : f32 to vector<16x1xf32>
      %ge3A_661 = arith.cmpf oge, %dot_general3A_534, %ge3A_660 : vector<16x1xf32>
      %sub3A_662 = arith.subf %select_n3A_623, %tanh3A_658 : vector<16x256xf32>
      %mul3A_663 = arith.mulf %add3A_653, %sub3A_662 : vector<16x256xf32>
      %add3A_664 = arith.addf %tanh3A_658, %mul3A_663 : vector<16x256xf32>
      %broadcast_in_dim3A_665 = vector.shape_cast %ge3A_661 : vector<16x1xi1> to vector<16x1xi1>
      %broadcast_in_dim3A_666 = vector.broadcast %broadcast_in_dim3A_665 : vector<16x1xi1> to vector<16x256xi1>
      %select_n3A_667 = arith.select %broadcast_in_dim3A_666, %add3A_664, %select_n3A_623 : vector<16x256xi1>, vector<16x256xf32>
      %slice3A_668 = vector.extract_strided_slice %add3A_516 {offsets = [48, 0], sizes = [16, 768], strides = [1, 1]} : vector<256x768xf32> to vector<16x768xf32>
      %convert_element_type3A_669 = arith.truncf %select_n3A_667 : vector<16x256xf32> to vector<16x256xbf16>
      %dot_general3A_670 = arith.constant dense<0.000000e+00> : vector<16x768xf32>
      %dot_general3A_671 = tpu.matmul %convert_element_type3A_669, %convert_element_type3A_520, %dot_general3A_670 {dimension_numbers = #tpu.dot_dimension_numbers<[1], [0], [0], [1], [0, 0, 1, 1], [], []>, transpose_lhs_hint = false} : vector<16x256xbf16>, vector<256x768xbf16>, vector<16x768xf32> -> vector<16x768xf32>
      %slice3A_672 = vector.extract_strided_slice %slice3A_668 {offsets = [0, 0], sizes = [16, 256], strides = [1, 1]} : vector<16x768xf32> to vector<16x256xf32>
      %slice3A_673 = vector.extract_strided_slice %dot_general3A_671 {offsets = [0, 0], sizes = [16, 256], strides = [1, 1]} : vector<16x768xf32> to vector<16x256xf32>
      %add3A_674 = arith.addf %slice3A_672, %slice3A_673 : vector<16x256xf32>
      %mul3A_675 = arith.constant 5.000000e-01 : f32
      %mul3A_676 = vector.broadcast %mul3A_675 : f32 to vector<16x256xf32>
      %mul3A_677 = arith.mulf %mul3A_676, %add3A_674 : vector<16x256xf32>
      %tanh3A_678 = math.tanh %mul3A_677 : vector<16x256xf32>
      %mul3A_679 = arith.constant 5.000000e-01 : f32
      %mul3A_680 = vector.broadcast %mul3A_679 : f32 to vector<16x256xf32>
      %mul3A_681 = arith.mulf %mul3A_680, %tanh3A_678 : vector<16x256xf32>
      %add3A_682 = arith.constant 5.000000e-01 : f32
      %add3A_683 = vector.broadcast %add3A_682 : f32 to vector<16x256xf32>
      %add3A_684 = arith.addf %add3A_683, %mul3A_681 : vector<16x256xf32>
      %slice3A_685 = vector.extract_strided_slice %slice3A_668 {offsets = [0, 256], sizes = [16, 256], strides = [1, 1]} : vector<16x768xf32> to vector<16x256xf32>
      %slice3A_686 = vector.extract_strided_slice %dot_general3A_671 {offsets = [0, 256], sizes = [16, 256], strides = [1, 1]} : vector<16x768xf32> to vector<16x256xf32>
      %add3A_687 = arith.addf %slice3A_685, %slice3A_686 : vector<16x256xf32>
      %mul3A_688 = arith.constant 5.000000e-01 : f32
      %mul3A_689 = vector.broadcast %mul3A_688 : f32 to vector<16x256xf32>
      %mul3A_690 = arith.mulf %mul3A_689, %add3A_687 : vector<16x256xf32>
      %tanh3A_691 = math.tanh %mul3A_690 : vector<16x256xf32>
      %mul3A_692 = arith.constant 5.000000e-01 : f32
      %mul3A_693 = vector.broadcast %mul3A_692 : f32 to vector<16x256xf32>
      %mul3A_694 = arith.mulf %mul3A_693, %tanh3A_691 : vector<16x256xf32>
      %add3A_695 = arith.constant 5.000000e-01 : f32
      %add3A_696 = vector.broadcast %add3A_695 : f32 to vector<16x256xf32>
      %add3A_697 = arith.addf %add3A_696, %mul3A_694 : vector<16x256xf32>
      %slice3A_698 = vector.extract_strided_slice %slice3A_668 {offsets = [0, 512], sizes = [16, 256], strides = [1, 1]} : vector<16x768xf32> to vector<16x256xf32>
      %slice3A_699 = vector.extract_strided_slice %dot_general3A_671 {offsets = [0, 512], sizes = [16, 256], strides = [1, 1]} : vector<16x768xf32> to vector<16x256xf32>
      %mul3A_700 = arith.mulf %add3A_684, %slice3A_699 : vector<16x256xf32>
      %add3A_701 = arith.addf %slice3A_698, %mul3A_700 : vector<16x256xf32>
      %tanh3A_702 = math.tanh %add3A_701 : vector<16x256xf32>
      %ge3A_703 = arith.constant 3.000000e+00 : f32
      %ge3A_704 = vector.broadcast %ge3A_703 : f32 to vector<16x1xf32>
      %ge3A_705 = arith.cmpf oge, %dot_general3A_534, %ge3A_704 : vector<16x1xf32>
      %sub3A_706 = arith.subf %select_n3A_667, %tanh3A_702 : vector<16x256xf32>
      %mul3A_707 = arith.mulf %add3A_697, %sub3A_706 : vector<16x256xf32>
      %add3A_708 = arith.addf %tanh3A_702, %mul3A_707 : vector<16x256xf32>
      %broadcast_in_dim3A_709 = vector.shape_cast %ge3A_705 : vector<16x1xi1> to vector<16x1xi1>
      %broadcast_in_dim3A_710 = vector.broadcast %broadcast_in_dim3A_709 : vector<16x1xi1> to vector<16x256xi1>
      %select_n3A_711 = arith.select %broadcast_in_dim3A_710, %add3A_708, %select_n3A_667 : vector<16x256xi1>, vector<16x256xf32>
      %slice3A_712 = vector.extract_strided_slice %add3A_516 {offsets = [64, 0], sizes = [16, 768], strides = [1, 1]} : vector<256x768xf32> to vector<16x768xf32>
      %convert_element_type3A_713 = arith.truncf %select_n3A_711 : vector<16x256xf32> to vector<16x256xbf16>
      %dot_general3A_714 = arith.constant dense<0.000000e+00> : vector<16x768xf32>
      %dot_general3A_715 = tpu.matmul %convert_element_type3A_713, %convert_element_type3A_520, %dot_general3A_714 {dimension_numbers = #tpu.dot_dimension_numbers<[1], [0], [0], [1], [0, 0, 1, 1], [], []>, transpose_lhs_hint = false} : vector<16x256xbf16>, vector<256x768xbf16>, vector<16x768xf32> -> vector<16x768xf32>
      %slice3A_716 = vector.extract_strided_slice %slice3A_712 {offsets = [0, 0], sizes = [16, 256], strides = [1, 1]} : vector<16x768xf32> to vector<16x256xf32>
      %slice3A_717 = vector.extract_strided_slice %dot_general3A_715 {offsets = [0, 0], sizes = [16, 256], strides = [1, 1]} : vector<16x768xf32> to vector<16x256xf32>
      %add3A_718 = arith.addf %slice3A_716, %slice3A_717 : vector<16x256xf32>
      %mul3A_719 = arith.constant 5.000000e-01 : f32
      %mul3A_720 = vector.broadcast %mul3A_719 : f32 to vector<16x256xf32>
      %mul3A_721 = arith.mulf %mul3A_720, %add3A_718 : vector<16x256xf32>
      %tanh3A_722 = math.tanh %mul3A_721 : vector<16x256xf32>
      %mul3A_723 = arith.constant 5.000000e-01 : f32
      %mul3A_724 = vector.broadcast %mul3A_723 : f32 to vector<16x256xf32>
      %mul3A_725 = arith.mulf %mul3A_724, %tanh3A_722 : vector<16x256xf32>
      %add3A_726 = arith.constant 5.000000e-01 : f32
      %add3A_727 = vector.broadcast %add3A_726 : f32 to vector<16x256xf32>
      %add3A_728 = arith.addf %add3A_727, %mul3A_725 : vector<16x256xf32>
      %slice3A_729 = vector.extract_strided_slice %slice3A_712 {offsets = [0, 256], sizes = [16, 256], strides = [1, 1]} : vector<16x768xf32> to vector<16x256xf32>
      %slice3A_730 = vector.extract_strided_slice %dot_general3A_715 {offsets = [0, 256], sizes = [16, 256], strides = [1, 1]} : vector<16x768xf32> to vector<16x256xf32>
      %add3A_731 = arith.addf %slice3A_729, %slice3A_730 : vector<16x256xf32>
      %mul3A_732 = arith.constant 5.000000e-01 : f32
      %mul3A_733 = vector.broadcast %mul3A_732 : f32 to vector<16x256xf32>
      %mul3A_734 = arith.mulf %mul3A_733, %add3A_731 : vector<16x256xf32>
      %tanh3A_735 = math.tanh %mul3A_734 : vector<16x256xf32>
      %mul3A_736 = arith.constant 5.000000e-01 : f32
      %mul3A_737 = vector.broadcast %mul3A_736 : f32 to vector<16x256xf32>
      %mul3A_738 = arith.mulf %mul3A_737, %tanh3A_735 : vector<16x256xf32>
      %add3A_739 = arith.constant 5.000000e-01 : f32
      %add3A_740 = vector.broadcast %add3A_739 : f32 to vector<16x256xf32>
      %add3A_741 = arith.addf %add3A_740, %mul3A_738 : vector<16x256xf32>
      %slice3A_742 = vector.extract_strided_slice %slice3A_712 {offsets = [0, 512], sizes = [16, 256], strides = [1, 1]} : vector<16x768xf32> to vector<16x256xf32>
      %slice3A_743 = vector.extract_strided_slice %dot_general3A_715 {offsets = [0, 512], sizes = [16, 256], strides = [1, 1]} : vector<16x768xf32> to vector<16x256xf32>
      %mul3A_744 = arith.mulf %add3A_728, %slice3A_743 : vector<16x256xf32>
      %add3A_745 = arith.addf %slice3A_742, %mul3A_744 : vector<16x256xf32>
      %tanh3A_746 = math.tanh %add3A_745 : vector<16x256xf32>
      %ge3A_747 = arith.constant 4.000000e+00 : f32
      %ge3A_748 = vector.broadcast %ge3A_747 : f32 to vector<16x1xf32>
      %ge3A_749 = arith.cmpf oge, %dot_general3A_534, %ge3A_748 : vector<16x1xf32>
      %sub3A_750 = arith.subf %select_n3A_711, %tanh3A_746 : vector<16x256xf32>
      %mul3A_751 = arith.mulf %add3A_741, %sub3A_750 : vector<16x256xf32>
      %add3A_752 = arith.addf %tanh3A_746, %mul3A_751 : vector<16x256xf32>
      %broadcast_in_dim3A_753 = vector.shape_cast %ge3A_749 : vector<16x1xi1> to vector<16x1xi1>
      %broadcast_in_dim3A_754 = vector.broadcast %broadcast_in_dim3A_753 : vector<16x1xi1> to vector<16x256xi1>
      %select_n3A_755 = arith.select %broadcast_in_dim3A_754, %add3A_752, %select_n3A_711 : vector<16x256xi1>, vector<16x256xf32>
      %slice3A_756 = vector.extract_strided_slice %add3A_516 {offsets = [80, 0], sizes = [16, 768], strides = [1, 1]} : vector<256x768xf32> to vector<16x768xf32>
      %convert_element_type3A_757 = arith.truncf %select_n3A_755 : vector<16x256xf32> to vector<16x256xbf16>
      %dot_general3A_758 = arith.constant dense<0.000000e+00> : vector<16x768xf32>
      %dot_general3A_759 = tpu.matmul %convert_element_type3A_757, %convert_element_type3A_520, %dot_general3A_758 {dimension_numbers = #tpu.dot_dimension_numbers<[1], [0], [0], [1], [0, 0, 1, 1], [], []>, transpose_lhs_hint = false} : vector<16x256xbf16>, vector<256x768xbf16>, vector<16x768xf32> -> vector<16x768xf32>
      %slice3A_760 = vector.extract_strided_slice %slice3A_756 {offsets = [0, 0], sizes = [16, 256], strides = [1, 1]} : vector<16x768xf32> to vector<16x256xf32>
      %slice3A_761 = vector.extract_strided_slice %dot_general3A_759 {offsets = [0, 0], sizes = [16, 256], strides = [1, 1]} : vector<16x768xf32> to vector<16x256xf32>
      %add3A_762 = arith.addf %slice3A_760, %slice3A_761 : vector<16x256xf32>
      %mul3A_763 = arith.constant 5.000000e-01 : f32
      %mul3A_764 = vector.broadcast %mul3A_763 : f32 to vector<16x256xf32>
      %mul3A_765 = arith.mulf %mul3A_764, %add3A_762 : vector<16x256xf32>
      %tanh3A_766 = math.tanh %mul3A_765 : vector<16x256xf32>
      %mul3A_767 = arith.constant 5.000000e-01 : f32
      %mul3A_768 = vector.broadcast %mul3A_767 : f32 to vector<16x256xf32>
      %mul3A_769 = arith.mulf %mul3A_768, %tanh3A_766 : vector<16x256xf32>
      %add3A_770 = arith.constant 5.000000e-01 : f32
      %add3A_771 = vector.broadcast %add3A_770 : f32 to vector<16x256xf32>
      %add3A_772 = arith.addf %add3A_771, %mul3A_769 : vector<16x256xf32>
      %slice3A_773 = vector.extract_strided_slice %slice3A_756 {offsets = [0, 256], sizes = [16, 256], strides = [1, 1]} : vector<16x768xf32> to vector<16x256xf32>
      %slice3A_774 = vector.extract_strided_slice %dot_general3A_759 {offsets = [0, 256], sizes = [16, 256], strides = [1, 1]} : vector<16x768xf32> to vector<16x256xf32>
      %add3A_775 = arith.addf %slice3A_773, %slice3A_774 : vector<16x256xf32>
      %mul3A_776 = arith.constant 5.000000e-01 : f32
      %mul3A_777 = vector.broadcast %mul3A_776 : f32 to vector<16x256xf32>
      %mul3A_778 = arith.mulf %mul3A_777, %add3A_775 : vector<16x256xf32>
      %tanh3A_779 = math.tanh %mul3A_778 : vector<16x256xf32>
      %mul3A_780 = arith.constant 5.000000e-01 : f32
      %mul3A_781 = vector.broadcast %mul3A_780 : f32 to vector<16x256xf32>
      %mul3A_782 = arith.mulf %mul3A_781, %tanh3A_779 : vector<16x256xf32>
      %add3A_783 = arith.constant 5.000000e-01 : f32
      %add3A_784 = vector.broadcast %add3A_783 : f32 to vector<16x256xf32>
      %add3A_785 = arith.addf %add3A_784, %mul3A_782 : vector<16x256xf32>
      %slice3A_786 = vector.extract_strided_slice %slice3A_756 {offsets = [0, 512], sizes = [16, 256], strides = [1, 1]} : vector<16x768xf32> to vector<16x256xf32>
      %slice3A_787 = vector.extract_strided_slice %dot_general3A_759 {offsets = [0, 512], sizes = [16, 256], strides = [1, 1]} : vector<16x768xf32> to vector<16x256xf32>
      %mul3A_788 = arith.mulf %add3A_772, %slice3A_787 : vector<16x256xf32>
      %add3A_789 = arith.addf %slice3A_786, %mul3A_788 : vector<16x256xf32>
      %tanh3A_790 = math.tanh %add3A_789 : vector<16x256xf32>
      %ge3A_791 = arith.constant 5.000000e+00 : f32
      %ge3A_792 = vector.broadcast %ge3A_791 : f32 to vector<16x1xf32>
      %ge3A_793 = arith.cmpf oge, %dot_general3A_534, %ge3A_792 : vector<16x1xf32>
      %sub3A_794 = arith.subf %select_n3A_755, %tanh3A_790 : vector<16x256xf32>
      %mul3A_795 = arith.mulf %add3A_785, %sub3A_794 : vector<16x256xf32>
      %add3A_796 = arith.addf %tanh3A_790, %mul3A_795 : vector<16x256xf32>
      %broadcast_in_dim3A_797 = vector.shape_cast %ge3A_793 : vector<16x1xi1> to vector<16x1xi1>
      %broadcast_in_dim3A_798 = vector.broadcast %broadcast_in_dim3A_797 : vector<16x1xi1> to vector<16x256xi1>
      %select_n3A_799 = arith.select %broadcast_in_dim3A_798, %add3A_796, %select_n3A_755 : vector<16x256xi1>, vector<16x256xf32>
      %slice3A_800 = vector.extract_strided_slice %add3A_516 {offsets = [96, 0], sizes = [16, 768], strides = [1, 1]} : vector<256x768xf32> to vector<16x768xf32>
      %convert_element_type3A_801 = arith.truncf %select_n3A_799 : vector<16x256xf32> to vector<16x256xbf16>
      %dot_general3A_802 = arith.constant dense<0.000000e+00> : vector<16x768xf32>
      %dot_general3A_803 = tpu.matmul %convert_element_type3A_801, %convert_element_type3A_520, %dot_general3A_802 {dimension_numbers = #tpu.dot_dimension_numbers<[1], [0], [0], [1], [0, 0, 1, 1], [], []>, transpose_lhs_hint = false} : vector<16x256xbf16>, vector<256x768xbf16>, vector<16x768xf32> -> vector<16x768xf32>
      %slice3A_804 = vector.extract_strided_slice %slice3A_800 {offsets = [0, 0], sizes = [16, 256], strides = [1, 1]} : vector<16x768xf32> to vector<16x256xf32>
      %slice3A_805 = vector.extract_strided_slice %dot_general3A_803 {offsets = [0, 0], sizes = [16, 256], strides = [1, 1]} : vector<16x768xf32> to vector<16x256xf32>
      %add3A_806 = arith.addf %slice3A_804, %slice3A_805 : vector<16x256xf32>
      %mul3A_807 = arith.constant 5.000000e-01 : f32
      %mul3A_808 = vector.broadcast %mul3A_807 : f32 to vector<16x256xf32>
      %mul3A_809 = arith.mulf %mul3A_808, %add3A_806 : vector<16x256xf32>
      %tanh3A_810 = math.tanh %mul3A_809 : vector<16x256xf32>
      %mul3A_811 = arith.constant 5.000000e-01 : f32
      %mul3A_812 = vector.broadcast %mul3A_811 : f32 to vector<16x256xf32>
      %mul3A_813 = arith.mulf %mul3A_812, %tanh3A_810 : vector<16x256xf32>
      %add3A_814 = arith.constant 5.000000e-01 : f32
      %add3A_815 = vector.broadcast %add3A_814 : f32 to vector<16x256xf32>
      %add3A_816 = arith.addf %add3A_815, %mul3A_813 : vector<16x256xf32>
      %slice3A_817 = vector.extract_strided_slice %slice3A_800 {offsets = [0, 256], sizes = [16, 256], strides = [1, 1]} : vector<16x768xf32> to vector<16x256xf32>
      %slice3A_818 = vector.extract_strided_slice %dot_general3A_803 {offsets = [0, 256], sizes = [16, 256], strides = [1, 1]} : vector<16x768xf32> to vector<16x256xf32>
      %add3A_819 = arith.addf %slice3A_817, %slice3A_818 : vector<16x256xf32>
      %mul3A_820 = arith.constant 5.000000e-01 : f32
      %mul3A_821 = vector.broadcast %mul3A_820 : f32 to vector<16x256xf32>
      %mul3A_822 = arith.mulf %mul3A_821, %add3A_819 : vector<16x256xf32>
      %tanh3A_823 = math.tanh %mul3A_822 : vector<16x256xf32>
      %mul3A_824 = arith.constant 5.000000e-01 : f32
      %mul3A_825 = vector.broadcast %mul3A_824 : f32 to vector<16x256xf32>
      %mul3A_826 = arith.mulf %mul3A_825, %tanh3A_823 : vector<16x256xf32>
      %add3A_827 = arith.constant 5.000000e-01 : f32
      %add3A_828 = vector.broadcast %add3A_827 : f32 to vector<16x256xf32>
      %add3A_829 = arith.addf %add3A_828, %mul3A_826 : vector<16x256xf32>
      %slice3A_830 = vector.extract_strided_slice %slice3A_800 {offsets = [0, 512], sizes = [16, 256], strides = [1, 1]} : vector<16x768xf32> to vector<16x256xf32>
      %slice3A_831 = vector.extract_strided_slice %dot_general3A_803 {offsets = [0, 512], sizes = [16, 256], strides = [1, 1]} : vector<16x768xf32> to vector<16x256xf32>
      %mul3A_832 = arith.mulf %add3A_816, %slice3A_831 : vector<16x256xf32>
      %add3A_833 = arith.addf %slice3A_830, %mul3A_832 : vector<16x256xf32>
      %tanh3A_834 = math.tanh %add3A_833 : vector<16x256xf32>
      %ge3A_835 = arith.constant 6.000000e+00 : f32
      %ge3A_836 = vector.broadcast %ge3A_835 : f32 to vector<16x1xf32>
      %ge3A_837 = arith.cmpf oge, %dot_general3A_534, %ge3A_836 : vector<16x1xf32>
      %sub3A_838 = arith.subf %select_n3A_799, %tanh3A_834 : vector<16x256xf32>
      %mul3A_839 = arith.mulf %add3A_829, %sub3A_838 : vector<16x256xf32>
      %add3A_840 = arith.addf %tanh3A_834, %mul3A_839 : vector<16x256xf32>
      %broadcast_in_dim3A_841 = vector.shape_cast %ge3A_837 : vector<16x1xi1> to vector<16x1xi1>
      %broadcast_in_dim3A_842 = vector.broadcast %broadcast_in_dim3A_841 : vector<16x1xi1> to vector<16x256xi1>
      %select_n3A_843 = arith.select %broadcast_in_dim3A_842, %add3A_840, %select_n3A_799 : vector<16x256xi1>, vector<16x256xf32>
      %slice3A_844 = vector.extract_strided_slice %add3A_516 {offsets = [112, 0], sizes = [16, 768], strides = [1, 1]} : vector<256x768xf32> to vector<16x768xf32>
      %convert_element_type3A_845 = arith.truncf %select_n3A_843 : vector<16x256xf32> to vector<16x256xbf16>
      %dot_general3A_846 = arith.constant dense<0.000000e+00> : vector<16x768xf32>
      %dot_general3A_847 = tpu.matmul %convert_element_type3A_845, %convert_element_type3A_520, %dot_general3A_846 {dimension_numbers = #tpu.dot_dimension_numbers<[1], [0], [0], [1], [0, 0, 1, 1], [], []>, transpose_lhs_hint = false} : vector<16x256xbf16>, vector<256x768xbf16>, vector<16x768xf32> -> vector<16x768xf32>
      %slice3A_848 = vector.extract_strided_slice %slice3A_844 {offsets = [0, 0], sizes = [16, 256], strides = [1, 1]} : vector<16x768xf32> to vector<16x256xf32>
      %slice3A_849 = vector.extract_strided_slice %dot_general3A_847 {offsets = [0, 0], sizes = [16, 256], strides = [1, 1]} : vector<16x768xf32> to vector<16x256xf32>
      %add3A_850 = arith.addf %slice3A_848, %slice3A_849 : vector<16x256xf32>
      %mul3A_851 = arith.constant 5.000000e-01 : f32
      %mul3A_852 = vector.broadcast %mul3A_851 : f32 to vector<16x256xf32>
      %mul3A_853 = arith.mulf %mul3A_852, %add3A_850 : vector<16x256xf32>
      %tanh3A_854 = math.tanh %mul3A_853 : vector<16x256xf32>
      %mul3A_855 = arith.constant 5.000000e-01 : f32
      %mul3A_856 = vector.broadcast %mul3A_855 : f32 to vector<16x256xf32>
      %mul3A_857 = arith.mulf %mul3A_856, %tanh3A_854 : vector<16x256xf32>
      %add3A_858 = arith.constant 5.000000e-01 : f32
      %add3A_859 = vector.broadcast %add3A_858 : f32 to vector<16x256xf32>
      %add3A_860 = arith.addf %add3A_859, %mul3A_857 : vector<16x256xf32>
      %slice3A_861 = vector.extract_strided_slice %slice3A_844 {offsets = [0, 256], sizes = [16, 256], strides = [1, 1]} : vector<16x768xf32> to vector<16x256xf32>
      %slice3A_862 = vector.extract_strided_slice %dot_general3A_847 {offsets = [0, 256], sizes = [16, 256], strides = [1, 1]} : vector<16x768xf32> to vector<16x256xf32>
      %add3A_863 = arith.addf %slice3A_861, %slice3A_862 : vector<16x256xf32>
      %mul3A_864 = arith.constant 5.000000e-01 : f32
      %mul3A_865 = vector.broadcast %mul3A_864 : f32 to vector<16x256xf32>
      %mul3A_866 = arith.mulf %mul3A_865, %add3A_863 : vector<16x256xf32>
      %tanh3A_867 = math.tanh %mul3A_866 : vector<16x256xf32>
      %mul3A_868 = arith.constant 5.000000e-01 : f32
      %mul3A_869 = vector.broadcast %mul3A_868 : f32 to vector<16x256xf32>
      %mul3A_870 = arith.mulf %mul3A_869, %tanh3A_867 : vector<16x256xf32>
      %add3A_871 = arith.constant 5.000000e-01 : f32
      %add3A_872 = vector.broadcast %add3A_871 : f32 to vector<16x256xf32>
      %add3A_873 = arith.addf %add3A_872, %mul3A_870 : vector<16x256xf32>
      %slice3A_874 = vector.extract_strided_slice %slice3A_844 {offsets = [0, 512], sizes = [16, 256], strides = [1, 1]} : vector<16x768xf32> to vector<16x256xf32>
      %slice3A_875 = vector.extract_strided_slice %dot_general3A_847 {offsets = [0, 512], sizes = [16, 256], strides = [1, 1]} : vector<16x768xf32> to vector<16x256xf32>
      %mul3A_876 = arith.mulf %add3A_860, %slice3A_875 : vector<16x256xf32>
      %add3A_877 = arith.addf %slice3A_874, %mul3A_876 : vector<16x256xf32>
      %tanh3A_878 = math.tanh %add3A_877 : vector<16x256xf32>
      %ge3A_879 = arith.constant 7.000000e+00 : f32
      %ge3A_880 = vector.broadcast %ge3A_879 : f32 to vector<16x1xf32>
      %ge3A_881 = arith.cmpf oge, %dot_general3A_534, %ge3A_880 : vector<16x1xf32>
      %sub3A_882 = arith.subf %select_n3A_843, %tanh3A_878 : vector<16x256xf32>
      %mul3A_883 = arith.mulf %add3A_873, %sub3A_882 : vector<16x256xf32>
      %add3A_884 = arith.addf %tanh3A_878, %mul3A_883 : vector<16x256xf32>
      %broadcast_in_dim3A_885 = vector.shape_cast %ge3A_881 : vector<16x1xi1> to vector<16x1xi1>
      %broadcast_in_dim3A_886 = vector.broadcast %broadcast_in_dim3A_885 : vector<16x1xi1> to vector<16x256xi1>
      %select_n3A_887 = arith.select %broadcast_in_dim3A_886, %add3A_884, %select_n3A_843 : vector<16x256xi1>, vector<16x256xf32>
      %slice3A_888 = vector.extract_strided_slice %add3A_516 {offsets = [128, 0], sizes = [16, 768], strides = [1, 1]} : vector<256x768xf32> to vector<16x768xf32>
      %convert_element_type3A_889 = arith.truncf %select_n3A_887 : vector<16x256xf32> to vector<16x256xbf16>
      %dot_general3A_890 = arith.constant dense<0.000000e+00> : vector<16x768xf32>
      %dot_general3A_891 = tpu.matmul %convert_element_type3A_889, %convert_element_type3A_520, %dot_general3A_890 {dimension_numbers = #tpu.dot_dimension_numbers<[1], [0], [0], [1], [0, 0, 1, 1], [], []>, transpose_lhs_hint = false} : vector<16x256xbf16>, vector<256x768xbf16>, vector<16x768xf32> -> vector<16x768xf32>
      %slice3A_892 = vector.extract_strided_slice %slice3A_888 {offsets = [0, 0], sizes = [16, 256], strides = [1, 1]} : vector<16x768xf32> to vector<16x256xf32>
      %slice3A_893 = vector.extract_strided_slice %dot_general3A_891 {offsets = [0, 0], sizes = [16, 256], strides = [1, 1]} : vector<16x768xf32> to vector<16x256xf32>
      %add3A_894 = arith.addf %slice3A_892, %slice3A_893 : vector<16x256xf32>
      %mul3A_895 = arith.constant 5.000000e-01 : f32
      %mul3A_896 = vector.broadcast %mul3A_895 : f32 to vector<16x256xf32>
      %mul3A_897 = arith.mulf %mul3A_896, %add3A_894 : vector<16x256xf32>
      %tanh3A_898 = math.tanh %mul3A_897 : vector<16x256xf32>
      %mul3A_899 = arith.constant 5.000000e-01 : f32
      %mul3A_900 = vector.broadcast %mul3A_899 : f32 to vector<16x256xf32>
      %mul3A_901 = arith.mulf %mul3A_900, %tanh3A_898 : vector<16x256xf32>
      %add3A_902 = arith.constant 5.000000e-01 : f32
      %add3A_903 = vector.broadcast %add3A_902 : f32 to vector<16x256xf32>
      %add3A_904 = arith.addf %add3A_903, %mul3A_901 : vector<16x256xf32>
      %slice3A_905 = vector.extract_strided_slice %slice3A_888 {offsets = [0, 256], sizes = [16, 256], strides = [1, 1]} : vector<16x768xf32> to vector<16x256xf32>
      %slice3A_906 = vector.extract_strided_slice %dot_general3A_891 {offsets = [0, 256], sizes = [16, 256], strides = [1, 1]} : vector<16x768xf32> to vector<16x256xf32>
      %add3A_907 = arith.addf %slice3A_905, %slice3A_906 : vector<16x256xf32>
      %mul3A_908 = arith.constant 5.000000e-01 : f32
      %mul3A_909 = vector.broadcast %mul3A_908 : f32 to vector<16x256xf32>
      %mul3A_910 = arith.mulf %mul3A_909, %add3A_907 : vector<16x256xf32>
      %tanh3A_911 = math.tanh %mul3A_910 : vector<16x256xf32>
      %mul3A_912 = arith.constant 5.000000e-01 : f32
      %mul3A_913 = vector.broadcast %mul3A_912 : f32 to vector<16x256xf32>
      %mul3A_914 = arith.mulf %mul3A_913, %tanh3A_911 : vector<16x256xf32>
      %add3A_915 = arith.constant 5.000000e-01 : f32
      %add3A_916 = vector.broadcast %add3A_915 : f32 to vector<16x256xf32>
      %add3A_917 = arith.addf %add3A_916, %mul3A_914 : vector<16x256xf32>
      %slice3A_918 = vector.extract_strided_slice %slice3A_888 {offsets = [0, 512], sizes = [16, 256], strides = [1, 1]} : vector<16x768xf32> to vector<16x256xf32>
      %slice3A_919 = vector.extract_strided_slice %dot_general3A_891 {offsets = [0, 512], sizes = [16, 256], strides = [1, 1]} : vector<16x768xf32> to vector<16x256xf32>
      %mul3A_920 = arith.mulf %add3A_904, %slice3A_919 : vector<16x256xf32>
      %add3A_921 = arith.addf %slice3A_918, %mul3A_920 : vector<16x256xf32>
      %tanh3A_922 = math.tanh %add3A_921 : vector<16x256xf32>
      %ge3A_923 = arith.constant 8.000000e+00 : f32
      %ge3A_924 = vector.broadcast %ge3A_923 : f32 to vector<16x1xf32>
      %ge3A_925 = arith.cmpf oge, %dot_general3A_534, %ge3A_924 : vector<16x1xf32>
      %sub3A_926 = arith.subf %select_n3A_887, %tanh3A_922 : vector<16x256xf32>
      %mul3A_927 = arith.mulf %add3A_917, %sub3A_926 : vector<16x256xf32>
      %add3A_928 = arith.addf %tanh3A_922, %mul3A_927 : vector<16x256xf32>
      %broadcast_in_dim3A_929 = vector.shape_cast %ge3A_925 : vector<16x1xi1> to vector<16x1xi1>
      %broadcast_in_dim3A_930 = vector.broadcast %broadcast_in_dim3A_929 : vector<16x1xi1> to vector<16x256xi1>
      %select_n3A_931 = arith.select %broadcast_in_dim3A_930, %add3A_928, %select_n3A_887 : vector<16x256xi1>, vector<16x256xf32>
      %slice3A_932 = vector.extract_strided_slice %add3A_516 {offsets = [144, 0], sizes = [16, 768], strides = [1, 1]} : vector<256x768xf32> to vector<16x768xf32>
      %convert_element_type3A_933 = arith.truncf %select_n3A_931 : vector<16x256xf32> to vector<16x256xbf16>
      %dot_general3A_934 = arith.constant dense<0.000000e+00> : vector<16x768xf32>
      %dot_general3A_935 = tpu.matmul %convert_element_type3A_933, %convert_element_type3A_520, %dot_general3A_934 {dimension_numbers = #tpu.dot_dimension_numbers<[1], [0], [0], [1], [0, 0, 1, 1], [], []>, transpose_lhs_hint = false} : vector<16x256xbf16>, vector<256x768xbf16>, vector<16x768xf32> -> vector<16x768xf32>
      %slice3A_936 = vector.extract_strided_slice %slice3A_932 {offsets = [0, 0], sizes = [16, 256], strides = [1, 1]} : vector<16x768xf32> to vector<16x256xf32>
      %slice3A_937 = vector.extract_strided_slice %dot_general3A_935 {offsets = [0, 0], sizes = [16, 256], strides = [1, 1]} : vector<16x768xf32> to vector<16x256xf32>
      %add3A_938 = arith.addf %slice3A_936, %slice3A_937 : vector<16x256xf32>
      %mul3A_939 = arith.constant 5.000000e-01 : f32
      %mul3A_940 = vector.broadcast %mul3A_939 : f32 to vector<16x256xf32>
      %mul3A_941 = arith.mulf %mul3A_940, %add3A_938 : vector<16x256xf32>
      %tanh3A_942 = math.tanh %mul3A_941 : vector<16x256xf32>
      %mul3A_943 = arith.constant 5.000000e-01 : f32
      %mul3A_944 = vector.broadcast %mul3A_943 : f32 to vector<16x256xf32>
      %mul3A_945 = arith.mulf %mul3A_944, %tanh3A_942 : vector<16x256xf32>
      %add3A_946 = arith.constant 5.000000e-01 : f32
      %add3A_947 = vector.broadcast %add3A_946 : f32 to vector<16x256xf32>
      %add3A_948 = arith.addf %add3A_947, %mul3A_945 : vector<16x256xf32>
      %slice3A_949 = vector.extract_strided_slice %slice3A_932 {offsets = [0, 256], sizes = [16, 256], strides = [1, 1]} : vector<16x768xf32> to vector<16x256xf32>
      %slice3A_950 = vector.extract_strided_slice %dot_general3A_935 {offsets = [0, 256], sizes = [16, 256], strides = [1, 1]} : vector<16x768xf32> to vector<16x256xf32>
      %add3A_951 = arith.addf %slice3A_949, %slice3A_950 : vector<16x256xf32>
      %mul3A_952 = arith.constant 5.000000e-01 : f32
      %mul3A_953 = vector.broadcast %mul3A_952 : f32 to vector<16x256xf32>
      %mul3A_954 = arith.mulf %mul3A_953, %add3A_951 : vector<16x256xf32>
      %tanh3A_955 = math.tanh %mul3A_954 : vector<16x256xf32>
      %mul3A_956 = arith.constant 5.000000e-01 : f32
      %mul3A_957 = vector.broadcast %mul3A_956 : f32 to vector<16x256xf32>
      %mul3A_958 = arith.mulf %mul3A_957, %tanh3A_955 : vector<16x256xf32>
      %add3A_959 = arith.constant 5.000000e-01 : f32
      %add3A_960 = vector.broadcast %add3A_959 : f32 to vector<16x256xf32>
      %add3A_961 = arith.addf %add3A_960, %mul3A_958 : vector<16x256xf32>
      %slice3A_962 = vector.extract_strided_slice %slice3A_932 {offsets = [0, 512], sizes = [16, 256], strides = [1, 1]} : vector<16x768xf32> to vector<16x256xf32>
      %slice3A_963 = vector.extract_strided_slice %dot_general3A_935 {offsets = [0, 512], sizes = [16, 256], strides = [1, 1]} : vector<16x768xf32> to vector<16x256xf32>
      %mul3A_964 = arith.mulf %add3A_948, %slice3A_963 : vector<16x256xf32>
      %add3A_965 = arith.addf %slice3A_962, %mul3A_964 : vector<16x256xf32>
      %tanh3A_966 = math.tanh %add3A_965 : vector<16x256xf32>
      %ge3A_967 = arith.constant 9.000000e+00 : f32
      %ge3A_968 = vector.broadcast %ge3A_967 : f32 to vector<16x1xf32>
      %ge3A_969 = arith.cmpf oge, %dot_general3A_534, %ge3A_968 : vector<16x1xf32>
      %sub3A_970 = arith.subf %select_n3A_931, %tanh3A_966 : vector<16x256xf32>
      %mul3A_971 = arith.mulf %add3A_961, %sub3A_970 : vector<16x256xf32>
      %add3A_972 = arith.addf %tanh3A_966, %mul3A_971 : vector<16x256xf32>
      %broadcast_in_dim3A_973 = vector.shape_cast %ge3A_969 : vector<16x1xi1> to vector<16x1xi1>
      %broadcast_in_dim3A_974 = vector.broadcast %broadcast_in_dim3A_973 : vector<16x1xi1> to vector<16x256xi1>
      %select_n3A_975 = arith.select %broadcast_in_dim3A_974, %add3A_972, %select_n3A_931 : vector<16x256xi1>, vector<16x256xf32>
      %slice3A_976 = vector.extract_strided_slice %add3A_516 {offsets = [160, 0], sizes = [16, 768], strides = [1, 1]} : vector<256x768xf32> to vector<16x768xf32>
      %convert_element_type3A_977 = arith.truncf %select_n3A_975 : vector<16x256xf32> to vector<16x256xbf16>
      %dot_general3A_978 = arith.constant dense<0.000000e+00> : vector<16x768xf32>
      %dot_general3A_979 = tpu.matmul %convert_element_type3A_977, %convert_element_type3A_520, %dot_general3A_978 {dimension_numbers = #tpu.dot_dimension_numbers<[1], [0], [0], [1], [0, 0, 1, 1], [], []>, transpose_lhs_hint = false} : vector<16x256xbf16>, vector<256x768xbf16>, vector<16x768xf32> -> vector<16x768xf32>
      %slice3A_980 = vector.extract_strided_slice %slice3A_976 {offsets = [0, 0], sizes = [16, 256], strides = [1, 1]} : vector<16x768xf32> to vector<16x256xf32>
      %slice3A_981 = vector.extract_strided_slice %dot_general3A_979 {offsets = [0, 0], sizes = [16, 256], strides = [1, 1]} : vector<16x768xf32> to vector<16x256xf32>
      %add3A_982 = arith.addf %slice3A_980, %slice3A_981 : vector<16x256xf32>
      %mul3A_983 = arith.constant 5.000000e-01 : f32
      %mul3A_984 = vector.broadcast %mul3A_983 : f32 to vector<16x256xf32>
      %mul3A_985 = arith.mulf %mul3A_984, %add3A_982 : vector<16x256xf32>
      %tanh3A_986 = math.tanh %mul3A_985 : vector<16x256xf32>
      %mul3A_987 = arith.constant 5.000000e-01 : f32
      %mul3A_988 = vector.broadcast %mul3A_987 : f32 to vector<16x256xf32>
      %mul3A_989 = arith.mulf %mul3A_988, %tanh3A_986 : vector<16x256xf32>
      %add3A_990 = arith.constant 5.000000e-01 : f32
      %add3A_991 = vector.broadcast %add3A_990 : f32 to vector<16x256xf32>
      %add3A_992 = arith.addf %add3A_991, %mul3A_989 : vector<16x256xf32>
      %slice3A_993 = vector.extract_strided_slice %slice3A_976 {offsets = [0, 256], sizes = [16, 256], strides = [1, 1]} : vector<16x768xf32> to vector<16x256xf32>
      %slice3A_994 = vector.extract_strided_slice %dot_general3A_979 {offsets = [0, 256], sizes = [16, 256], strides = [1, 1]} : vector<16x768xf32> to vector<16x256xf32>
      %add3A_995 = arith.addf %slice3A_993, %slice3A_994 : vector<16x256xf32>
      %mul3A_996 = arith.constant 5.000000e-01 : f32
      %mul3A_997 = vector.broadcast %mul3A_996 : f32 to vector<16x256xf32>
      %mul3A_998 = arith.mulf %mul3A_997, %add3A_995 : vector<16x256xf32>
      %tanh3A_999 = math.tanh %mul3A_998 : vector<16x256xf32>
      %mul3A_1000 = arith.constant 5.000000e-01 : f32
      %mul3A_1001 = vector.broadcast %mul3A_1000 : f32 to vector<16x256xf32>
      %mul3A_1002 = arith.mulf %mul3A_1001, %tanh3A_999 : vector<16x256xf32>
      %add3A_1003 = arith.constant 5.000000e-01 : f32
      %add3A_1004 = vector.broadcast %add3A_1003 : f32 to vector<16x256xf32>
      %add3A_1005 = arith.addf %add3A_1004, %mul3A_1002 : vector<16x256xf32>
      %slice3A_1006 = vector.extract_strided_slice %slice3A_976 {offsets = [0, 512], sizes = [16, 256], strides = [1, 1]} : vector<16x768xf32> to vector<16x256xf32>
      %slice3A_1007 = vector.extract_strided_slice %dot_general3A_979 {offsets = [0, 512], sizes = [16, 256], strides = [1, 1]} : vector<16x768xf32> to vector<16x256xf32>
      %mul3A_1008 = arith.mulf %add3A_992, %slice3A_1007 : vector<16x256xf32>
      %add3A_1009 = arith.addf %slice3A_1006, %mul3A_1008 : vector<16x256xf32>
      %tanh3A_1010 = math.tanh %add3A_1009 : vector<16x256xf32>
      %ge3A_1011 = arith.constant 1.000000e+01 : f32
      %ge3A_1012 = vector.broadcast %ge3A_1011 : f32 to vector<16x1xf32>
      %ge3A_1013 = arith.cmpf oge, %dot_general3A_534, %ge3A_1012 : vector<16x1xf32>
      %sub3A_1014 = arith.subf %select_n3A_975, %tanh3A_1010 : vector<16x256xf32>
      %mul3A_1015 = arith.mulf %add3A_1005, %sub3A_1014 : vector<16x256xf32>
      %add3A_1016 = arith.addf %tanh3A_1010, %mul3A_1015 : vector<16x256xf32>
      %broadcast_in_dim3A_1017 = vector.shape_cast %ge3A_1013 : vector<16x1xi1> to vector<16x1xi1>
      %broadcast_in_dim3A_1018 = vector.broadcast %broadcast_in_dim3A_1017 : vector<16x1xi1> to vector<16x256xi1>
      %select_n3A_1019 = arith.select %broadcast_in_dim3A_1018, %add3A_1016, %select_n3A_975 : vector<16x256xi1>, vector<16x256xf32>
      %slice3A_1020 = vector.extract_strided_slice %add3A_516 {offsets = [176, 0], sizes = [16, 768], strides = [1, 1]} : vector<256x768xf32> to vector<16x768xf32>
      %convert_element_type3A_1021 = arith.truncf %select_n3A_1019 : vector<16x256xf32> to vector<16x256xbf16>
      %dot_general3A_1022 = arith.constant dense<0.000000e+00> : vector<16x768xf32>
      %dot_general3A_1023 = tpu.matmul %convert_element_type3A_1021, %convert_element_type3A_520, %dot_general3A_1022 {dimension_numbers = #tpu.dot_dimension_numbers<[1], [0], [0], [1], [0, 0, 1, 1], [], []>, transpose_lhs_hint = false} : vector<16x256xbf16>, vector<256x768xbf16>, vector<16x768xf32> -> vector<16x768xf32>
      %slice3A_1024 = vector.extract_strided_slice %slice3A_1020 {offsets = [0, 0], sizes = [16, 256], strides = [1, 1]} : vector<16x768xf32> to vector<16x256xf32>
      %slice3A_1025 = vector.extract_strided_slice %dot_general3A_1023 {offsets = [0, 0], sizes = [16, 256], strides = [1, 1]} : vector<16x768xf32> to vector<16x256xf32>
      %add3A_1026 = arith.addf %slice3A_1024, %slice3A_1025 : vector<16x256xf32>
      %mul3A_1027 = arith.constant 5.000000e-01 : f32
      %mul3A_1028 = vector.broadcast %mul3A_1027 : f32 to vector<16x256xf32>
      %mul3A_1029 = arith.mulf %mul3A_1028, %add3A_1026 : vector<16x256xf32>
      %tanh3A_1030 = math.tanh %mul3A_1029 : vector<16x256xf32>
      %mul3A_1031 = arith.constant 5.000000e-01 : f32
      %mul3A_1032 = vector.broadcast %mul3A_1031 : f32 to vector<16x256xf32>
      %mul3A_1033 = arith.mulf %mul3A_1032, %tanh3A_1030 : vector<16x256xf32>
      %add3A_1034 = arith.constant 5.000000e-01 : f32
      %add3A_1035 = vector.broadcast %add3A_1034 : f32 to vector<16x256xf32>
      %add3A_1036 = arith.addf %add3A_1035, %mul3A_1033 : vector<16x256xf32>
      %slice3A_1037 = vector.extract_strided_slice %slice3A_1020 {offsets = [0, 256], sizes = [16, 256], strides = [1, 1]} : vector<16x768xf32> to vector<16x256xf32>
      %slice3A_1038 = vector.extract_strided_slice %dot_general3A_1023 {offsets = [0, 256], sizes = [16, 256], strides = [1, 1]} : vector<16x768xf32> to vector<16x256xf32>
      %add3A_1039 = arith.addf %slice3A_1037, %slice3A_1038 : vector<16x256xf32>
      %mul3A_1040 = arith.constant 5.000000e-01 : f32
      %mul3A_1041 = vector.broadcast %mul3A_1040 : f32 to vector<16x256xf32>
      %mul3A_1042 = arith.mulf %mul3A_1041, %add3A_1039 : vector<16x256xf32>
      %tanh3A_1043 = math.tanh %mul3A_1042 : vector<16x256xf32>
      %mul3A_1044 = arith.constant 5.000000e-01 : f32
      %mul3A_1045 = vector.broadcast %mul3A_1044 : f32 to vector<16x256xf32>
      %mul3A_1046 = arith.mulf %mul3A_1045, %tanh3A_1043 : vector<16x256xf32>
      %add3A_1047 = arith.constant 5.000000e-01 : f32
      %add3A_1048 = vector.broadcast %add3A_1047 : f32 to vector<16x256xf32>
      %add3A_1049 = arith.addf %add3A_1048, %mul3A_1046 : vector<16x256xf32>
      %slice3A_1050 = vector.extract_strided_slice %slice3A_1020 {offsets = [0, 512], sizes = [16, 256], strides = [1, 1]} : vector<16x768xf32> to vector<16x256xf32>
      %slice3A_1051 = vector.extract_strided_slice %dot_general3A_1023 {offsets = [0, 512], sizes = [16, 256], strides = [1, 1]} : vector<16x768xf32> to vector<16x256xf32>
      %mul3A_1052 = arith.mulf %add3A_1036, %slice3A_1051 : vector<16x256xf32>
      %add3A_1053 = arith.addf %slice3A_1050, %mul3A_1052 : vector<16x256xf32>
      %tanh3A_1054 = math.tanh %add3A_1053 : vector<16x256xf32>
      %ge3A_1055 = arith.constant 1.100000e+01 : f32
      %ge3A_1056 = vector.broadcast %ge3A_1055 : f32 to vector<16x1xf32>
      %ge3A_1057 = arith.cmpf oge, %dot_general3A_534, %ge3A_1056 : vector<16x1xf32>
      %sub3A_1058 = arith.subf %select_n3A_1019, %tanh3A_1054 : vector<16x256xf32>
      %mul3A_1059 = arith.mulf %add3A_1049, %sub3A_1058 : vector<16x256xf32>
      %add3A_1060 = arith.addf %tanh3A_1054, %mul3A_1059 : vector<16x256xf32>
      %broadcast_in_dim3A_1061 = vector.shape_cast %ge3A_1057 : vector<16x1xi1> to vector<16x1xi1>
      %broadcast_in_dim3A_1062 = vector.broadcast %broadcast_in_dim3A_1061 : vector<16x1xi1> to vector<16x256xi1>
      %select_n3A_1063 = arith.select %broadcast_in_dim3A_1062, %add3A_1060, %select_n3A_1019 : vector<16x256xi1>, vector<16x256xf32>
      %slice3A_1064 = vector.extract_strided_slice %add3A_516 {offsets = [192, 0], sizes = [16, 768], strides = [1, 1]} : vector<256x768xf32> to vector<16x768xf32>
      %convert_element_type3A_1065 = arith.truncf %select_n3A_1063 : vector<16x256xf32> to vector<16x256xbf16>
      %dot_general3A_1066 = arith.constant dense<0.000000e+00> : vector<16x768xf32>
      %dot_general3A_1067 = tpu.matmul %convert_element_type3A_1065, %convert_element_type3A_520, %dot_general3A_1066 {dimension_numbers = #tpu.dot_dimension_numbers<[1], [0], [0], [1], [0, 0, 1, 1], [], []>, transpose_lhs_hint = false} : vector<16x256xbf16>, vector<256x768xbf16>, vector<16x768xf32> -> vector<16x768xf32>
      %slice3A_1068 = vector.extract_strided_slice %slice3A_1064 {offsets = [0, 0], sizes = [16, 256], strides = [1, 1]} : vector<16x768xf32> to vector<16x256xf32>
      %slice3A_1069 = vector.extract_strided_slice %dot_general3A_1067 {offsets = [0, 0], sizes = [16, 256], strides = [1, 1]} : vector<16x768xf32> to vector<16x256xf32>
      %add3A_1070 = arith.addf %slice3A_1068, %slice3A_1069 : vector<16x256xf32>
      %mul3A_1071 = arith.constant 5.000000e-01 : f32
      %mul3A_1072 = vector.broadcast %mul3A_1071 : f32 to vector<16x256xf32>
      %mul3A_1073 = arith.mulf %mul3A_1072, %add3A_1070 : vector<16x256xf32>
      %tanh3A_1074 = math.tanh %mul3A_1073 : vector<16x256xf32>
      %mul3A_1075 = arith.constant 5.000000e-01 : f32
      %mul3A_1076 = vector.broadcast %mul3A_1075 : f32 to vector<16x256xf32>
      %mul3A_1077 = arith.mulf %mul3A_1076, %tanh3A_1074 : vector<16x256xf32>
      %add3A_1078 = arith.constant 5.000000e-01 : f32
      %add3A_1079 = vector.broadcast %add3A_1078 : f32 to vector<16x256xf32>
      %add3A_1080 = arith.addf %add3A_1079, %mul3A_1077 : vector<16x256xf32>
      %slice3A_1081 = vector.extract_strided_slice %slice3A_1064 {offsets = [0, 256], sizes = [16, 256], strides = [1, 1]} : vector<16x768xf32> to vector<16x256xf32>
      %slice3A_1082 = vector.extract_strided_slice %dot_general3A_1067 {offsets = [0, 256], sizes = [16, 256], strides = [1, 1]} : vector<16x768xf32> to vector<16x256xf32>
      %add3A_1083 = arith.addf %slice3A_1081, %slice3A_1082 : vector<16x256xf32>
      %mul3A_1084 = arith.constant 5.000000e-01 : f32
      %mul3A_1085 = vector.broadcast %mul3A_1084 : f32 to vector<16x256xf32>
      %mul3A_1086 = arith.mulf %mul3A_1085, %add3A_1083 : vector<16x256xf32>
      %tanh3A_1087 = math.tanh %mul3A_1086 : vector<16x256xf32>
      %mul3A_1088 = arith.constant 5.000000e-01 : f32
      %mul3A_1089 = vector.broadcast %mul3A_1088 : f32 to vector<16x256xf32>
      %mul3A_1090 = arith.mulf %mul3A_1089, %tanh3A_1087 : vector<16x256xf32>
      %add3A_1091 = arith.constant 5.000000e-01 : f32
      %add3A_1092 = vector.broadcast %add3A_1091 : f32 to vector<16x256xf32>
      %add3A_1093 = arith.addf %add3A_1092, %mul3A_1090 : vector<16x256xf32>
      %slice3A_1094 = vector.extract_strided_slice %slice3A_1064 {offsets = [0, 512], sizes = [16, 256], strides = [1, 1]} : vector<16x768xf32> to vector<16x256xf32>
      %slice3A_1095 = vector.extract_strided_slice %dot_general3A_1067 {offsets = [0, 512], sizes = [16, 256], strides = [1, 1]} : vector<16x768xf32> to vector<16x256xf32>
      %mul3A_1096 = arith.mulf %add3A_1080, %slice3A_1095 : vector<16x256xf32>
      %add3A_1097 = arith.addf %slice3A_1094, %mul3A_1096 : vector<16x256xf32>
      %tanh3A_1098 = math.tanh %add3A_1097 : vector<16x256xf32>
      %ge3A_1099 = arith.constant 1.200000e+01 : f32
      %ge3A_1100 = vector.broadcast %ge3A_1099 : f32 to vector<16x1xf32>
      %ge3A_1101 = arith.cmpf oge, %dot_general3A_534, %ge3A_1100 : vector<16x1xf32>
      %sub3A_1102 = arith.subf %select_n3A_1063, %tanh3A_1098 : vector<16x256xf32>
      %mul3A_1103 = arith.mulf %add3A_1093, %sub3A_1102 : vector<16x256xf32>
      %add3A_1104 = arith.addf %tanh3A_1098, %mul3A_1103 : vector<16x256xf32>
      %broadcast_in_dim3A_1105 = vector.shape_cast %ge3A_1101 : vector<16x1xi1> to vector<16x1xi1>
      %broadcast_in_dim3A_1106 = vector.broadcast %broadcast_in_dim3A_1105 : vector<16x1xi1> to vector<16x256xi1>
      %select_n3A_1107 = arith.select %broadcast_in_dim3A_1106, %add3A_1104, %select_n3A_1063 : vector<16x256xi1>, vector<16x256xf32>
      %slice3A_1108 = vector.extract_strided_slice %add3A_516 {offsets = [208, 0], sizes = [16, 768], strides = [1, 1]} : vector<256x768xf32> to vector<16x768xf32>
      %convert_element_type3A_1109 = arith.truncf %select_n3A_1107 : vector<16x256xf32> to vector<16x256xbf16>
      %dot_general3A_1110 = arith.constant dense<0.000000e+00> : vector<16x768xf32>
      %dot_general3A_1111 = tpu.matmul %convert_element_type3A_1109, %convert_element_type3A_520, %dot_general3A_1110 {dimension_numbers = #tpu.dot_dimension_numbers<[1], [0], [0], [1], [0, 0, 1, 1], [], []>, transpose_lhs_hint = false} : vector<16x256xbf16>, vector<256x768xbf16>, vector<16x768xf32> -> vector<16x768xf32>
      %slice3A_1112 = vector.extract_strided_slice %slice3A_1108 {offsets = [0, 0], sizes = [16, 256], strides = [1, 1]} : vector<16x768xf32> to vector<16x256xf32>
      %slice3A_1113 = vector.extract_strided_slice %dot_general3A_1111 {offsets = [0, 0], sizes = [16, 256], strides = [1, 1]} : vector<16x768xf32> to vector<16x256xf32>
      %add3A_1114 = arith.addf %slice3A_1112, %slice3A_1113 : vector<16x256xf32>
      %mul3A_1115 = arith.constant 5.000000e-01 : f32
      %mul3A_1116 = vector.broadcast %mul3A_1115 : f32 to vector<16x256xf32>
      %mul3A_1117 = arith.mulf %mul3A_1116, %add3A_1114 : vector<16x256xf32>
      %tanh3A_1118 = math.tanh %mul3A_1117 : vector<16x256xf32>
      %mul3A_1119 = arith.constant 5.000000e-01 : f32
      %mul3A_1120 = vector.broadcast %mul3A_1119 : f32 to vector<16x256xf32>
      %mul3A_1121 = arith.mulf %mul3A_1120, %tanh3A_1118 : vector<16x256xf32>
      %add3A_1122 = arith.constant 5.000000e-01 : f32
      %add3A_1123 = vector.broadcast %add3A_1122 : f32 to vector<16x256xf32>
      %add3A_1124 = arith.addf %add3A_1123, %mul3A_1121 : vector<16x256xf32>
      %slice3A_1125 = vector.extract_strided_slice %slice3A_1108 {offsets = [0, 256], sizes = [16, 256], strides = [1, 1]} : vector<16x768xf32> to vector<16x256xf32>
      %slice3A_1126 = vector.extract_strided_slice %dot_general3A_1111 {offsets = [0, 256], sizes = [16, 256], strides = [1, 1]} : vector<16x768xf32> to vector<16x256xf32>
      %add3A_1127 = arith.addf %slice3A_1125, %slice3A_1126 : vector<16x256xf32>
      %mul3A_1128 = arith.constant 5.000000e-01 : f32
      %mul3A_1129 = vector.broadcast %mul3A_1128 : f32 to vector<16x256xf32>
      %mul3A_1130 = arith.mulf %mul3A_1129, %add3A_1127 : vector<16x256xf32>
      %tanh3A_1131 = math.tanh %mul3A_1130 : vector<16x256xf32>
      %mul3A_1132 = arith.constant 5.000000e-01 : f32
      %mul3A_1133 = vector.broadcast %mul3A_1132 : f32 to vector<16x256xf32>
      %mul3A_1134 = arith.mulf %mul3A_1133, %tanh3A_1131 : vector<16x256xf32>
      %add3A_1135 = arith.constant 5.000000e-01 : f32
      %add3A_1136 = vector.broadcast %add3A_1135 : f32 to vector<16x256xf32>
      %add3A_1137 = arith.addf %add3A_1136, %mul3A_1134 : vector<16x256xf32>
      %slice3A_1138 = vector.extract_strided_slice %slice3A_1108 {offsets = [0, 512], sizes = [16, 256], strides = [1, 1]} : vector<16x768xf32> to vector<16x256xf32>
      %slice3A_1139 = vector.extract_strided_slice %dot_general3A_1111 {offsets = [0, 512], sizes = [16, 256], strides = [1, 1]} : vector<16x768xf32> to vector<16x256xf32>
      %mul3A_1140 = arith.mulf %add3A_1124, %slice3A_1139 : vector<16x256xf32>
      %add3A_1141 = arith.addf %slice3A_1138, %mul3A_1140 : vector<16x256xf32>
      %tanh3A_1142 = math.tanh %add3A_1141 : vector<16x256xf32>
      %ge3A_1143 = arith.constant 1.300000e+01 : f32
      %ge3A_1144 = vector.broadcast %ge3A_1143 : f32 to vector<16x1xf32>
      %ge3A_1145 = arith.cmpf oge, %dot_general3A_534, %ge3A_1144 : vector<16x1xf32>
      %sub3A_1146 = arith.subf %select_n3A_1107, %tanh3A_1142 : vector<16x256xf32>
      %mul3A_1147 = arith.mulf %add3A_1137, %sub3A_1146 : vector<16x256xf32>
      %add3A_1148 = arith.addf %tanh3A_1142, %mul3A_1147 : vector<16x256xf32>
      %broadcast_in_dim3A_1149 = vector.shape_cast %ge3A_1145 : vector<16x1xi1> to vector<16x1xi1>
      %broadcast_in_dim3A_1150 = vector.broadcast %broadcast_in_dim3A_1149 : vector<16x1xi1> to vector<16x256xi1>
      %select_n3A_1151 = arith.select %broadcast_in_dim3A_1150, %add3A_1148, %select_n3A_1107 : vector<16x256xi1>, vector<16x256xf32>
      %slice3A_1152 = vector.extract_strided_slice %add3A_516 {offsets = [224, 0], sizes = [16, 768], strides = [1, 1]} : vector<256x768xf32> to vector<16x768xf32>
      %convert_element_type3A_1153 = arith.truncf %select_n3A_1151 : vector<16x256xf32> to vector<16x256xbf16>
      %dot_general3A_1154 = arith.constant dense<0.000000e+00> : vector<16x768xf32>
      %dot_general3A_1155 = tpu.matmul %convert_element_type3A_1153, %convert_element_type3A_520, %dot_general3A_1154 {dimension_numbers = #tpu.dot_dimension_numbers<[1], [0], [0], [1], [0, 0, 1, 1], [], []>, transpose_lhs_hint = false} : vector<16x256xbf16>, vector<256x768xbf16>, vector<16x768xf32> -> vector<16x768xf32>
      %slice3A_1156 = vector.extract_strided_slice %slice3A_1152 {offsets = [0, 0], sizes = [16, 256], strides = [1, 1]} : vector<16x768xf32> to vector<16x256xf32>
      %slice3A_1157 = vector.extract_strided_slice %dot_general3A_1155 {offsets = [0, 0], sizes = [16, 256], strides = [1, 1]} : vector<16x768xf32> to vector<16x256xf32>
      %add3A_1158 = arith.addf %slice3A_1156, %slice3A_1157 : vector<16x256xf32>
      %mul3A_1159 = arith.constant 5.000000e-01 : f32
      %mul3A_1160 = vector.broadcast %mul3A_1159 : f32 to vector<16x256xf32>
      %mul3A_1161 = arith.mulf %mul3A_1160, %add3A_1158 : vector<16x256xf32>
      %tanh3A_1162 = math.tanh %mul3A_1161 : vector<16x256xf32>
      %mul3A_1163 = arith.constant 5.000000e-01 : f32
      %mul3A_1164 = vector.broadcast %mul3A_1163 : f32 to vector<16x256xf32>
      %mul3A_1165 = arith.mulf %mul3A_1164, %tanh3A_1162 : vector<16x256xf32>
      %add3A_1166 = arith.constant 5.000000e-01 : f32
      %add3A_1167 = vector.broadcast %add3A_1166 : f32 to vector<16x256xf32>
      %add3A_1168 = arith.addf %add3A_1167, %mul3A_1165 : vector<16x256xf32>
      %slice3A_1169 = vector.extract_strided_slice %slice3A_1152 {offsets = [0, 256], sizes = [16, 256], strides = [1, 1]} : vector<16x768xf32> to vector<16x256xf32>
      %slice3A_1170 = vector.extract_strided_slice %dot_general3A_1155 {offsets = [0, 256], sizes = [16, 256], strides = [1, 1]} : vector<16x768xf32> to vector<16x256xf32>
      %add3A_1171 = arith.addf %slice3A_1169, %slice3A_1170 : vector<16x256xf32>
      %mul3A_1172 = arith.constant 5.000000e-01 : f32
      %mul3A_1173 = vector.broadcast %mul3A_1172 : f32 to vector<16x256xf32>
      %mul3A_1174 = arith.mulf %mul3A_1173, %add3A_1171 : vector<16x256xf32>
      %tanh3A_1175 = math.tanh %mul3A_1174 : vector<16x256xf32>
      %mul3A_1176 = arith.constant 5.000000e-01 : f32
      %mul3A_1177 = vector.broadcast %mul3A_1176 : f32 to vector<16x256xf32>
      %mul3A_1178 = arith.mulf %mul3A_1177, %tanh3A_1175 : vector<16x256xf32>
      %add3A_1179 = arith.constant 5.000000e-01 : f32
      %add3A_1180 = vector.broadcast %add3A_1179 : f32 to vector<16x256xf32>
      %add3A_1181 = arith.addf %add3A_1180, %mul3A_1178 : vector<16x256xf32>
      %slice3A_1182 = vector.extract_strided_slice %slice3A_1152 {offsets = [0, 512], sizes = [16, 256], strides = [1, 1]} : vector<16x768xf32> to vector<16x256xf32>
      %slice3A_1183 = vector.extract_strided_slice %dot_general3A_1155 {offsets = [0, 512], sizes = [16, 256], strides = [1, 1]} : vector<16x768xf32> to vector<16x256xf32>
      %mul3A_1184 = arith.mulf %add3A_1168, %slice3A_1183 : vector<16x256xf32>
      %add3A_1185 = arith.addf %slice3A_1182, %mul3A_1184 : vector<16x256xf32>
      %tanh3A_1186 = math.tanh %add3A_1185 : vector<16x256xf32>
      %ge3A_1187 = arith.constant 1.400000e+01 : f32
      %ge3A_1188 = vector.broadcast %ge3A_1187 : f32 to vector<16x1xf32>
      %ge3A_1189 = arith.cmpf oge, %dot_general3A_534, %ge3A_1188 : vector<16x1xf32>
      %sub3A_1190 = arith.subf %select_n3A_1151, %tanh3A_1186 : vector<16x256xf32>
      %mul3A_1191 = arith.mulf %add3A_1181, %sub3A_1190 : vector<16x256xf32>
      %add3A_1192 = arith.addf %tanh3A_1186, %mul3A_1191 : vector<16x256xf32>
      %broadcast_in_dim3A_1193 = vector.shape_cast %ge3A_1189 : vector<16x1xi1> to vector<16x1xi1>
      %broadcast_in_dim3A_1194 = vector.broadcast %broadcast_in_dim3A_1193 : vector<16x1xi1> to vector<16x256xi1>
      %select_n3A_1195 = arith.select %broadcast_in_dim3A_1194, %add3A_1192, %select_n3A_1151 : vector<16x256xi1>, vector<16x256xf32>
      %slice3A_1196 = vector.extract_strided_slice %add3A_516 {offsets = [240, 0], sizes = [16, 768], strides = [1, 1]} : vector<256x768xf32> to vector<16x768xf32>
      %convert_element_type3A_1197 = arith.truncf %select_n3A_1195 : vector<16x256xf32> to vector<16x256xbf16>
      %dot_general3A_1198 = arith.constant dense<0.000000e+00> : vector<16x768xf32>
      %dot_general3A_1199 = tpu.matmul %convert_element_type3A_1197, %convert_element_type3A_520, %dot_general3A_1198 {dimension_numbers = #tpu.dot_dimension_numbers<[1], [0], [0], [1], [0, 0, 1, 1], [], []>, transpose_lhs_hint = false} : vector<16x256xbf16>, vector<256x768xbf16>, vector<16x768xf32> -> vector<16x768xf32>
      %slice3A_1200 = vector.extract_strided_slice %slice3A_1196 {offsets = [0, 0], sizes = [16, 256], strides = [1, 1]} : vector<16x768xf32> to vector<16x256xf32>
      %slice3A_1201 = vector.extract_strided_slice %dot_general3A_1199 {offsets = [0, 0], sizes = [16, 256], strides = [1, 1]} : vector<16x768xf32> to vector<16x256xf32>
      %add3A_1202 = arith.addf %slice3A_1200, %slice3A_1201 : vector<16x256xf32>
      %mul3A_1203 = arith.constant 5.000000e-01 : f32
      %mul3A_1204 = vector.broadcast %mul3A_1203 : f32 to vector<16x256xf32>
      %mul3A_1205 = arith.mulf %mul3A_1204, %add3A_1202 : vector<16x256xf32>
      %tanh3A_1206 = math.tanh %mul3A_1205 : vector<16x256xf32>
      %mul3A_1207 = arith.constant 5.000000e-01 : f32
      %mul3A_1208 = vector.broadcast %mul3A_1207 : f32 to vector<16x256xf32>
      %mul3A_1209 = arith.mulf %mul3A_1208, %tanh3A_1206 : vector<16x256xf32>
      %add3A_1210 = arith.constant 5.000000e-01 : f32
      %add3A_1211 = vector.broadcast %add3A_1210 : f32 to vector<16x256xf32>
      %add3A_1212 = arith.addf %add3A_1211, %mul3A_1209 : vector<16x256xf32>
      %slice3A_1213 = vector.extract_strided_slice %slice3A_1196 {offsets = [0, 256], sizes = [16, 256], strides = [1, 1]} : vector<16x768xf32> to vector<16x256xf32>
      %slice3A_1214 = vector.extract_strided_slice %dot_general3A_1199 {offsets = [0, 256], sizes = [16, 256], strides = [1, 1]} : vector<16x768xf32> to vector<16x256xf32>
      %add3A_1215 = arith.addf %slice3A_1213, %slice3A_1214 : vector<16x256xf32>
      %mul3A_1216 = arith.constant 5.000000e-01 : f32
      %mul3A_1217 = vector.broadcast %mul3A_1216 : f32 to vector<16x256xf32>
      %mul3A_1218 = arith.mulf %mul3A_1217, %add3A_1215 : vector<16x256xf32>
      %tanh3A_1219 = math.tanh %mul3A_1218 : vector<16x256xf32>
      %mul3A_1220 = arith.constant 5.000000e-01 : f32
      %mul3A_1221 = vector.broadcast %mul3A_1220 : f32 to vector<16x256xf32>
      %mul3A_1222 = arith.mulf %mul3A_1221, %tanh3A_1219 : vector<16x256xf32>
      %add3A_1223 = arith.constant 5.000000e-01 : f32
      %add3A_1224 = vector.broadcast %add3A_1223 : f32 to vector<16x256xf32>
      %add3A_1225 = arith.addf %add3A_1224, %mul3A_1222 : vector<16x256xf32>
      %slice3A_1226 = vector.extract_strided_slice %slice3A_1196 {offsets = [0, 512], sizes = [16, 256], strides = [1, 1]} : vector<16x768xf32> to vector<16x256xf32>
      %slice3A_1227 = vector.extract_strided_slice %dot_general3A_1199 {offsets = [0, 512], sizes = [16, 256], strides = [1, 1]} : vector<16x768xf32> to vector<16x256xf32>
      %mul3A_1228 = arith.mulf %add3A_1212, %slice3A_1227 : vector<16x256xf32>
      %add3A_1229 = arith.addf %slice3A_1226, %mul3A_1228 : vector<16x256xf32>
      %tanh3A_1230 = math.tanh %add3A_1229 : vector<16x256xf32>
      %ge3A_1231 = arith.constant 1.500000e+01 : f32
      %ge3A_1232 = vector.broadcast %ge3A_1231 : f32 to vector<16x1xf32>
      %ge3A_1233 = arith.cmpf oge, %dot_general3A_534, %ge3A_1232 : vector<16x1xf32>
      %sub3A_1234 = arith.subf %select_n3A_1195, %tanh3A_1230 : vector<16x256xf32>
      %mul3A_1235 = arith.mulf %add3A_1225, %sub3A_1234 : vector<16x256xf32>
      %add3A_1236 = arith.addf %tanh3A_1230, %mul3A_1235 : vector<16x256xf32>
      %broadcast_in_dim3A_1237 = vector.shape_cast %ge3A_1233 : vector<16x1xi1> to vector<16x1xi1>
      %broadcast_in_dim3A_1238 = vector.broadcast %broadcast_in_dim3A_1237 : vector<16x1xi1> to vector<16x256xi1>
      %select_n3A_1239 = arith.select %broadcast_in_dim3A_1238, %add3A_1236, %select_n3A_1195 : vector<16x256xi1>, vector<16x256xf32>
      %swap3A_1240 = arith.constant 0 : index
      %swap3A_1241 = arith.constant 0 : index
      %swap3A_1242 = vector.load %arg11[%swap3A_1240, %swap3A_1241] : memref<16x256xf32, #tpu.memory_space<vmem>>, vector<16x256xf32>
      tpu.vector_store %arg11[%swap3A_1240, %swap3A_1241], %select_n3A_1239 {strides = array<i32>} : memref<16x256xf32, #tpu.memory_space<vmem>>, vector<16x256xf32>,
    } else {
    }
    return
  }
  func.func @transform_0(%arg0: i32) -> (i32, i32, i32) {
    %c0_i32 = arith.constant 0 : i32
    %c0_i32_0 = arith.constant 0 : i32
    %c0_i32_1 = arith.constant 0 : i32
    return %arg0, %c0_i32, %c0_i32_0 : i32, i32, i32
  }
  func.func @transform_1(%arg0: i32) -> (i32, i32) {
    %c0_i32 = arith.constant 0 : i32
    %c0_i32_0 = arith.constant 0 : i32
    %c0_i32_1 = arith.constant 0 : i32
    return %c0_i32, %c0_i32_0 : i32, i32
  }
  func.func @transform_2(%arg0: i32) -> i32 {
    %c0_i32 = arith.constant 0 : i32
    %c0_i32_0 = arith.constant 0 : i32
    return %c0_i32 : i32
  }
  func.func @transform_3(%arg0: i32) -> i32 {
    %c0_i32 = arith.constant 0 : i32
    %c0_i32_0 = arith.constant 0 : i32
    return %c0_i32 : i32
  }
  func.func @transform_4(%arg0: i32) -> (i32, i32) {
    %c0_i32 = arith.constant 0 : i32
    %c0_i32_0 = arith.constant 0 : i32
    %c0_i32_1 = arith.constant 0 : i32
    return %c0_i32, %c0_i32_0 : i32, i32
  }
  func.func @transform_5(%arg0: i32) -> (i32, i32) {
    %c0_i32 = arith.constant 0 : i32
    %c0_i32_0 = arith.constant 0 : i32
    %c0_i32_1 = arith.constant 0 : i32
    return %c0_i32, %c0_i32_0 : i32, i32
  }
  func.func @transform_6(%arg0: i32) -> i32 {
    %c0_i32 = arith.constant 0 : i32
    %c0_i32_0 = arith.constant 0 : i32
    return %c0_i32 : i32
  }
  func.func @transform_7(%arg0: i32) -> (i32, i32) {
    %c0_i32 = arith.constant 0 : i32
    %c0_i32_0 = arith.constant 0 : i32
    %c0_i32_1 = arith.constant 0 : i32
    return %c0_i32, %c0_i32_0 : i32, i32
  }
  func.func @transform_8(%arg0: i32) -> (i32, i32) {
    %c0_i32 = arith.constant 0 : i32
    %c0_i32_0 = arith.constant 0 : i32
    %c0_i32_1 = arith.constant 0 : i32
    return %c0_i32, %c0_i32_0 : i32, i32
  }
  func.func @transform_9(%arg0: i32) -> i32 {
    %c0_i32 = arith.constant 0 : i32
    %c0_i32_0 = arith.constant 0 : i32
    return %c0_i32 : i32
  }
  func.func @transform_10(%arg0: i32) -> (i32, i32) {
    %c0_i32 = arith.constant 0 : i32
    %c0_i32_0 = arith.constant 0 : i32
    %c0_i32_1 = arith.constant 0 : i32
    return %c0_i32, %c0_i32_0 : i32, i32
  }
}

</mosaic_0001>

<sc_bundles>
// kernel: kernel.4.cloned.1.call-start
scs
__scs_entry_jumppad:
0x0: {  	(pc) =	sbr.rel $0x88, $3  }
0x1: {  	(tag) =	ssettag $0x0;
	lr =	simm.s32 $0x1  }
0x2: {  	[smem:$0x3F95] =	sst lr;
	_ =	strace $0xD0000000  }
0x3: {  	_ = 	snop  }
0x4: {  	_ = 	snop  }
0x5: {  	_ = 	snop  }
0x6: {  	_ = 	snop  }
0x7: {  	_ = 	snop  }
__scs_overlays_trampoline_lowered:
0x8: {  	[smem:$0x3FA4] =	sst s0  }
0x9: {  	[smem:$0x3FA5] =	sst s1  }
0xa: {  	[smem:$0x3FA6] =	sst s2  }
0xb: {  	[smem:$0x3FA7] =	sst s3  }
0xc: {  	[smem:$0x3FA8] =	sst s4  }
0xd: {  	[smem:$0x3FA9] =	sst s5  }
0xe: {  	[smem:$0x3FAA] =	sst s6  }
0xf: {  	[smem:$0x3FAB] =	sst s7  }
0x10: {  	[smem:$0x3FAC] =	sst s8  }
0x11: {  	[smem:$0x3FAD] =	sst s9;
	s0 =	simm.s32 @!p0 $0x0  }
0x12: {  	s1 =	sld [smem:$0x3F93];
	s0 =	simm.s32 @p0 $0x1  }
0x13: {  	[smem:$0x3FAE] =	sst s0;
	s0 =	simm.s32 @!p1 $0x0  }
0x14: {  	s2 =	sld [smem:$0x3F92];
	s0 =	simm.s32 @p1 $0x1  }
0x15: {  	[smem:$0x3FAF] =	sst s0;
	s0 =	simm.s32 @!p2 $0x0  }
0x16: {  	s3 =	sld [smem:$0x3FDB];
	s0 =	simm.s32 @p2 $0x1  }
0x17: {  	s4 =	simm.s32 $0x1BF5;
	[smem:$0x3FB1] =	sst s0  }
0x18: {  	s0 =	sld [smem:$0x3F94];
	_ =	swait.ge [sflag:s4], $0x0  }
0x19: {  	s7 =	sld [smem:$0x3F95]  }
0x1a: {  	s8 =	sadd.s32 $0xFFFFE003, lr  }
0x1b: {  	s9 =	sadd.s32 $0xFFFFFEF7, lr;
	s5 =	simm.s32 $0xFFFFFFFF;
	p2 =	slt.u32 s8, $0xFFFFF086  }
0x1c: {  	p1 =	slt.u32 s9, $0xF7A;
	s5 =	simm.s32 @!p2 $0x0  }
0x1d: {  	s5 =	simm.s32 @p1 $0x1;
	p0 =	seq.s32 s7, s2  }
0x1e: {  	s7 =	smul.u32 @!p0 $0xF7A, s2;
	p2 =	seq.s32 @!p0 s5, $0x0  }
0x1f: {  	s9 =	smul.u32 $0xF7A, s1;
	s8 =	simm.s32 @!p0 $0x1BF5;
	p2 =	por !p2, p0  }
0x20: {  	[sflag:s8] =	ssyncset.s32 @!p0 $0xFFFFF086;
	s6 =	sadd.s32 @!p0 s3, s7;
	s7 =	simm.s32 @!p0 $0x108  }
0x21: {  	s3 =	sadd.s32 s3, s9;
	s6 =	sadd.s32 @!p0 $0x88, s6;
	s7 =	simm.s32 @p2 $0x1082  }
0x22: {  	[simem:s7], [sflag:s8] =	dma.local @!p0 [hbm:s6], $0xF7A  }
0x23: {  	s9 =	sor.u32 $0xD0000000, s2;
	s6 =	simm.s32 $0x108;
	_ =	swait.ge @!p0 [sflag:s8], $0x0  }
0x24: {  	s3 =	sadd.s32 $0x88, s3;
	s6 =	simm.s32 @!p1 $0x1082;
	[sflag:s4] =	ssyncset.s32 $0xFFFFF086  }
0x25: {  	[simem:s6], [sflag:s4] =	dma.local [hbm:s3], $0xF7A  }
0x26: {  	[smem:$0x3F95] =	sst s1;
	(tag) =	ssettag s2;
	_ =	strace s9  }
0x27: {  	s1 =	sld [smem:$0x3FA5]  }
0x28: {  	s2 =	sld [smem:$0x3FA6]  }
0x29: {  	s4 =	sld [smem:$0x3FA8]  }
0x2a: {  	p0 =	seq.s32 s5, $0x0;
	s5 =	sld [smem:$0x3FA9]  }
0x2b: {  	s6 =	sld [smem:$0x3FAA]  }
0x2c: {  	s7 =	sld [smem:$0x3FAB]  }
0x2d: {  	s3 =	simm.s32 $0x108;
	s8 =	sld [smem:$0x3FAC]  }
0x2e: {  	s3 =	simm.s32 @!p0 $0x1082;
	s9 =	sld [smem:$0x3FAD]  }
0x2f: {  	lr =	sadd.s32 s0, s3;
	s0 =	sld [smem:$0x3FA4]  }
0x30: {  	s3 =	sld [smem:$0x3FA7]  }
0x31: {  	[smem:$0x3FB0] =	sst s10  }
0x32: {  	s10 =	sld [smem:$0x3FAE];
	_ =	sdelay $0x3  }
0x33: {  	p0 =	seq.s32 s10, $0x1;
	s10 =	sld [smem:$0x3FB0];
	_ =	sdelay $0x3  }
0x34: {  	[smem:$0x3FB0] =	sst s10  }
0x35: {  	s10 =	sld [smem:$0x3FAF];
	_ =	sdelay $0x3  }
0x36: {  	p1 =	seq.s32 s10, $0x1;
	s10 =	sld [smem:$0x3FB0];
	_ =	sdelay $0x3  }
0x37: {  	[smem:$0x3FB0] =	sst s10  }
0x38: {  	s10 =	sld [smem:$0x3FB1]  }
0x39: {  	_ = 	snop;
	(pc) =	sbr.ind lr, $3  }
0x3a: {  	_ = 	snop  }
0x3b: {  	_ = 	snop  }
0x3c: {  	p2 =	seq.s32 s10, $0x1;
	s10 =	sld [smem:$0x3FB0]  }
0x3d: {  	_ =	shalt  }
0x3e: {  	_ =	shalt  }
0x3f: {  	_ =	shalt  }
0x40: {  	_ =	shalt  }
0x41: {  	_ =	shalt  }
0x42: {  	_ =	shalt  }
0x43: {  	_ =	shalt  }
0x44: {  	_ =	shalt  }
0x45: {  	_ =	shalt  }
0x46: {  	_ =	shalt  }
0x47: {  	_ =	shalt  }
0x48: {  	_ =	shalt  }
0x49: {  	_ =	shalt  }
0x4a: {  	_ =	shalt  }
0x4b: {  	_ =	shalt  }
0x4c: {  	_ =	shalt  }
0x4d: {  	_ =	shalt  }
0x4e: {  	_ =	shalt  }
0x4f: {  	_ =	shalt  }
0x50: {  	_ =	shalt  }
0x51: {  	_ =	shalt  }
0x52: {  	_ =	shalt  }
0x53: {  	_ =	shalt  }
0x54: {  	_ =	shalt  }
0x55: {  	_ =	shalt  }
0x56: {  	_ =	shalt  }
0x57: {  	_ =	shalt  }
0x58: {  	_ =	shalt  }
0x59: {  	_ =	shalt  }
0x5a: {  	_ =	shalt  }
0x5b: {  	_ =	shalt  }
0x5c: {  	_ =	shalt  }
0x5d: {  	_ =	shalt  }
0x5e: {  	_ =	shalt  }
0x5f: {  	_ =	shalt  }
0x60: {  	_ =	shalt  }
0x61: {  	_ =	shalt  }
0x62: {  	_ =	shalt  }
0x63: {  	_ =	shalt  }
0x64: {  	_ =	shalt  }
0x65: {  	_ =	shalt  }
0x66: {  	_ =	shalt  }
0x67: {  	_ =	shalt  }
0x68: {  	_ =	shalt  }
0x69: {  	_ =	shalt  }
0x6a: {  	_ =	shalt  }
0x6b: {  	_ =	shalt  }
0x6c: {  	_ =	shalt  }
0x6d: {  	_ =	shalt  }
0x6e: {  	_ =	shalt  }
0x6f: {  	_ =	shalt  }
0x70: {  	_ =	shalt  }
0x71: {  	_ =	shalt  }
0x72: {  	_ =	shalt  }
0x73: {  	_ =	shalt  }
0x74: {  	_ =	shalt  }
0x75: {  	_ =	shalt  }
0x76: {  	_ =	shalt  }
0x77: {  	_ =	shalt  }
0x78: {  	_ =	shalt  }
0x79: {  	_ =	shalt  }
0x7a: {  	_ =	shalt  }
0x7b: {  	_ =	shalt  }
0x7c: {  	_ =	shalt  }
0x7d: {  	_ =	shalt  }
0x7e: {  	_ =	shalt  }
0x7f: {  	_ =	shalt  }
0x80: {  	_ =	shalt  }
0x81: {  	_ =	shalt  }
0x82: {  	_ =	shalt  }
0x83: {  	_ =	shalt  }
0x84: {  	_ =	shalt  }
0x85: {  	_ =	shalt  }
0x86: {  	_ =	shalt  }
0x87: {  	_ =	shalt  }
.Lfunc_end0:
.L_simem_size_0:
called_computation_lowered:
.L_overlay_start_0:
0x88: {  	s2 =	sld [smem:$0x3FD9]  }
0x89: {  	s3 =	sld [smem:$0x3FFE];
	_ =	sdelay $0x1  }
0x8a: {  	s1 =	srdreg.scid  }
0x8b: {  	s0 =	sand.u32 $0x1, s1  }
0x8c: {  	s17 =	sshll.u32 s0, $0xA;
	s2 =	sadd.s32 s3, s2  }
0x8d: {  	s2 =	sadd.s32 s2, s17  }
0x8e: {  	[smem:$0x3FBC] =	sst s2  }
0x8f: {  	_ = 	snop  }
0x90: {  	s2 =	sld [smem:$0x3FC7]  }
0x91: {  	s18 =	sld [smem:$0x3FC4];
	(tm) =	ssettm $0x1  }
0x92: {  	s4 =	sld [smem:$0x3FFB];
	_ =	sdelay $0x3  }
0x93: {  	_ =	strace s4  }
0x94: {  	s4 =	sld [smem:$0x3FFC];
	_ =	sdelay $0x3  }
0x95: {  	_ =	strace s4  }
0x96: {  	s4 =	sld [smem:$0x3FFD];
	_ =	sdelay $0x3  }
0x97: {  	_ =	strace s4  }
0x98: {  	_ =	strace $0x8FFFFFFF  }
0x99: {  	s19 =	sld [smem:$0x3FDB];
	_ =	sdelay $0x1  }
0x9a: {  	s5 =	simm.s32 $_scs_section_size  }
0x9b: {  	s6 =	simm.s32 $_size__tile_overlayer_lowered;
	s7 =	simm.s32 $_tile_overlayer_lowered  }
0x9c: {  	s22 =	simm.s32 $0x1BFF;
	s21 =	sshll.u32 s7, $0x1;
	s4 =	sadd.s32 s5, s19  }
0x9d: {  	s8 =	simm.s32 $0x0;
	s20 =	sshll.u32 s6, $0x1;
	s6 =	sadd.s32 s21, s4  }
0x9e: {  	[timem:s8], [sflag:s22] =	dma.local [hbm:s6], s20  }
0x9f: {  	_ =	swait.ge [sflag:s22], s20  }
0xa0: {  	s5 =	ssub.s32 $0x0, s20;
	[sflag:s22] =	ssyncset.done $0x0  }
0xa1: {  	[sflag:s22] =	ssyncadd.s32 s5;
	_ =	sdelay $0x1  }
0xa2: {  	s23 =	simm.s32 $0x1B8B  }
0xa3: {  	_ =	swait.ge [sflag:s23], $0x1  }
0xa4: {  	[sflag:s23] =	ssyncset.done $0x0  }
0xa5: {  	s25 =	simm.s32 $0x1B8E;
	s24 =	sld [smem:$0x3FFE];
	[sflag:s23] =	ssyncadd.s32 $0xFFFFFFFF  }
0xa6: {  	s26 =	simm.s32 $execute0_lowered;
	[smem:$0x3FD2] =	sst s25  }
0xa7: {  	s6 =	sshll.u32 s26, $0x1;
	_ =	strace $0x80000046;
	[dreg:$0x1] =	wrdreg $0xFFFFFFFF  }
0xa8: {  	s28 =	simm.s32 $_size_execute0_lowered;
	s4 =	sadd.s32 s4, s6;
	[dreg:$0x0] =	wrdreg $0x0  }
0xa9: {  	s6 =	sshll.u32 s28, $0x1;
	[dreg:$0x2] =	wrdreg s4  }
0xaa: {  	[dreg:$0x3] =	wrdreg s6  }
0xab: {  	[dreg:$0x4] =	wrdreg $0xC0  }
0xac: {  	_ =	task [dreg:s8], $0x5FFFF  }
0xad: {  	[dreg:$0x1] =	wrdreg $0xFFFFFFFF  }
0xae: {  	[dreg:$0x0] =	wrdreg $0x60  }
0xaf: {  	[dreg:$0x2] =	wrdreg s24  }
0xb0: {  	[dreg:$0x3] =	wrdreg s2  }
0xb1: {  	[dreg:$0x4] =	wrdreg s18  }
0xb2: {  	[dreg:$0x5] =	wrdreg $0x9  }
0xb3: {  	_ =	task.clear_ibuf [dreg:s8], $0x6FFFF;
	_ =	strace $0x90000046  }
0xb4: {  	s29 =	simm.s32 $0x9;
	_ =	strace $0x80000048  }
0xb5: {  	_ =	swait.ge [sflag:s29], $0x1  }
0xb6: {  	[sflag:s29] =	ssyncadd.s32 $0xFFFFFFFF  }
0xb7: {  	_ =	strace $0x90000048  }
0xb8: {  	_ =	sfence  }
0xb9: {  	s30 =	sld [smem:$0x0];
	_ =	sdelay $0x2  }
0xba: {  	s31 =	sshll.u32 s1, $0xD;
	s1 =	sshrl.u32 s1, $0x2  }
0xbb: {  	s3 =	sand.u32 $0x4000, s31;
	s1 =	sadd.s32 s1, s30  }
0xbc: {  	s0 =	sor.u32 s3, s0;
	s1 =	sshll.u32 s1, $0x11  }
0xbd: {  	s0 =	sor.u32 s1, s0  }
0xbe: {  	s0 =	sadd.s32 $0x8F2B, s0  }
0xbf: {  	[sflag:s0] =	ssyncadd.remote.s32 $0x1  }
0xc0: {  	_ =	sfence.sel $0xFFFF  }
0xc1: {  	[dreg:$0x0] =	wrdreg $0xFFFFFFFF;
	(pc) =	sbr.abs _section_cstart, $3  }
0xc2: {  	[dreg:$0x1] =	wrdreg $0xFFFFFFFF  }
0xc3: {  	_ =	task.clear_ibuf [dreg:s8], $0x2FFFF;
	_ =	strace $0x9FFFFFFF  }
0xc4: {  	(tm) =	ssettm $0x7FFFFFFF  }
0xc5: {  	_ =	shalt  }
tec
execute0_lowered:
.L_overlay_start_1:
0x0: {  	(tag) =	ssettag $0x1  }
0x1: {  	s0 =	rddreg [dreg:$0x1];
	s16 =	srdreg.scid  }
0x2: {  	s7 =	stileid.u32;
	[dreg:$0x5] =	wrdreg s0;
	s0 =	sand.u32 $0x1, s16  }
0x3: {  	s1 =	rddreg [dreg:$0x0];
	s4 =	sshll.u32 s7, $0x9;
	s5 =	sshll.u32 s0, $0x8  }
0x4: {  	s2 =	rddreg [dreg:$0x2];
	s3 =	simm.s32 $0x0;
	s4 =	sor.u32 s5, s4  }
0x5: {  	[smem:$0x7FF] =	sst s3;
	s17 =	sadd.s32 $0x1800, s1;
	s1 =	sadd.s32 s4, s1  }
0x6: {  	_ =	strace $0x80000047;
	[dreg:$0x4] =	wrdreg s17;
	s4 =	sadd.s32 $0x1C00, s1  }
0x7: {  	s18 =	sadd.s32 $0x3C00, s1;
	[dreg:$0x6] =	wrdreg s4  }
0x8: {  	s19 =	sadd.s32 $0x5C00, s1;
	[dreg:$0x7] =	wrdreg s18  }
0x9: {  	s20 =	sadd.s32 $0x7C00, s1;
	[dreg:$0x8] =	wrdreg s19  }
0xa: {  	s21 =	sadd.s32 $0x9C00, s1;
	[dreg:$0x9] =	wrdreg s20  }
0xb: {  	s22 =	sadd.s32 $0xBC00, s1;
	[dreg:$0xa] =	wrdreg s21  }
0xc: {  	s23 =	sadd.s32 $0xDC00, s1;
	[dreg:$0xb] =	wrdreg s22  }
0xd: {  	s24 =	sadd.s32 $0xFC00, s1;
	[dreg:$0xc] =	wrdreg s23  }
0xe: {  	s25 =	sadd.s32 $0x11C00, s1;
	[dreg:$0xd] =	wrdreg s24  }
0xf: {  	s26 =	sadd.s32 $0x13C00, s1;
	[dreg:$0xe] =	wrdreg s25  }
0x10: {  	s5 =	sadd.s32 $0x15C00, s1;
	[dreg:$0xf] =	wrdreg s26  }
0x11: {  	s6 =	sadd.s32 $0x17C00, s1;
	[dreg:$0x10] =	wrdreg s5  }
0x12: {  	s8 =	sadd.s32 $0x19C00, s1;
	[dreg:$0x11] =	wrdreg s6  }
0x13: {  	s9 =	sadd.s32 $0x1BC00, s1;
	[dreg:$0x12] =	wrdreg s8  }
0x14: {  	s10 =	sadd.s32 $0x1DC00, s1;
	[dreg:$0x13] =	wrdreg s9  }
0x15: {  	s11 =	sadd.s32 $0x1FC00, s1;
	[dreg:$0x14] =	wrdreg s10  }
0x16: {  	s12 =	sadd.s32 $0x21C00, s1;
	[dreg:$0x15] =	wrdreg s11  }
0x17: {  	s13 =	sadd.s32 $0x23C00, s1;
	[dreg:$0x16] =	wrdreg s12  }
0x18: {  	s14 =	sadd.s32 $0x25C00, s1;
	[dreg:$0x17] =	wrdreg s13  }
0x19: {  	s28 =	simm.s32 $0x7F80;
	s15 =	sadd.s32 $0x27C00, s1;
	[dreg:$0x18] =	wrdreg s14  }
0x1a: {  	s29 =	simm.s32 $0x8780;
	s16 =	sadd.s32 $0x29C00, s1;
	[dreg:$0x19] =	wrdreg s15  }
0x1b: {  	s30 =	simm.s32 $0x8F80;
	s17 =	sadd.s32 $0x2BC00, s1;
	[dreg:$0x1a] =	wrdreg s16  }
0x1c: {  	s31 =	simm.s32 $0x9780;
	[dreg:$0x1b] =	wrdreg s17;
	s18 =	sadd.s32 $0x2DC00, s1  }
0x1d: {  	s19 =	sadd.s32 $0x2FC00, s1;
	s20 =	sadd.s32 $0x31C00, s1;
	s21 =	ssub.s32 $0x2, s0  }
0x1e: {  	v12 =	vlaneseq.u32;
	s22 =	sadd.s32 $0x33C00, s1;
	s23 =	sadd.s32 $0x35C00, s1;
	[dreg:$0x1c] =	wrdreg s18  }
0x1f: {  	v0 =	vand.u32 $0x7, v12;
	s24 =	sadd.s32 $0x37C00, s1;
	s0 =	sshll.u32 s0, $0x3;
	[dreg:$0x1d] =	wrdreg s19  }
0x20: {  	v2 =	vmov s7;
	v5 =	vshrl.u32 v12, $0x3;
	v12 =	vor.u32 $0x8, v12;
	s25 =	sadd.s32 $0x39C00, s1;
	s26 =	sadd.s32 $0xFFFFFFFF, s7;
	[dreg:$0x1e] =	wrdreg s20  }
0x21: {  	v7 =	vor.u32 $0x2, v5;
	v8 =	vor.u32 $0x4, v5;
	v9 =	vor.u32 $0x6, v5;
	s1 =	sadd.s32 $0x3BC00, s1;
	s17 =	simm.s32 $0x1;
	[dreg:$0x1f] =	wrdreg s22  }
0x22: {  	v10 =	vor.u32 $0x8, v5;
	v11 =	vmul.u32 $0x8, v5;
	v13 =	vor.u32 $0xA, v5;
	s8 =	simm.s32 $0xF780;
	s9 =	simm.s32 $0xFF80;
	[smem:$0x7FA] =	sst s23  }
0x23: {  	v14 =	vor.u32 $0xC, v5;
	v15 =	vor.u32 $0xE, v5;
	v16 =	vor.u32 $0x10, v5;
	s10 =	simm.s32 $0x10780;
	s11 =	simm.s32 $0x2;
	[smem:$0x7FB] =	sst s24  }
0x24: {  	v17 =	vor.u32 $0x12, v5;
	v18 =	vor.u32 $0x14, v5;
	v19 =	vor.u32 $0x16, v5;
	s7 =	simm.s32 $0xB780;
	s6 =	sshrl.u32 s21, $0x1;
	[smem:$0x7FC] =	sst s25  }
0x25: {  	v20 =	vor.u32 $0x18, v5;
	[smem:$0x7FD] =	sst s1;
	v1 =	vor.u32 s0, v0;
	v3 =	vmov s26;
	s22 =	simm.s32 $0x5780;
	s23 =	simm.s32 $0x5F80  }
0x26: {  	v21 =	vor.u32 $0x1A, v5;
	s24 =	simm.s32 $0x6780;
	s25 =	simm.s32 $0x6F80;
	s26 =	simm.s32 $0x7780;
	vm0 =	vgt.s32 v3, $0x0;
	v4 =	vmul.u32 $0x1E, v1  }
0x27: {  	v22 =	vor.u32 $0x1C, v5;
	s0 =	simm.s32 $0x9F80;
	s1 =	simm.s32 $0xA780;
	s5 =	ssub.s32 s21, s6;
	v6 =	vmul.u32 $0x1C2, v1;
	v3 =	vnsel vm0, $0x0, v3  }
0x28: {  	s6 =	simm.s32 $0xAF80;
	s4 =	smax.u32 s5, $0x1;
	s5 =	simm.s32 $0x3;
	vm0 =	vmmov $0xffff;
	v3 =	vbroadcast v3, $0x0;
	v4 =	vadd.s32 $0x1C20, v4  }
.LBB2_1:
0x29: {  	s12 =	rddreg [dreg:$0x4]  }
0x2a: {  	[tilespmem:s3], [sflag:$0x3] =	stream.linear.gather [hbm4b:s12+s3], $0x1E00, $0x38;
	[tilespmem:$0x10F80] =	vst v63  }
0x2b: {  	_ =	swait.ge [sflag:s5], $0x1E00  }
0x2c: {  	[sflag:s5] =	ssyncset.done $0x0  }
0x2d: {  	s13 =	simm.s32 $0x1E00;
	s21 =	rddreg [dreg:$0x5];
	[sflag:s5] =	ssyncadd.s32 $0xFFFFE200  }
0x2e: {  	[tilespmem:s13], [sflag:$0x3] =	stream.linear.gather [hbm4b:s21+s3], $0x10, $0x38;
	[tilespmem:$0x10F80] =	vst v63  }
0x2f: {  	_ =	swait.ge [sflag:s5], $0x10  }
0x30: {  	[sflag:s5] =	ssyncset.done $0x0  }
0x31: {  	[sflag:s5] =	ssyncadd.s32 $0xFFFFFFF0  }
0x32: {  	v23 =	vld.idx.msk [tilespmem:v1+s13+$0x0], $0xffff;
	_ =	sdelay $0x4  }
0x33: {  	vm1 =	vlt.s32 v2, v23  }
0x34: {  	v24 =	vsel vm1, v2, v3  }
0x35: {  	v24 =	vmul.u32 $0x1E, v24;
	_ =	sdelay $0x1  }
0x36: {  	vm1 =	veq.s32 v23, v2;
	v23 =	vadd.s32 v6, v24  }
0x37: {  	v23 =	vsel vm1, v4, v23  }
0x38: {  	v34 =	vor.u32 v5, v23;
	_ =	sdelay $0x4  }
0x39: {  	v24 =	vld.idx.msk [tilespmem:v34+s3+$0x0], $0xffff  }
0x3a: {  	v25 =	vadd.s32 v7, v23;
	_ =	sdelay $0x3  }
0x3b: {  	[tilespmem:$0x1E80] =	vst v24  }
0x3c: {  	v25 =	vld.idx.msk [tilespmem:v25+s3+$0x0], $0xffff  }
0x3d: {  	v26 =	vadd.s32 v8, v23;
	_ =	sdelay $0x3  }
0x3e: {  	[tilespmem:$0x1E90] =	vst v25  }
0x3f: {  	v25 =	vld.idx.msk [tilespmem:v26+s3+$0x0], $0xffff  }
0x40: {  	v35 =	vadd.s32 v9, v23;
	_ =	sdelay $0x3  }
0x41: {  	[tilespmem:$0x1EA0] =	vst v25  }
0x42: {  	v25 =	vld.idx.msk [tilespmem:v35+s3+$0x0], $0xffff  }
0x43: {  	v36 =	vadd.s32 v10, v23  }
0x44: {  	v27 =	vshll.u32 v24, $0x1  }
0x45: {  	v24 =	vand.u32 $0x7, v24;
	v27 =	vand.u32 $0xFFFFFFF0, v27  }
0x46: {  	v24 =	vor.u32 v24, v27  }
0x47: {  	v37 =	vperm.xlane v24, v0;
	[tilespmem:$0x1EB0] =	vst v25  }
0x48: {  	v26 =	vld.idx.msk [tilespmem:v36+s3+$0x0], $0xffff  }
0x49: {  	v24 =	vperm.xlane v24, v12;
	v25 =	vadd.s32 v11, v37;
	_ =	sdelay $0x1  }
0x4a: {  	v24 =	vadd.s32 v11, v24;
	_ =	sdelay $0x1  }
0x4b: {  	s14 =	simm.s32 $0x1F80;
	[tilespmem:$0x1EC0] =	vst v26  }
0x4c: {  	[tilespmem:s14], [sflag:$0x1] =	stream.indirect_vreg.gather [hbm4b:s2+s3], $0x80, v25, vm0, $0xb8;
	[tilespmem:$0x10F80] =	vst v63  }
0x4d: {  	s15 =	simm.s32 $0x2780  }
0x4e: {  	[tilespmem:s15], [sflag:$0x1] =	stream.indirect_vreg.gather [hbm4b:s2+s3], $0x80, v24, vm0, $0xb8;
	[tilespmem:$0x10F80] =	vst v63  }
0x4f: {  	v24 =	vld [tilespmem:$0x1E90];
	_ =	sdelay $0x4  }
0x50: {  	v38 =	vshll.u32 v24, $0x1  }
0x51: {  	v24 =	vand.u32 $0x7, v24;
	v25 =	vand.u32 $0xFFFFFFF0, v38  }
0x52: {  	v24 =	vor.u32 v24, v25  }
0x53: {  	v25 =	vperm.xlane v24, v0;
	_ =	sdelay $0x1  }
0x54: {  	v24 =	vperm.xlane v24, v12;
	v25 =	vadd.s32 v11, v25;
	_ =	sdelay $0x1  }
0x55: {  	v24 =	vadd.s32 v11, v24;
	_ =	sdelay $0x1  }
0x56: {  	s16 =	simm.s32 $0x2F80  }
0x57: {  	[tilespmem:s16], [sflag:$0x1] =	stream.indirect_vreg.gather [hbm4b:s2+s3], $0x80, v25, vm0, $0xb8;
	[tilespmem:$0x10F80] =	vst v63  }
0x58: {  	s18 =	simm.s32 $0x3780  }
0x59: {  	[tilespmem:s18], [sflag:$0x1] =	stream.indirect_vreg.gather [hbm4b:s2+s3], $0x80, v24, vm0, $0xb8;
	[tilespmem:$0x10F80] =	vst v63  }
0x5a: {  	v24 =	vld [tilespmem:$0x1EA0];
	_ =	sdelay $0x4  }
0x5b: {  	v39 =	vshll.u32 v24, $0x1  }
0x5c: {  	v24 =	vand.u32 $0x7, v24;
	v25 =	vand.u32 $0xFFFFFFF0, v39  }
0x5d: {  	v24 =	vor.u32 v24, v25  }
0x5e: {  	v25 =	vperm.xlane v24, v0;
	_ =	sdelay $0x1  }
0x5f: {  	v24 =	vperm.xlane v24, v12;
	v25 =	vadd.s32 v11, v25;
	_ =	sdelay $0x1  }
0x60: {  	v24 =	vadd.s32 v11, v24;
	_ =	sdelay $0x1  }
0x61: {  	s19 =	simm.s32 $0x3F80  }
0x62: {  	[tilespmem:s19], [sflag:$0x1] =	stream.indirect_vreg.gather [hbm4b:s2+s3], $0x80, v25, vm0, $0xb8;
	[tilespmem:$0x10F80] =	vst v63  }
0x63: {  	s20 =	simm.s32 $0x4780  }
0x64: {  	[tilespmem:s20], [sflag:$0x1] =	stream.indirect_vreg.gather [hbm4b:s2+s3], $0x80, v24, vm0, $0xb8;
	[tilespmem:$0x10F80] =	vst v63  }
0x65: {  	v24 =	vld [tilespmem:$0x1EB0];
	_ =	sdelay $0x4  }
0x66: {  	v40 =	vshll.u32 v24, $0x1  }
0x67: {  	v24 =	vand.u32 $0x7, v24;
	v25 =	vand.u32 $0xFFFFFFF0, v40  }
0x68: {  	v24 =	vor.u32 v24, v25  }
0x69: {  	v25 =	vperm.xlane v24, v0;
	_ =	sdelay $0x1  }
0x6a: {  	v24 =	vperm.xlane v24, v12;
	v25 =	vadd.s32 v11, v25;
	_ =	sdelay $0x1  }
0x6b: {  	v24 =	vadd.s32 v11, v24;
	_ =	sdelay $0x1  }
0x6c: {  	s21 =	simm.s32 $0x4F80  }
0x6d: {  	[tilespmem:s21], [sflag:$0x1] =	stream.indirect_vreg.gather [hbm4b:s2+s3], $0x80, v25, vm0, $0xb8;
	[tilespmem:$0x10F80] =	vst v63  }
0x6e: {  	_ = 	snop  }
0x6f: {  	[tilespmem:s22], [sflag:$0x1] =	stream.indirect_vreg.gather [hbm4b:s2+s3], $0x80, v24, vm0, $0xb8;
	[tilespmem:$0x10F80] =	vst v63  }
0x70: {  	v24 =	vld [tilespmem:$0x1EC0];
	_ =	sdelay $0x4  }
0x71: {  	v41 =	vshll.u32 v24, $0x1  }
0x72: {  	v24 =	vand.u32 $0x7, v24;
	v25 =	vand.u32 $0xFFFFFFF0, v41  }
0x73: {  	v24 =	vor.u32 v24, v25  }
0x74: {  	v25 =	vperm.xlane v24, v0;
	_ =	sdelay $0x1  }
0x75: {  	v24 =	vperm.xlane v24, v12;
	v25 =	vadd.s32 v11, v25;
	_ =	sdelay $0x1  }
0x76: {  	v24 =	vadd.s32 v11, v24;
	_ =	sdelay $0x2  }
0x77: {  	[tilespmem:s23], [sflag:$0x1] =	stream.indirect_vreg.gather [hbm4b:s2+s3], $0x80, v25, vm0, $0xb8;
	[tilespmem:$0x10F80] =	vst v63  }
0x78: {  	v42 =	vadd.s32 v13, v23  }
0x79: {  	[tilespmem:s24], [sflag:$0x1] =	stream.indirect_vreg.gather [hbm4b:s2+s3], $0x80, v24, vm0, $0xb8;
	[tilespmem:$0x10F80] =	vst v63  }
0x7a: {  	_ =	swait.ge [sflag:s17], $0x5000  }
0x7b: {  	[sflag:s17] =	ssyncset.done $0x0  }
0x7c: {  	[sflag:s17] =	ssyncadd.s32 $0xFFFFB000  }
0x7d: {  	v43 =	vld.idx.msk [tilespmem:v42+s3+$0x0], $0xffff  }
0x7e: {  	v44 =	vadd.s32 v14, v23;
	_ =	sdelay $0x3  }
0x7f: {  	[tilespmem:$0x1ED0] =	vst v43  }
0x80: {  	v25 =	vld.idx.msk [tilespmem:v44+s3+$0x0], $0xffff  }
0x81: {  	v45 =	vadd.s32 v15, v23;
	_ =	sdelay $0x3  }
0x82: {  	[tilespmem:$0x1EE0] =	vst v25  }
0x83: {  	v25 =	vld.idx.msk [tilespmem:v45+s3+$0x0], $0xffff  }
0x84: {  	v46 =	vadd.s32 v16, v23;
	_ =	sdelay $0x3  }
0x85: {  	[tilespmem:$0x1EF0] =	vst v25  }
0x86: {  	v25 =	vld.idx.msk [tilespmem:v46+s3+$0x0], $0xffff  }
0x87: {  	v47 =	vadd.s32 v17, v23  }
0x88: {  	v48 =	vshll.u32 v43, $0x1  }
0x89: {  	v24 =	vand.u32 $0x7, v43;
	v27 =	vand.u32 $0xFFFFFFF0, v48  }
0x8a: {  	v24 =	vor.u32 v24, v27  }
0x8b: {  	v49 =	vperm.xlane v24, v0;
	[tilespmem:$0x1F00] =	vst v25  }
0x8c: {  	v26 =	vld.idx.msk [tilespmem:v47+s3+$0x0], $0xffff  }
0x8d: {  	v24 =	vperm.xlane v24, v12;
	v25 =	vadd.s32 v11, v49;
	_ =	sdelay $0x1  }
0x8e: {  	v24 =	vadd.s32 v11, v24;
	_ =	sdelay $0x1  }
0x8f: {  	[tilespmem:$0x1F10] =	vst v26  }
0x90: {  	[tilespmem:s25], [sflag:$0x1] =	stream.indirect_vreg.gather [hbm4b:s2+s3], $0x80, v25, vm0, $0xb8;
	[tilespmem:$0x10F80] =	vst v63  }
0x91: {  	_ = 	snop  }
0x92: {  	[tilespmem:s26], [sflag:$0x1] =	stream.indirect_vreg.gather [hbm4b:s2+s3], $0x80, v24, vm0, $0xb8;
	[tilespmem:$0x10F80] =	vst v63  }
0x93: {  	v24 =	vld [tilespmem:$0x1EE0];
	_ =	sdelay $0x4  }
0x94: {  	v50 =	vshll.u32 v24, $0x1  }
0x95: {  	v24 =	vand.u32 $0x7, v24;
	v25 =	vand.u32 $0xFFFFFFF0, v50  }
0x96: {  	v24 =	vor.u32 v24, v25  }
0x97: {  	v25 =	vperm.xlane v24, v0;
	_ =	sdelay $0x1  }
0x98: {  	v24 =	vperm.xlane v24, v12;
	v25 =	vadd.s32 v11, v25;
	_ =	sdelay $0x1  }
0x99: {  	v24 =	vadd.s32 v11, v24;
	_ =	sdelay $0x2  }
0x9a: {  	[tilespmem:s28], [sflag:$0x1] =	stream.indirect_vreg.gather [hbm4b:s2+s3], $0x80, v25, vm0, $0xb8;
	[tilespmem:$0x10F80] =	vst v63  }
0x9b: {  	_ = 	snop  }
0x9c: {  	[tilespmem:s29], [sflag:$0x1] =	stream.indirect_vreg.gather [hbm4b:s2+s3], $0x80, v24, vm0, $0xb8;
	[tilespmem:$0x10F80] =	vst v63  }
0x9d: {  	v24 =	vld [tilespmem:$0x1EF0];
	_ =	sdelay $0x4  }
0x9e: {  	v51 =	vshll.u32 v24, $0x1  }
0x9f: {  	v24 =	vand.u32 $0x7, v24;
	v25 =	vand.u32 $0xFFFFFFF0, v51  }
0xa0: {  	v24 =	vor.u32 v24, v25  }
0xa1: {  	v25 =	vperm.xlane v24, v0;
	_ =	sdelay $0x1  }
0xa2: {  	v24 =	vperm.xlane v24, v12;
	v25 =	vadd.s32 v11, v25;
	_ =	sdelay $0x1  }
0xa3: {  	v24 =	vadd.s32 v11, v24;
	_ =	sdelay $0x2  }
0xa4: {  	[tilespmem:s30], [sflag:$0x1] =	stream.indirect_vreg.gather [hbm4b:s2+s3], $0x80, v25, vm0, $0xb8;
	[tilespmem:$0x10F80] =	vst v63  }
0xa5: {  	_ = 	snop  }
0xa6: {  	[tilespmem:s31], [sflag:$0x1] =	stream.indirect_vreg.gather [hbm4b:s2+s3], $0x80, v24, vm0, $0xb8;
	[tilespmem:$0x10F80] =	vst v63  }
0xa7: {  	v24 =	vld [tilespmem:$0x1F00];
	_ =	sdelay $0x4  }
0xa8: {  	v52 =	vshll.u32 v24, $0x1  }
0xa9: {  	v24 =	vand.u32 $0x7, v24;
	v25 =	vand.u32 $0xFFFFFFF0, v52  }
0xaa: {  	v24 =	vor.u32 v24, v25  }
0xab: {  	v25 =	vperm.xlane v24, v0;
	_ =	sdelay $0x1  }
0xac: {  	v24 =	vperm.xlane v24, v12;
	v25 =	vadd.s32 v11, v25;
	_ =	sdelay $0x1  }
0xad: {  	v24 =	vadd.s32 v11, v24;
	_ =	sdelay $0x2  }
0xae: {  	[tilespmem:s0], [sflag:$0x1] =	stream.indirect_vreg.gather [hbm4b:s2+s3], $0x80, v25, vm0, $0xb8;
	[tilespmem:$0x10F80] =	vst v63  }
0xaf: {  	_ = 	snop  }
0xb0: {  	[tilespmem:s1], [sflag:$0x1] =	stream.indirect_vreg.gather [hbm4b:s2+s3], $0x80, v24, vm0, $0xb8;
	[tilespmem:$0x10F80] =	vst v63  }
0xb1: {  	v24 =	vld [tilespmem:$0x1F10];
	_ =	sdelay $0x4  }
0xb2: {  	v53 =	vshll.u32 v24, $0x1  }
0xb3: {  	v24 =	vand.u32 $0x7, v24;
	v25 =	vand.u32 $0xFFFFFFF0, v53  }
0xb4: {  	v24 =	vor.u32 v24, v25  }
0xb5: {  	v25 =	vperm.xlane v24, v0;
	_ =	sdelay $0x1  }
0xb6: {  	v24 =	vperm.xlane v24, v12;
	v25 =	vadd.s32 v11, v25;
	_ =	sdelay $0x1  }
0xb7: {  	v24 =	vadd.s32 v11, v24;
	_ =	sdelay $0x2  }
0xb8: {  	[tilespmem:s6], [sflag:$0x1] =	stream.indirect_vreg.gather [hbm4b:s2+s3], $0x80, v25, vm0, $0xb8;
	[tilespmem:$0x10F80] =	vst v63  }
0xb9: {  	_ = 	snop  }
0xba: {  	[tilespmem:s7], [sflag:$0x1] =	stream.indirect_vreg.gather [hbm4b:s2+s3], $0x80, v24, vm0, $0xb8;
	[tilespmem:$0x10F80] =	vst v63  }
0xbb: {  	s12 =	rddreg [dreg:$0x6]  }
0xbc: {  	[hbm4b:s12+s3] =	stream.linear.scatter [tilespmem:s14], [sflag:$0x2], $0x800, $0x38;
	[tilespmem:$0x10F80] =	vst v63  }
0xbd: {  	s13 =	rddreg [dreg:$0x7]  }
0xbe: {  	[hbm4b:s13+s3] =	stream.linear.scatter [tilespmem:s15], [sflag:$0x2], $0x800, $0x38;
	[tilespmem:$0x10F80] =	vst v63  }
0xbf: {  	s12 =	rddreg [dreg:$0x8]  }
0xc0: {  	[hbm4b:s12+s3] =	stream.linear.scatter [tilespmem:s16], [sflag:$0x2], $0x800, $0x38;
	[tilespmem:$0x10F80] =	vst v63  }
0xc1: {  	s14 =	rddreg [dreg:$0x9]  }
0xc2: {  	[hbm4b:s14+s3] =	stream.linear.scatter [tilespmem:s18], [sflag:$0x2], $0x800, $0x38;
	[tilespmem:$0x10F80] =	vst v63  }
0xc3: {  	s15 =	rddreg [dreg:$0xa]  }
0xc4: {  	[hbm4b:s15+s3] =	stream.linear.scatter [tilespmem:s19], [sflag:$0x2], $0x800, $0x38;
	[tilespmem:$0x10F80] =	vst v63  }
0xc5: {  	s16 =	rddreg [dreg:$0xb]  }
0xc6: {  	[hbm4b:s16+s3] =	stream.linear.scatter [tilespmem:s20], [sflag:$0x2], $0x800, $0x38;
	[tilespmem:$0x10F80] =	vst v63  }
0xc7: {  	s18 =	rddreg [dreg:$0xc]  }
0xc8: {  	[hbm4b:s18+s3] =	stream.linear.scatter [tilespmem:s21], [sflag:$0x2], $0x800, $0x38;
	[tilespmem:$0x10F80] =	vst v63  }
0xc9: {  	s19 =	rddreg [dreg:$0xd]  }
0xca: {  	[hbm4b:s19+s3] =	stream.linear.scatter [tilespmem:s22], [sflag:$0x2], $0x800, $0x38;
	[tilespmem:$0x10F80] =	vst v63  }
0xcb: {  	s20 =	rddreg [dreg:$0xe]  }
0xcc: {  	[hbm4b:s20+s3] =	stream.linear.scatter [tilespmem:s23], [sflag:$0x2], $0x800, $0x38;
	[tilespmem:$0x10F80] =	vst v63  }
0xcd: {  	v54 =	vadd.s32 v18, v23;
	s21 =	rddreg [dreg:$0xf]  }
0xce: {  	[hbm4b:s21+s3] =	stream.linear.scatter [tilespmem:s24], [sflag:$0x2], $0x800, $0x38;
	[tilespmem:$0x10F80] =	vst v63  }
0xcf: {  	_ =	swait.ge [sflag:s17], $0x5000  }
0xd0: {  	[sflag:s17] =	ssyncset.done $0x0  }
0xd1: {  	[sflag:s17] =	ssyncadd.s32 $0xFFFFB000  }
0xd2: {  	v24 =	vld.idx.msk [tilespmem:v54+s3+$0x0], $0xffff  }
0xd3: {  	v55 =	vadd.s32 v19, v23;
	_ =	sdelay $0x3  }
0xd4: {  	[tilespmem:$0x1F20] =	vst v24  }
0xd5: {  	v25 =	vld.idx.msk [tilespmem:v55+s3+$0x0], $0xffff  }
0xd6: {  	v56 =	vadd.s32 v20, v23;
	_ =	sdelay $0x3  }
0xd7: {  	[tilespmem:$0x1F30] =	vst v25  }
0xd8: {  	v25 =	vld.idx.msk [tilespmem:v56+s3+$0x0], $0xffff  }
0xd9: {  	v57 =	vadd.s32 v21, v23;
	_ =	sdelay $0x3  }
0xda: {  	[tilespmem:$0x1F40] =	vst v25  }
0xdb: {  	v25 =	vld.idx.msk [tilespmem:v57+s3+$0x0], $0xffff  }
0xdc: {  	v23 =	vadd.s32 v22, v23  }
0xdd: {  	v58 =	vshll.u32 v24, $0x1  }
0xde: {  	v24 =	vand.u32 $0x7, v24;
	v26 =	vand.u32 $0xFFFFFFF0, v58  }
0xdf: {  	v24 =	vor.u32 v24, v26  }
0xe0: {  	v59 =	vperm.xlane v24, v0;
	[tilespmem:$0x1F50] =	vst v25  }
0xe1: {  	v23 =	vld.idx.msk [tilespmem:v23+s3+$0x0], $0xffff  }
0xe2: {  	v24 =	vperm.xlane v24, v12;
	v25 =	vadd.s32 v11, v59;
	_ =	sdelay $0x1  }
0xe3: {  	v24 =	vadd.s32 v11, v24;
	_ =	sdelay $0x1  }
0xe4: {  	s14 =	simm.s32 $0xBF80;
	[tilespmem:$0x1F60] =	vst v23  }
0xe5: {  	[tilespmem:s14], [sflag:$0x1] =	stream.indirect_vreg.gather [hbm4b:s2+s3], $0x80, v25, vm0, $0xb8;
	[tilespmem:$0x10F80] =	vst v63  }
0xe6: {  	s15 =	simm.s32 $0xC780  }
0xe7: {  	[tilespmem:s15], [sflag:$0x1] =	stream.indirect_vreg.gather [hbm4b:s2+s3], $0x80, v24, vm0, $0xb8;
	[tilespmem:$0x10F80] =	vst v63  }
0xe8: {  	v23 =	vld [tilespmem:$0x1F30];
	_ =	sdelay $0x4  }
0xe9: {  	v60 =	vshll.u32 v23, $0x1  }
0xea: {  	v23 =	vand.u32 $0x7, v23;
	v24 =	vand.u32 $0xFFFFFFF0, v60  }
0xeb: {  	v23 =	vor.u32 v23, v24  }
0xec: {  	v24 =	vperm.xlane v23, v0;
	_ =	sdelay $0x1  }
0xed: {  	v23 =	vperm.xlane v23, v12;
	v24 =	vadd.s32 v11, v24;
	_ =	sdelay $0x1  }
0xee: {  	v23 =	vadd.s32 v11, v23;
	_ =	sdelay $0x1  }
0xef: {  	s16 =	simm.s32 $0xCF80  }
0xf0: {  	[tilespmem:s16], [sflag:$0x1] =	stream.indirect_vreg.gather [hbm4b:s2+s3], $0x80, v24, vm0, $0xb8;
	[tilespmem:$0x10F80] =	vst v63  }
0xf1: {  	s18 =	simm.s32 $0xD780  }
0xf2: {  	[tilespmem:s18], [sflag:$0x1] =	stream.indirect_vreg.gather [hbm4b:s2+s3], $0x80, v23, vm0, $0xb8;
	[tilespmem:$0x10F80] =	vst v63  }
0xf3: {  	v23 =	vld [tilespmem:$0x1F40];
	_ =	sdelay $0x4  }
0xf4: {  	v61 =	vshll.u32 v23, $0x1  }
0xf5: {  	v23 =	vand.u32 $0x7, v23;
	v24 =	vand.u32 $0xFFFFFFF0, v61  }
0xf6: {  	v23 =	vor.u32 v23, v24  }
0xf7: {  	v24 =	vperm.xlane v23, v0;
	_ =	sdelay $0x1  }
0xf8: {  	v23 =	vperm.xlane v23, v12;
	v24 =	vadd.s32 v11, v24;
	_ =	sdelay $0x1  }
0xf9: {  	v23 =	vadd.s32 v11, v23;
	_ =	sdelay $0x1  }
0xfa: {  	s19 =	simm.s32 $0xDF80  }
0xfb: {  	[tilespmem:s19], [sflag:$0x1] =	stream.indirect_vreg.gather [hbm4b:s2+s3], $0x80, v24, vm0, $0xb8;
	[tilespmem:$0x10F80] =	vst v63  }
0xfc: {  	s20 =	simm.s32 $0xE780  }
0xfd: {  	[tilespmem:s20], [sflag:$0x1] =	stream.indirect_vreg.gather [hbm4b:s2+s3], $0x80, v23, vm0, $0xb8;
	[tilespmem:$0x10F80] =	vst v63  }
0xfe: {  	v23 =	vld [tilespmem:$0x1F50];
	_ =	sdelay $0x4  }
0xff: {  	v62 =	vshll.u32 v23, $0x1  }
0x100: {  	v23 =	vand.u32 $0x7, v23;
	v24 =	vand.u32 $0xFFFFFFF0, v62  }
0x101: {  	v23 =	vor.u32 v23, v24  }
0x102: {  	v24 =	vperm.xlane v23, v0;
	_ =	sdelay $0x1  }
0x103: {  	v23 =	vperm.xlane v23, v12;
	v24 =	vadd.s32 v11, v24;
	_ =	sdelay $0x1  }
0x104: {  	v23 =	vadd.s32 v11, v23;
	_ =	sdelay $0x1  }
0x105: {  	s21 =	simm.s32 $0xEF80  }
0x106: {  	[tilespmem:s21], [sflag:$0x1] =	stream.indirect_vreg.gather [hbm4b:s2+s3], $0x80, v24, vm0, $0xb8;
	[tilespmem:$0x10F80] =	vst v63  }
0x107: {  	_ = 	snop  }
0x108: {  	[tilespmem:s8], [sflag:$0x1] =	stream.indirect_vreg.gather [hbm4b:s2+s3], $0x80, v23, vm0, $0xb8;
	[tilespmem:$0x10F80] =	vst v63  }
0x109: {  	v23 =	vld [tilespmem:$0x1F60];
	_ =	sdelay $0x4  }
0x10a: {  	v63 =	vshll.u32 v23, $0x1  }
0x10b: {  	v23 =	vand.u32 $0x7, v23;
	v24 =	vand.u32 $0xFFFFFFF0, v63  }
0x10c: {  	v23 =	vor.u32 v23, v24  }
0x10d: {  	v24 =	vperm.xlane v23, v0;
	_ =	sdelay $0x1  }
0x10e: {  	v23 =	vperm.xlane v23, v12;
	v24 =	vadd.s32 v11, v24;
	_ =	sdelay $0x1  }
0x10f: {  	v23 =	vadd.s32 v11, v23;
	_ =	sdelay $0x2  }
0x110: {  	[tilespmem:s9], [sflag:$0x1] =	stream.indirect_vreg.gather [hbm4b:s2+s3], $0x80, v24, vm0, $0xb8;
	[tilespmem:$0x10F80] =	vst v63  }
0x111: {  	_ = 	snop  }
0x112: {  	[tilespmem:s10], [sflag:$0x1] =	stream.indirect_vreg.gather [hbm4b:s2+s3], $0x80, v23, vm0, $0xb8;
	[tilespmem:$0x10F80] =	vst v63  }
0x113: {  	s12 =	rddreg [dreg:$0x10]  }
0x114: {  	[hbm4b:s12+s3] =	stream.linear.scatter [tilespmem:s25], [sflag:$0x2], $0x800, $0x38;
	[tilespmem:$0x10F80] =	vst v63  }
0x115: {  	s13 =	rddreg [dreg:$0x11]  }
0x116: {  	[hbm4b:s13+s3] =	stream.linear.scatter [tilespmem:s26], [sflag:$0x2], $0x800, $0x38;
	[tilespmem:$0x10F80] =	vst v63  }
0x117: {  	s12 =	rddreg [dreg:$0x12]  }
0x118: {  	[hbm4b:s12+s3] =	stream.linear.scatter [tilespmem:s28], [sflag:$0x2], $0x800, $0x38;
	[tilespmem:$0x10F80] =	vst v63  }
0x119: {  	s13 =	rddreg [dreg:$0x13]  }
0x11a: {  	[hbm4b:s13+s3] =	stream.linear.scatter [tilespmem:s29], [sflag:$0x2], $0x800, $0x38;
	[tilespmem:$0x10F80] =	vst v63  }
0x11b: {  	s12 =	rddreg [dreg:$0x14]  }
0x11c: {  	[hbm4b:s12+s3] =	stream.linear.scatter [tilespmem:s30], [sflag:$0x2], $0x800, $0x38;
	[tilespmem:$0x10F80] =	vst v63  }
0x11d: {  	s13 =	rddreg [dreg:$0x15]  }
0x11e: {  	[hbm4b:s13+s3] =	stream.linear.scatter [tilespmem:s31], [sflag:$0x2], $0x800, $0x38;
	[tilespmem:$0x10F80] =	vst v63  }
0x11f: {  	s12 =	rddreg [dreg:$0x16]  }
0x120: {  	[hbm4b:s12+s3] =	stream.linear.scatter [tilespmem:s0], [sflag:$0x2], $0x800, $0x38;
	[tilespmem:$0x10F80] =	vst v63  }
0x121: {  	s13 =	rddreg [dreg:$0x17]  }
0x122: {  	[hbm4b:s13+s3] =	stream.linear.scatter [tilespmem:s1], [sflag:$0x2], $0x800, $0x38;
	[tilespmem:$0x10F80] =	vst v63  }
0x123: {  	s12 =	rddreg [dreg:$0x18]  }
0x124: {  	[hbm4b:s12+s3] =	stream.linear.scatter [tilespmem:s6], [sflag:$0x2], $0x800, $0x38;
	[tilespmem:$0x10F80] =	vst v63  }
0x125: {  	s13 =	rddreg [dreg:$0x19]  }
0x126: {  	[hbm4b:s13+s3] =	stream.linear.scatter [tilespmem:s7], [sflag:$0x2], $0x800, $0x38;
	[tilespmem:$0x10F80] =	vst v63  }
0x127: {  	_ =	swait.ge [sflag:s17], $0x5000  }
0x128: {  	s12 =	rddreg [dreg:$0x1a];
	[sflag:s17] =	ssyncset.done $0x0  }
0x129: {  	s13 =	rddreg [dreg:$0x1b];
	[sflag:s17] =	ssyncadd.s32 $0xFFFFB000  }
0x12a: {  	[hbm4b:s12+s3] =	stream.linear.scatter [tilespmem:s14], [sflag:$0x2], $0x800, $0x38;
	[tilespmem:$0x10F80] =	vst v63  }
0x12b: {  	s12 =	rddreg [dreg:$0x1c]  }
0x12c: {  	[hbm4b:s13+s3] =	stream.linear.scatter [tilespmem:s15], [sflag:$0x2], $0x800, $0x38;
	[tilespmem:$0x10F80] =	vst v63  }
0x12d: {  	s14 =	rddreg [dreg:$0x1d]  }
0x12e: {  	[hbm4b:s12+s3] =	stream.linear.scatter [tilespmem:s16], [sflag:$0x2], $0x800, $0x38;
	[tilespmem:$0x10F80] =	vst v63  }
0x12f: {  	s15 =	rddreg [dreg:$0x1e]  }
0x130: {  	[hbm4b:s14+s3] =	stream.linear.scatter [tilespmem:s18], [sflag:$0x2], $0x800, $0x38;
	[tilespmem:$0x10F80] =	vst v63  }
0x131: {  	s16 =	rddreg [dreg:$0x1f]  }
0x132: {  	[hbm4b:s15+s3] =	stream.linear.scatter [tilespmem:s19], [sflag:$0x2], $0x800, $0x38;
	[tilespmem:$0x10F80] =	vst v63  }
0x133: {  	s18 =	sld [smem:$0x7FA]  }
0x134: {  	[hbm4b:s16+s3] =	stream.linear.scatter [tilespmem:s20], [sflag:$0x2], $0x800, $0x38;
	[tilespmem:$0x10F80] =	vst v63  }
0x135: {  	s19 =	sld [smem:$0x7FB]  }
0x136: {  	[hbm4b:s18+s3] =	stream.linear.scatter [tilespmem:s21], [sflag:$0x2], $0x800, $0x38;
	[tilespmem:$0x10F80] =	vst v63  }
0x137: {  	s20 =	sld [smem:$0x7FC]  }
0x138: {  	[hbm4b:s19+s3] =	stream.linear.scatter [tilespmem:s8], [sflag:$0x2], $0x800, $0x38;
	[tilespmem:$0x10F80] =	vst v63  }
0x139: {  	s21 =	sld [smem:$0x7FD]  }
0x13a: {  	[hbm4b:s20+s3] =	stream.linear.scatter [tilespmem:s9], [sflag:$0x2], $0x800, $0x38;
	[tilespmem:$0x10F80] =	vst v63  }
0x13b: {  	_ = 	snop  }
0x13c: {  	[hbm4b:s21+s3] =	stream.linear.scatter [tilespmem:s10], [sflag:$0x2], $0x800, $0x38;
	[tilespmem:$0x10F80] =	vst v63  }
0x13d: {  	_ =	swait.ge [sflag:s11], $0x800  }
0x13e: {  	[sflag:s11] =	ssyncset.done $0x0  }
0x13f: {  	[sflag:s11] =	ssyncadd.s32 $0xFFFFF800  }
0x140: {  	_ =	swait.ge [sflag:s11], $0x800  }
0x141: {  	[sflag:s11] =	ssyncset.done $0x0  }
0x142: {  	[sflag:s11] =	ssyncadd.s32 $0xFFFFF800  }
0x143: {  	_ =	swait.ge [sflag:s11], $0x800  }
0x144: {  	[sflag:s11] =	ssyncset.done $0x0  }
0x145: {  	[sflag:s11] =	ssyncadd.s32 $0xFFFFF800  }
0x146: {  	_ =	swait.ge [sflag:s11], $0x800  }
0x147: {  	[sflag:s11] =	ssyncset.done $0x0  }
0x148: {  	[sflag:s11] =	ssyncadd.s32 $0xFFFFF800  }
0x149: {  	_ =	swait.ge [sflag:s11], $0x800  }
0x14a: {  	[sflag:s11] =	ssyncset.done $0x0  }
0x14b: {  	[sflag:s11] =	ssyncadd.s32 $0xFFFFF800  }
0x14c: {  	_ =	swait.ge [sflag:s11], $0x800  }
0x14d: {  	[sflag:s11] =	ssyncset.done $0x0  }
0x14e: {  	[sflag:s11] =	ssyncadd.s32 $0xFFFFF800  }
0x14f: {  	_ =	swait.ge [sflag:s11], $0x800  }
0x150: {  	[sflag:s11] =	ssyncset.done $0x0  }
0x151: {  	[sflag:s11] =	ssyncadd.s32 $0xFFFFF800  }
0x152: {  	_ =	swait.ge [sflag:s11], $0x800  }
0x153: {  	[sflag:s11] =	ssyncset.done $0x0  }
0x154: {  	[sflag:s11] =	ssyncadd.s32 $0xFFFFF800  }
0x155: {  	_ =	swait.ge [sflag:s11], $0x800  }
0x156: {  	[sflag:s11] =	ssyncset.done $0x0  }
0x157: {  	[sflag:s11] =	ssyncadd.s32 $0xFFFFF800  }
0x158: {  	_ =	swait.ge [sflag:s11], $0x800  }
0x159: {  	[sflag:s11] =	ssyncset.done $0x0  }
0x15a: {  	[sflag:s11] =	ssyncadd.s32 $0xFFFFF800  }
0x15b: {  	_ =	swait.ge [sflag:s11], $0x800  }
0x15c: {  	[sflag:s11] =	ssyncset.done $0x0  }
0x15d: {  	[sflag:s11] =	ssyncadd.s32 $0xFFFFF800  }
0x15e: {  	_ =	swait.ge [sflag:s11], $0x800  }
0x15f: {  	[sflag:s11] =	ssyncset.done $0x0  }
0x160: {  	[sflag:s11] =	ssyncadd.s32 $0xFFFFF800  }
0x161: {  	_ =	swait.ge [sflag:s11], $0x800  }
0x162: {  	[sflag:s11] =	ssyncset.done $0x0  }
0x163: {  	[sflag:s11] =	ssyncadd.s32 $0xFFFFF800  }
0x164: {  	_ =	swait.ge [sflag:s11], $0x800  }
0x165: {  	[sflag:s11] =	ssyncset.done $0x0  }
0x166: {  	[sflag:s11] =	ssyncadd.s32 $0xFFFFF800  }
0x167: {  	_ =	swait.ge [sflag:s11], $0x800  }
0x168: {  	[sflag:s11] =	ssyncset.done $0x0  }
0x169: {  	[sflag:s11] =	ssyncadd.s32 $0xFFFFF800  }
0x16a: {  	_ =	swait.ge [sflag:s11], $0x800  }
0x16b: {  	[sflag:s11] =	ssyncset.done $0x0  }
0x16c: {  	[sflag:s11] =	ssyncadd.s32 $0xFFFFF800  }
0x16d: {  	_ =	swait.ge [sflag:s11], $0x800  }
0x16e: {  	[sflag:s11] =	ssyncset.done $0x0  }
0x16f: {  	[sflag:s11] =	ssyncadd.s32 $0xFFFFF800  }
0x170: {  	_ =	swait.ge [sflag:s11], $0x800  }
0x171: {  	[sflag:s11] =	ssyncset.done $0x0  }
0x172: {  	[sflag:s11] =	ssyncadd.s32 $0xFFFFF800  }
0x173: {  	_ =	swait.ge [sflag:s11], $0x800  }
0x174: {  	[sflag:s11] =	ssyncset.done $0x0  }
0x175: {  	[sflag:s11] =	ssyncadd.s32 $0xFFFFF800  }
0x176: {  	_ =	swait.ge [sflag:s11], $0x800  }
0x177: {  	[sflag:s11] =	ssyncset.done $0x0  }
0x178: {  	[sflag:s11] =	ssyncadd.s32 $0xFFFFF800  }
0x179: {  	_ =	swait.ge [sflag:s11], $0x800  }
0x17a: {  	[sflag:s11] =	ssyncset.done $0x0  }
0x17b: {  	[sflag:s11] =	ssyncadd.s32 $0xFFFFF800  }
0x17c: {  	_ =	swait.ge [sflag:s11], $0x800  }
0x17d: {  	[sflag:s11] =	ssyncset.done $0x0  }
0x17e: {  	[sflag:s11] =	ssyncadd.s32 $0xFFFFF800  }
0x17f: {  	_ =	swait.ge [sflag:s11], $0x800  }
0x180: {  	[sflag:s11] =	ssyncset.done $0x0  }
0x181: {  	[sflag:s11] =	ssyncadd.s32 $0xFFFFF800  }
0x182: {  	_ =	swait.ge [sflag:s11], $0x800  }
0x183: {  	[sflag:s11] =	ssyncset.done $0x0  }
0x184: {  	[sflag:s11] =	ssyncadd.s32 $0xFFFFF800  }
0x185: {  	_ =	swait.ge [sflag:s11], $0x800  }
0x186: {  	[sflag:s11] =	ssyncset.done $0x0  }
0x187: {  	[sflag:s11] =	ssyncadd.s32 $0xFFFFF800  }
0x188: {  	_ =	swait.ge [sflag:s11], $0x800  }
0x189: {  	[sflag:s11] =	ssyncset.done $0x0  }
0x18a: {  	[sflag:s11] =	ssyncadd.s32 $0xFFFFF800  }
0x18b: {  	_ =	swait.ge [sflag:s11], $0x800  }
0x18c: {  	[sflag:s11] =	ssyncset.done $0x0  }
0x18d: {  	[sflag:s11] =	ssyncadd.s32 $0xFFFFF800  }
0x18e: {  	_ =	swait.ge [sflag:s11], $0x800  }
0x18f: {  	[sflag:s11] =	ssyncset.done $0x0  }
0x190: {  	[sflag:s11] =	ssyncadd.s32 $0xFFFFF800  }
0x191: {  	p0 =	sne.s32 s4, $0x1;
	_ =	swait.ge [sflag:s11], $0x800  }
.Ltmp0:
0x192: {  	[sflag:s11] =	ssyncset.done $0x0;
	(pc) =	sbr.rel @p0 .LBB2_1-.Ltmp0, $4  }
0x193: {  	[sflag:s11] =	ssyncadd.s32 $0xFFFFF800  }
0x194: {  	_ =	swait.ge [sflag:s11], $0x800  }
0x195: {  	[sflag:s11] =	ssyncset.done $0x0  }
0x196: {  	s4 =	sadd.s32 $0xFFFFFFFF, s4;
	[sflag:s11] =	ssyncadd.s32 $0xFFFFF800  }
0x197: {  	_ =	sfence.sel $0x180000  }
0x198: {  	[bflag:$0x0] =	sbarrier.arrive $0xFFFF  }
0x199: {  	_ =	strace $0x90000047  }
0x19a: {  	s0 =	stileid.u32;
	[bflag:$0x2] =	sbarrier.arrive $0xFFFF  }
0x19b: {  	p0 =	sne.s32 s0, $0x0;
	s0 =	rddreg [dreg:$0x3]  }
0x19c: {  	s0 =	sadd.s32 @!p0 $0x100000, s0  }
0x19d: {  	[sflag:s0] =	ssyncadd.tile.s32 @!p0 $0x1;
	_ =	shalt  }
.Lfunc_end2:
_tile_overlayer_lowered:
.L_overlay_start_2:
0x19e: {  	(tag) =	ssettag $0x2  }
0x19f: {  	s0 =	rddreg [dreg:$0x0];
	s2 =	stileid.u32  }
0x1a0: {  	s1 =	rddreg [dreg:$0x1];
	p0 =	sne.s32 s2, $0x0  }
0x1a1: {  	s3 =	rddreg [dreg:$0x2];
	[bflag:$0x3] =	sbarrier.arrive $0xFFFF;
	s2 =	simm.s32 @!p0 $0x1C03  }
0x1a2: {  	[timem:s3], [sflag:s2] =	dma.local @!p0 [hbm:s0], s1  }
0x1a3: {  	s0 =	simm.s32 @!p0 $0x3  }
0x1a4: {  	_ =	swait.ge @!p0 [sflag:s0], s1  }
0x1a5: {  	s1 =	ssub.s32 @!p0 $0x0, s1;
	[sflag:s0] =	ssyncset.done @!p0 $0x0  }
0x1a6: {  	[sflag:s0] =	ssyncadd.s32 @!p0 s1  }
0x1a7: {  	[bflag:$0x3] =	sbarrier.arrive $0xFFFF  }
0x1a8: {  	_ =	shalt  }

</sc_bundles>
